<compile_context>
chip_gen: v7x
topology: tpu7x:2x2x1
jax: 0.10.2.dev20260603
libtpu: 0.0.44.dev20260713+nightly
codegen_flags: <defaults>
</compile_context>

<pallas_src>
import functools

import jax
import jax.numpy as jnp
from jax import lax
from jax.experimental import pallas as pl
from jax.experimental.pallas import tpu as pltpu
from jax.experimental.pallas import tpu_sc as plsc

_B, _T, _D, _M = 16, 512, 384, 4096
_EPS = 1e-5
_L = 16
_CH = 64
_NCH = _M // _CH // 2


_BB = 2


def _predictor_body(x_ref, w1_ref, b1_ref, g1_ref, be1_ref,
                    w2_ref, b2_ref, g2_ref, be2_ref, wo_ref, bo_ref, out_ref):
    def conv(h, w_ref, b):
        h = h.astype(jnp.bfloat16)
        z = jnp.zeros((1, _D), jnp.bfloat16)
        hl = jnp.concatenate([z, h[:-1]], axis=0)
        hr = jnp.concatenate([h[1:], z], axis=0)
        y = (jnp.dot(hl, w_ref[0], preferred_element_type=jnp.float32)
             + jnp.dot(h, w_ref[1], preferred_element_type=jnp.float32)
             + jnp.dot(hr, w_ref[2], preferred_element_type=jnp.float32))
        return y + b

    def ln(h, g, b):
        m = jnp.mean(h, axis=-1, keepdims=True)
        c = h - m
        v = jnp.mean(c * c, axis=-1, keepdims=True)
        return c * lax.rsqrt(v + _EPS) * g + b

    for i in range(_BB):
        h = x_ref[i]
        h = ln(jax.nn.relu(conv(h, w1_ref, b1_ref[0])), g1_ref[0], be1_ref[0])
        h = ln(jax.nn.relu(conv(h, w2_ref, b2_ref[0])), g2_ref[0], be2_ref[0])
        lp = jnp.dot(h, wo_ref[...], preferred_element_type=jnp.float32) + bo_ref[0, 0]
        out_ref[i, 0] = lp[:, 0]


def _regulate_body(x_hbm, dur_hbm, zrows_hbm, zidx_hbm, out_hbm,
                   dur_v, cum_v, idx_v, gbuf0, gbuf1, gbuf2, zbuf,
                   sem_g0, sem_g1, sem_g2, sem_w0, sem_w1, sem_w2, sem_z):
    cid = lax.axis_index("c")
    sid = lax.axis_index("s")
    b = cid * 8 + sid // 2
    half = sid % 2

    pltpu.sync_copy(dur_hbm.at[b], dur_v)

    @pl.when(sid == 0)
    def _():
        pltpu.sync_copy(zrows_hbm, zbuf)

    lane = lax.iota(jnp.int32, _L)
    _full15 = jnp.full((_L,), _L - 1, jnp.int32)
    _dn = lax.GatherDimensionNumbers(offset_dims=(), collapsed_slice_dims=(0,),
                                     start_index_map=(0,))

    def bcast_last(v):
        return lax.gather(v, _full15[:, None], _dn, (1,),
                          mode=lax.GatherScatterMode.PROMISE_IN_BOUNDS)

    def cum_step(t, carry):
        dv = dur_v[pl.ds(t * _L, _L)]
        cs = plsc.cumsum(dv) + carry
        cum_v[pl.ds(t * _L, _L)] = cs
        return bcast_last(cs)

    total_v = lax.fori_loop(0, _T // _L, cum_step,
                            jnp.zeros((_L,), jnp.int32), unroll=False)
    total = jnp.max(total_v)

    nvc = (total + _CH - 1) // _CH
    nv = jnp.maximum((nvc - half + 1) // 2, 0)

    plsc.subcore_barrier()

    def zfire(k, _):
        c = 2 * k + half
        pltpu.async_copy(zbuf, out_hbm.at[b, pl.ds(c * _CH, _CH)], sem_z)
        return 0

    lax.fori_loop(nv, _NCH, zfire, 0, unroll=False)

    pltpu.sync_copy(zidx_hbm, idx_v)

    def scat_step(t, _):
        dv = dur_v[pl.ds(t * _L, _L)]
        cs = cum_v[pl.ds(t * _L, _L)]
        starts = cs - dv
        gi = lane + t * _L
        plsc.store_scatter(idx_v, [jnp.clip(starts, 0, _M - 1)], gi + 1,
                           mask=dv > 0)
        return 0

    lax.fori_loop(0, _T // _L, scat_step, 0, unroll=False)

    def idx_step(i, carry):
        r16 = idx_v[pl.ds(i * _L, _L)]
        cmc = jnp.maximum(plsc.cummax(r16), carry)
        idx_v[pl.ds(i * _L, _L)] = cmc - 1 + b * _T
        return bcast_last(cmc)

    lax.fori_loop(0, nvc * (_CH // _L), idx_step, jnp.zeros((_L,), jnp.int32),
                  unroll=False)

    bufs = ((gbuf0, sem_g0, sem_w0), (gbuf1, sem_g1, sem_w1),
            (gbuf2, sem_g2, sem_w2))

    def issue_gather(k, gbuf, sem_gp):
        off = (2 * k + half) * _CH
        pltpu.async_copy(x_hbm.at[idx_v.at[pl.ds(off, _CH)]], gbuf, sem_gp)

    @pl.when(nv >= 1)
    def _():
        issue_gather(0, gbuf0, sem_g0)

    @pl.when(nv >= 2)
    def _():
        issue_gather(1, gbuf1, sem_g1)

    def gather_step(k, _):
        off = (2 * k + half) * _CH
        rem = total - off

        def run(cur, nxt):
            gbuf, sem_gp, sem_w = cur
            obuf, sem_go, sem_wo = nxt

            @pl.when(k + 2 < nv)
            def _():
                @pl.when(k >= 1)
                def _():
                    pltpu.make_async_copy(x_hbm.at[pl.ds(0, _CH)], obuf, sem_wo).wait()

                issue_gather(k + 2, obuf, sem_go)

            pltpu.make_async_copy(x_hbm.at[pl.ds(0, _CH)], gbuf, sem_gp).wait()

            @pl.when(rem < _CH)
            def _():
                zf = jnp.zeros((_L,), jnp.float32)

                def zrow(r, _):
                    for j in range(_D // _L):
                        gbuf[r, pl.ds(j * _L, _L)] = zf
                    return 0

                lax.fori_loop(rem, _CH, zrow, 0, unroll=False)

            pltpu.async_copy(gbuf, out_hbm.at[b, pl.ds(off, _CH)], sem_w)

        for r in range(3):
            @pl.when(k % 3 == r)
            def _(r=r):
                run(bufs[r], bufs[(r + 2) % 3])

        return 0

    lax.fori_loop(0, nv, gather_step, 0, unroll=False)

    for r in range(3):
        @pl.when(jnp.minimum(nv, 3) > r)
        def _(r=r):
            pltpu.make_async_copy(x_hbm.at[pl.ds(0, _CH)], bufs[r][0], bufs[r][2]).wait()

    def zdrain(k, _):
        pltpu.make_async_copy(x_hbm.at[pl.ds(0, _CH)], zbuf, sem_z).wait()
        return 0

    lax.fori_loop(nv, _NCH, zdrain, 0, unroll=False)


def kernel(x, teacher_durations, mel_spec_length, W1, b1, g1, be1,
           W2, b2, g2, be2, Wo, bo):
    x = x.astype(jnp.float32)

    log_pred = pl.pallas_call(
        _predictor_body,
        grid=(_B // _BB,),
        in_specs=[
            pl.BlockSpec((_BB, _T, _D), lambda i: (i, 0, 0)),
            pl.BlockSpec((3, _D, _D), lambda i: (0, 0, 0)),
            pl.BlockSpec((1, _D), lambda i: (0, 0)),
            pl.BlockSpec((1, _D), lambda i: (0, 0)),
            pl.BlockSpec((1, _D), lambda i: (0, 0)),
            pl.BlockSpec((3, _D, _D), lambda i: (0, 0, 0)),
            pl.BlockSpec((1, _D), lambda i: (0, 0)),
            pl.BlockSpec((1, _D), lambda i: (0, 0)),
            pl.BlockSpec((1, _D), lambda i: (0, 0)),
            pl.BlockSpec((_D, 1), lambda i: (0, 0)),
            pl.BlockSpec((1, 1), lambda i: (0, 0)),
        ],
        out_specs=pl.BlockSpec((_BB, 1, _T), lambda i: (i, 0, 0)),
        out_shape=jax.ShapeDtypeStruct((_B, 1, _T), jnp.float32),
    )(
        x,
        jnp.transpose(W1, (2, 1, 0)).astype(jnp.bfloat16),
        b1.reshape(1, _D), g1.reshape(1, _D), be1.reshape(1, _D),
        jnp.transpose(W2, (2, 1, 0)).astype(jnp.bfloat16),
        b2.reshape(1, _D), g2.reshape(1, _D), be2.reshape(1, _D),
        Wo.astype(jnp.float32),
        bo.reshape(1, 1).astype(jnp.float32),
    )[:, 0, :]

    table = x.reshape(_B * _T, _D)
    dur = teacher_durations.astype(jnp.int32)

    regulate = functools.partial(
        pl.kernel,
        out_type=jax.ShapeDtypeStruct((_B, _M, _D), jnp.float32),
        mesh=plsc.VectorSubcoreMesh(core_axis_name="c", subcore_axis_name="s"),
        scratch_types=[
            pltpu.VMEM((_T,), jnp.int32),
            pltpu.VMEM((_T,), jnp.int32),
            pltpu.VMEM((_M,), jnp.int32),
            pltpu.VMEM((_CH, _D), jnp.float32),
            pltpu.VMEM((_CH, _D), jnp.float32),
            pltpu.VMEM((_CH, _D), jnp.float32),
            pltpu.VMEM_SHARED((_CH, _D), jnp.float32),
            pltpu.SemaphoreType.DMA,
            pltpu.SemaphoreType.DMA,
            pltpu.SemaphoreType.DMA,
            pltpu.SemaphoreType.DMA,
            pltpu.SemaphoreType.DMA,
            pltpu.SemaphoreType.DMA,
            pltpu.SemaphoreType.DMA,
        ],
        compiler_params=pltpu.CompilerParams(needs_layout_passes=False),
    )(_regulate_body)

    x_out = regulate(table, dur, jnp.zeros((_CH, _D), jnp.float32),
                     jnp.zeros((_M,), jnp.int32))
    return (x_out, log_pred)

# --- scband reference (transcript-rebuilt; emitter-appended) ---
"""Pipeline reference for scband-length-regulator-90434831384644 (READ-ONLY COPY).

The authoritative reference and input builder live on the scoring server;
editing this copy changes nothing except your own understanding.
"""

import jax, jax.numpy as jnp
import numpy as np

EPS = 1e-5

def _conv1d(x, W, b):
    # x: [B, T, C], W: [out, in, k]
    y = jax.lax.conv_general_dilated(x, W, window_strides=(1,), padding='SAME', dimension_numbers=('NWC', 'OIW', 'NWC'))
    return y + b

def _ln(h, g, b):
    m = h.mean(-1, keepdims=True)
    v = h.var(-1, keepdims=True)
    return (h - m) / jnp.sqrt(v + EPS) * g + b

def setup_inputs(seed: int = 0) -> dict:
    key = jax.random.key(seed)
    ks = jax.random.split(key, 12)
    B, T, D = 16, 512, 384
    x = jax.random.normal(ks[0], (B, T, D), dtype=jnp.float32)
    teacher_durations = jax.random.randint(ks[1], (B, T), 0, 8)
    W1 = jax.random.normal(ks[2], (D, D, 3), dtype=jnp.float32) * 0.02
    b1 = jnp.zeros((D,), dtype=jnp.float32)
    g1 = jnp.ones((D,), dtype=jnp.float32)
    be1 = jnp.zeros((D,), dtype=jnp.float32)
    W2 = jax.random.normal(ks[3], (D, D, 3), dtype=jnp.float32) * 0.02
    b2 = jnp.zeros((D,), dtype=jnp.float32)
    g2 = jnp.ones((D,), dtype=jnp.float32)
    be2 = jnp.zeros((D,), dtype=jnp.float32)
    Wo = jax.random.normal(ks[4], (D, 1), dtype=jnp.float32) * 0.02
    bo = jnp.zeros((1,), dtype=jnp.float32)
    return {"x": x, "teacher_durations": teacher_durations, "mel_spec_length": 4096,
            "W1": W1, "b1": b1, "g1": g1, "be1": be1,
            "W2": W2, "b2": b2, "g2": g2, "be2": be2,
            "Wo": Wo, "bo": bo}

def reference(x, teacher_durations, mel_spec_length, W1, b1, g1, be1, W2, b2, g2, be2, Wo, bo):
    # ConvNetDurationPredictor (FastSpeech-style, eval mode so dropout is identity)
    h = jax.nn.relu(_conv1d(x, W1, b1))
    h = _ln(h, g1, be1)
    h = jax.nn.relu(_conv1d(h, W2, b2))
    h = _ln(h, g2, be2)
    log_pred = (h @ Wo + bo)[..., 0]  # [B, T]
    # teacher_durations given -> pred_num_timeframes = round(dur * alpha), alpha=1.0
    dur = jnp.round(teacher_durations.astype(jnp.float32) * 1.0).astype(jnp.int32)
    B, T, D = x.shape
    M = 4096  # static value always passed via mel_spec_length
    pos = jnp.arange(M)
    def _regulate(xi, di):
        cum = jnp.cumsum(di)
        total = cum[-1]
        idx = jnp.searchsorted(cum, pos, side='right')
        rep = xi[jnp.clip(idx, 0, T - 1)]
        valid = (pos < total) & (pos < mel_spec_length)
        return jnp.where(valid[:, None], rep, 0.0)
    x_out = jax.vmap(_regulate)(x, dur)  # [B, mel_spec_length, D]
    return (x_out, log_pred)

if __name__ == "__main__":
    import jax
    _d = setup_inputs()
    print(jax.jit(kernel)(*tuple(_d.values())))

</pallas_src>

<mosaic_0001>
#map = affine_map<(d0, d1) -> (0, 0)>
#map1 = affine_map<(d0, d1) -> (0)>
#map2 = affine_map<(d0, d1) -> (0, 0, 0)>
module attributes {stable_mosaic.version = 14 : i64} {
  func.func @_regulate_body(%arg0: i32, %arg1: i32, %arg2: memref<8192x384xf32, #tpu.memory_space<hbm>>, %arg3: memref<16x512xi32, #tpu.memory_space<hbm>>, %arg4: memref<64x384xf32, #tpu.memory_space<hbm>>, %arg5: memref<4096xi32, #tpu.memory_space<hbm>>, %arg6: memref<16x4096x384xf32, #tpu.memory_space<hbm>>, %arg7: memref<512xi32, #tpu.memory_space<vmem>>, %arg8: memref<512xi32, #tpu.memory_space<vmem>>, %arg9: memref<4096xi32, #tpu.memory_space<vmem>>, %arg10: memref<64x384xf32, #tpu.memory_space<vmem>>, %arg11: memref<64x384xf32, #tpu.memory_space<vmem>>, %arg12: memref<64x384xf32, #tpu.memory_space<vmem>>, %arg13: memref<64x384xf32, #tpu.memory_space<vmem_shared>>, %arg14: memref<!tpu.dma_semaphore, #tpu.memory_space<semaphore_mem>>, %arg15: memref<!tpu.dma_semaphore, #tpu.memory_space<semaphore_mem>>, %arg16: memref<!tpu.dma_semaphore, #tpu.memory_space<semaphore_mem>>, %arg17: memref<!tpu.dma_semaphore, #tpu.memory_space<semaphore_mem>>, %arg18: memref<!tpu.dma_semaphore, #tpu.memory_space<semaphore_mem>>, %arg19: memref<!tpu.dma_semaphore, #tpu.memory_space<semaphore_mem>>, %arg20: memref<!tpu.dma_semaphore, #tpu.memory_space<semaphore_mem>>) attributes {dimension_semantics = [#tpu.dimension_semantics<core_parallel>, #tpu.dimension_semantics<subcore_parallel>], iteration_bounds = array<i64: 2, 16>, scalar_prefetch = 0 : i64, scratch_operands = 14 : i64, tpu.core_type = #tpu.core_type<sc_vector_subcore>, window_params = [{transform_indices = #map}, {transform_indices = #map}, {transform_indices = #map}, {transform_indices = #map1}, {transform_indices = #map2}]} {
    %mul3A = arith.constant 8 : i32
    %mul3A_0 = arith.muli %arg0, %mul3A : i32
    %jit3A = arith.constant 2 : i32
    %div3A = arith.divsi %arg1, %jit3A : i32
    %sign3A = arith.constant 0 : i32
    %sign3A_1 = arith.cmpi sgt, %arg1, %sign3A : i32
    %sign3A_2 = arith.extui %sign3A_1 : i1 to i32
    %sign3A_3 = arith.constant 0 : i32
    %sign3A_4 = arith.cmpi slt, %arg1, %sign3A_3 : i32
    %sign3A_5 = arith.extui %sign3A_4 : i1 to i32
    %sign3A_6 = arith.subi %sign3A_2, %sign3A_5 : i32
    %sign3A_7 = arith.constant 0 : i32
    %sign3A_8 = arith.cmpi sgt, %jit3A, %sign3A_7 : i32
    %sign3A_9 = arith.extui %sign3A_8 : i1 to i32
    %sign3A_10 = arith.constant 0 : i32
    %sign3A_11 = arith.cmpi slt, %jit3A, %sign3A_10 : i32
    %sign3A_12 = arith.extui %sign3A_11 : i1 to i32
    %sign3A_13 = arith.subi %sign3A_9, %sign3A_12 : i32
    %ne3A = arith.cmpi ne, %sign3A_6, %sign3A_13 : i32
    %rem3A = arith.remsi %arg1, %jit3A : i32
    %ne3A_14 = arith.constant 0 : i32
    %ne3A_15 = arith.cmpi ne, %rem3A, %ne3A_14 : i32
    %and3A = arith.andi %ne3A, %ne3A_15 : i1
    %sub3A = arith.constant 1 : i32
    %sub3A_16 = arith.subi %div3A, %sub3A : i32
    %select_n3A = arith.select %and3A, %sub3A_16, %div3A : i32
    %add3A = arith.addi %mul3A_0, %select_n3A : i32
    %jit3A_17 = arith.constant 2 : i32
    %eq3A = arith.constant 0 : i32
    %eq3A_18 = arith.cmpi eq, %jit3A_17, %eq3A : i32
    %jit3A_19 = arith.constant 1 : i32
    %select_n3A_20 = arith.select %eq3A_18, %jit3A_19, %jit3A_17 : i32
    %rem3A_21 = arith.remsi %arg1, %select_n3A_20 : i32
    %ne3A_22 = arith.constant 0 : i32
    %ne3A_23 = arith.cmpi ne, %rem3A_21, %ne3A_22 : i32
    %lt3A = arith.constant 0 : i32
    %lt3A_24 = arith.cmpi slt, %rem3A_21, %lt3A : i32
    %lt3A_25 = arith.constant 0 : i32
    %lt3A_26 = arith.cmpi slt, %select_n3A_20, %lt3A_25 : i32
    %ne3A_27 = arith.xori %lt3A_24, %lt3A_26 : i1
    %and3A_28 = arith.andi %ne3A_27, %ne3A_23 : i1
    %add3A_29 = arith.addi %rem3A_21, %select_n3A_20 : i32
    %select_n3A_30 = arith.select %and3A_28, %add3A_29, %rem3A_21 : i32
    "tpu.region"() ({
      %run_scoped3A = tpu.sem_alloc : memref<!tpu.dma_semaphore, #tpu.memory_space<semaphore_mem>>
      %dma_start3A = arith.constant 0 : i32
      %dma_start3A_190 = tpu.memref_slice %arg3[%add3A, %dma_start3A] : memref<16x512xi32, #tpu.memory_space<hbm>> -> memref<1x512xi32, #tpu.memory_space<hbm>>
      %dma_start3A_191 = tpu.memref_squeeze %dma_start3A_190 : memref<1x512xi32, #tpu.memory_space<hbm>> -> memref<512xi32, #tpu.memory_space<hbm>>
      %dma_start3A_192 = arith.constant 0 : i32
      %dma_start3A_193 = tpu.memref_slice %arg3[%add3A, %dma_start3A_192] : memref<16x512xi32, #tpu.memory_space<hbm>> -> memref<1x512xi32, #tpu.memory_space<hbm>>
      %dma_start3A_194 = tpu.memref_squeeze %dma_start3A_193 : memref<1x512xi32, #tpu.memory_space<hbm>> -> memref<512xi32, #tpu.memory_space<hbm>>
      tpu.enqueue_dma source(%dma_start3A_194 : memref<512xi32, #tpu.memory_space<hbm>>) target(%arg7 : memref<512xi32, #tpu.memory_space<vmem>>) target_semaphore(%run_scoped3A : memref<!tpu.dma_semaphore, #tpu.memory_space<semaphore_mem>>)
      %dma_wait3A = arith.constant 0 : i32
      %dma_wait3A_195 = tpu.memref_slice %arg3[%add3A, %dma_wait3A] : memref<16x512xi32, #tpu.memory_space<hbm>> -> memref<1x512xi32, #tpu.memory_space<hbm>>
      %dma_wait3A_196 = tpu.memref_squeeze %dma_wait3A_195 : memref<1x512xi32, #tpu.memory_space<hbm>> -> memref<512xi32, #tpu.memory_space<hbm>>
      %dma_wait3A_197 = arith.constant 0 : i32
      %dma_wait3A_198 = tpu.memref_slice %arg3[%add3A, %dma_wait3A_197] : memref<16x512xi32, #tpu.memory_space<hbm>> -> memref<1x512xi32, #tpu.memory_space<hbm>>
      %dma_wait3A_199 = tpu.memref_squeeze %dma_wait3A_198 : memref<1x512xi32, #tpu.memory_space<hbm>> -> memref<512xi32, #tpu.memory_space<hbm>>
      tpu.wait_dma2 semaphore(%run_scoped3A : memref<!tpu.dma_semaphore, #tpu.memory_space<semaphore_mem>>) src(%dma_wait3A_199 : memref<512xi32, #tpu.memory_space<hbm>>) dst(%arg7 : memref<512xi32, #tpu.memory_space<vmem>>)
      tpu.yield
    }) : () -> ()
    %eq3A_31 = arith.constant 0 : i32
    %eq3A_32 = arith.cmpi eq, %arg1, %eq3A_31 : i32
    %convert_element_type3A = arith.extui %eq3A_32 : i1 to i32
    %cond3A = arith.constant 0 : i32
    %cond3A_33 = arith.cmpi ne, %convert_element_type3A, %cond3A : i32
    scf.if %cond3A_33 {
      "tpu.region"() ({
        %run_scoped3A = tpu.sem_alloc : memref<!tpu.dma_semaphore, #tpu.memory_space<semaphore_mem>>
        tpu.enqueue_dma source(%arg4 : memref<64x384xf32, #tpu.memory_space<hbm>>) target(%arg13 : memref<64x384xf32, #tpu.memory_space<vmem_shared>>) target_semaphore(%run_scoped3A : memref<!tpu.dma_semaphore, #tpu.memory_space<semaphore_mem>>)
        tpu.wait_dma2 semaphore(%run_scoped3A : memref<!tpu.dma_semaphore, #tpu.memory_space<semaphore_mem>>) src(%arg4 : memref<64x384xf32, #tpu.memory_space<hbm>>) dst(%arg13 : memref<64x384xf32, #tpu.memory_space<vmem_shared>>)
        tpu.yield
      }) : () -> ()
    } else {
    }
    %iota3A = tpu.iota {dimensions = array<i32: 0>} : vector<16xi32>
    %broadcast_in_dim3A = arith.constant 15 : i32
    %broadcast_in_dim3A_34 = vector.broadcast %broadcast_in_dim3A : i32 to vector<16xi32>
    %broadcast_in_dim3A_35 = arith.constant 0 : i32
    %broadcast_in_dim3A_36 = vector.broadcast %broadcast_in_dim3A_35 : i32 to vector<16xi32>
    %scan3A = arith.constant 0 : i32
    %scan3A_37 = arith.constant 32 : i32
    %scan3A_38 = arith.addi %scan3A, %scan3A_37 : i32
    %scan3A_39 = arith.constant 1 : i32
    %scan3A_40 = scf.for %scan3A_190 = %scan3A to %scan3A_38 step %scan3A_39 iter_args(%scan3A_191 = %broadcast_in_dim3A_36) -> (vector<16xi32>)  : i32 {
      %mul3A_192 = arith.constant 16 : i32
      %mul3A_193 = arith.muli %scan3A_190, %mul3A_192 : i32
      %get3A = arith.index_cast %mul3A_193 : i32 to index
      %get3A_194 = tpu.vector_load %arg7[%get3A] {strides = array<i32>} : memref<512xi32, #tpu.memory_space<vmem>>, vector<16xi32>,
      %broadcast_in_dim3A_195 = arith.constant true
      %broadcast_in_dim3A_196 = vector.broadcast %broadcast_in_dim3A_195 : i1 to vector<16xi1>
      %masked_cumsum3A = tpu.scan <sum>, %get3A_194 masked %broadcast_in_dim3A_196 : vector<16xi32>, vector<16xi1> -> vector<16xi32>
      %add3A_197 = arith.addi %masked_cumsum3A, %scan3A_191 : vector<16xi32>
      %mul3A_198 = arith.constant 16 : i32
      %mul3A_199 = arith.muli %scan3A_190, %mul3A_198 : i32
      %swap3A = arith.index_cast %mul3A_199 : i32 to index
      %swap3A_200 = tpu.vector_load %arg8[%swap3A] {strides = array<i32>} : memref<512xi32, #tpu.memory_space<vmem>>, vector<16xi32>,
      tpu.vector_store %arg8[%swap3A], %add3A_197 {strides = array<i32>} : memref<512xi32, #tpu.memory_space<vmem>>, vector<16xi32>,
      %broadcast_in_dim3A_201 = vector.shape_cast %broadcast_in_dim3A_34 : vector<16xi32> to vector<16x1xi32>
      %gather3A = vector.shape_cast %broadcast_in_dim3A_201 : vector<16x1xi32> to vector<16xi32>
      %gather3A_202 = tpu.dynamic_gather %add3A_197[%gather3A] in [0] : vector<16xi32>, vector<16xi32> -> vector<16xi32>
      scf.yield %gather3A_202 : vector<16xi32>
    }
    %scan3A_41 = arith.constant 32 : i32
    %reduce_max3A = arith.constant true
    %reduce_max3A_42 = vector.broadcast %reduce_max3A : i1 to vector<16xi1>
    %reduce_max3A_43 = arith.constant -2147483648 : i32
    %reduce_max3A_44 = vector.broadcast %reduce_max3A_43 : i32 to vector<16xi32>
    %reduce_max3A_45 = arith.xori %scan3A_40, %reduce_max3A_44 : vector<16xi32>
    %reduce_max3A_46 = tpu.scan <max>, %reduce_max3A_45 masked %reduce_max3A_42 : vector<16xi32>, vector<16xi1> -> vector<16xi32>
    %reduce_max3A_47 = arith.xori %reduce_max3A_46, %reduce_max3A_44 : vector<16xi32>
    %reduce_max3A_48 = vector.extract %reduce_max3A_47[15] : i32 from vector<16xi32>
    %add3A_49 = arith.constant 64 : i32
    %add3A_50 = arith.addi %reduce_max3A_48, %add3A_49 : i32
    %sub3A_51 = arith.constant 1 : i32
    %sub3A_52 = arith.subi %add3A_50, %sub3A_51 : i32
    %jit3A_53 = arith.constant 64 : i32
    %div3A_54 = arith.divsi %sub3A_52, %jit3A_53 : i32
    %sign3A_55 = arith.constant 0 : i32
    %sign3A_56 = arith.cmpi sgt, %sub3A_52, %sign3A_55 : i32
    %sign3A_57 = arith.extui %sign3A_56 : i1 to i32
    %sign3A_58 = arith.constant 0 : i32
    %sign3A_59 = arith.cmpi slt, %sub3A_52, %sign3A_58 : i32
    %sign3A_60 = arith.extui %sign3A_59 : i1 to i32
    %sign3A_61 = arith.subi %sign3A_57, %sign3A_60 : i32
    %sign3A_62 = arith.constant 0 : i32
    %sign3A_63 = arith.cmpi sgt, %jit3A_53, %sign3A_62 : i32
    %sign3A_64 = arith.extui %sign3A_63 : i1 to i32
    %sign3A_65 = arith.constant 0 : i32
    %sign3A_66 = arith.cmpi slt, %jit3A_53, %sign3A_65 : i32
    %sign3A_67 = arith.extui %sign3A_66 : i1 to i32
    %sign3A_68 = arith.subi %sign3A_64, %sign3A_67 : i32
    %ne3A_69 = arith.cmpi ne, %sign3A_61, %sign3A_68 : i32
    %rem3A_70 = arith.remsi %sub3A_52, %jit3A_53 : i32
    %ne3A_71 = arith.constant 0 : i32
    %ne3A_72 = arith.cmpi ne, %rem3A_70, %ne3A_71 : i32
    %and3A_73 = arith.andi %ne3A_69, %ne3A_72 : i1
    %sub3A_74 = arith.constant 1 : i32
    %sub3A_75 = arith.subi %div3A_54, %sub3A_74 : i32
    %select_n3A_76 = arith.select %and3A_73, %sub3A_75, %div3A_54 : i32
    %sub3A_77 = arith.subi %select_n3A_76, %select_n3A_30 : i32
    %add3A_78 = arith.constant 1 : i32
    %add3A_79 = arith.addi %sub3A_77, %add3A_78 : i32
    %jit3A_80 = arith.constant 2 : i32
    %div3A_81 = arith.divsi %add3A_79, %jit3A_80 : i32
    %sign3A_82 = arith.constant 0 : i32
    %sign3A_83 = arith.cmpi sgt, %add3A_79, %sign3A_82 : i32
    %sign3A_84 = arith.extui %sign3A_83 : i1 to i32
    %sign3A_85 = arith.constant 0 : i32
    %sign3A_86 = arith.cmpi slt, %add3A_79, %sign3A_85 : i32
    %sign3A_87 = arith.extui %sign3A_86 : i1 to i32
    %sign3A_88 = arith.subi %sign3A_84, %sign3A_87 : i32
    %sign3A_89 = arith.constant 0 : i32
    %sign3A_90 = arith.cmpi sgt, %jit3A_80, %sign3A_89 : i32
    %sign3A_91 = arith.extui %sign3A_90 : i1 to i32
    %sign3A_92 = arith.constant 0 : i32
    %sign3A_93 = arith.cmpi slt, %jit3A_80, %sign3A_92 : i32
    %sign3A_94 = arith.extui %sign3A_93 : i1 to i32
    %sign3A_95 = arith.subi %sign3A_91, %sign3A_94 : i32
    %ne3A_96 = arith.cmpi ne, %sign3A_88, %sign3A_95 : i32
    %rem3A_97 = arith.remsi %add3A_79, %jit3A_80 : i32
    %ne3A_98 = arith.constant 0 : i32
    %ne3A_99 = arith.cmpi ne, %rem3A_97, %ne3A_98 : i32
    %and3A_100 = arith.andi %ne3A_96, %ne3A_99 : i1
    %sub3A_101 = arith.constant 1 : i32
    %sub3A_102 = arith.subi %div3A_81, %sub3A_101 : i32
    %select_n3A_103 = arith.select %and3A_100, %sub3A_102, %div3A_81 : i32
    %max3A = arith.constant 0 : i32
    %max3A_104 = arith.maxsi %select_n3A_103, %max3A : i32
    %barrier3A = arith.constant 0 : index
    tpu.barrier barrier_id(%barrier3A)
    %while3A = arith.constant 32 : i32
    %while3A_105 = arith.constant 0 : i32
    %while3A_106 = arith.subi %while3A, %max3A_104 : i32
    %while3A_107 = arith.addi %max3A_104, %while3A_106 : i32
    %while3A_108 = arith.constant 1 : i32
    %while3A_109 = arith.divsi %while3A_106, %while3A_108 : i32
    %while3A_110 = arith.muli %while3A_109, %while3A_108 : i32
    %while3A_111 = arith.addi %max3A_104, %while3A_110 : i32
    %while3A_112 = arith.constant 1 : i32
    %while3A_113 = scf.for %while3A_190 = %max3A_104 to %while3A_111 step %while3A_112 iter_args(%while3A_191 = %while3A_105) -> (i32)  : i32 {
      %mul3A_192 = arith.constant 2 : i32
      %mul3A_193 = arith.muli %mul3A_192, %while3A_190 : i32
      %add3A_194 = arith.addi %mul3A_193, %select_n3A_30 : i32
      %mul3A_195 = arith.constant 64 : i32
      %mul3A_196 = arith.muli %add3A_194, %mul3A_195 : i32
      %dma_start3A = arith.constant 0 : i32
      %dma_start3A_197 = tpu.memref_slice %arg6[%add3A, %mul3A_196, %dma_start3A] : memref<16x4096x384xf32, #tpu.memory_space<hbm>> -> memref<1x64x384xf32, #tpu.memory_space<hbm>>
      %dma_start3A_198 = tpu.memref_squeeze %dma_start3A_197 : memref<1x64x384xf32, #tpu.memory_space<hbm>> -> memref<64x384xf32, #tpu.memory_space<hbm>>
      tpu.enqueue_dma source(%arg13 : memref<64x384xf32, #tpu.memory_space<vmem_shared>>) target(%dma_start3A_198 : memref<64x384xf32, #tpu.memory_space<hbm>>) target_semaphore(%arg20 : memref<!tpu.dma_semaphore, #tpu.memory_space<semaphore_mem>>)
      %while3A_199 = arith.constant 0 : i32
      scf.yield %while3A_199 : i32
    }
    %while3A_114 = arith.constant 1 : i32
    %while3A_115 = scf.for %while3A_190 = %while3A_111 to %while3A_107 step %while3A_114 iter_args(%while3A_191 = %while3A_113) -> (i32)  : i32 {
      %mul3A_192 = arith.constant 2 : i32
      %mul3A_193 = arith.muli %mul3A_192, %while3A_190 : i32
      %add3A_194 = arith.addi %mul3A_193, %select_n3A_30 : i32
      %mul3A_195 = arith.constant 64 : i32
      %mul3A_196 = arith.muli %add3A_194, %mul3A_195 : i32
      %dma_start3A = arith.constant 0 : i32
      %dma_start3A_197 = tpu.memref_slice %arg6[%add3A, %mul3A_196, %dma_start3A] : memref<16x4096x384xf32, #tpu.memory_space<hbm>> -> memref<1x64x384xf32, #tpu.memory_space<hbm>>
      %dma_start3A_198 = tpu.memref_squeeze %dma_start3A_197 : memref<1x64x384xf32, #tpu.memory_space<hbm>> -> memref<64x384xf32, #tpu.memory_space<hbm>>
      tpu.enqueue_dma source(%arg13 : memref<64x384xf32, #tpu.memory_space<vmem_shared>>) target(%dma_start3A_198 : memref<64x384xf32, #tpu.memory_space<hbm>>) target_semaphore(%arg20 : memref<!tpu.dma_semaphore, #tpu.memory_space<semaphore_mem>>)
      %while3A_199 = arith.constant 0 : i32
      scf.yield %while3A_199 : i32
    }
    "tpu.region"() ({
      %run_scoped3A = tpu.sem_alloc : memref<!tpu.dma_semaphore, #tpu.memory_space<semaphore_mem>>
      tpu.enqueue_dma source(%arg5 : memref<4096xi32, #tpu.memory_space<hbm>>) target(%arg9 : memref<4096xi32, #tpu.memory_space<vmem>>) target_semaphore(%run_scoped3A : memref<!tpu.dma_semaphore, #tpu.memory_space<semaphore_mem>>)
      tpu.wait_dma2 semaphore(%run_scoped3A : memref<!tpu.dma_semaphore, #tpu.memory_space<semaphore_mem>>) src(%arg5 : memref<4096xi32, #tpu.memory_space<hbm>>) dst(%arg9 : memref<4096xi32, #tpu.memory_space<vmem>>)
      tpu.yield
    }) : () -> ()
    %scan3A_116 = arith.constant 0 : i32
    %scan3A_117 = arith.constant 0 : i32
    %scan3A_118 = arith.constant 32 : i32
    %scan3A_119 = arith.addi %scan3A_117, %scan3A_118 : i32
    %scan3A_120 = arith.constant 1 : i32
    %scan3A_121 = scf.for %scan3A_190 = %scan3A_117 to %scan3A_119 step %scan3A_120 iter_args(%scan3A_191 = %scan3A_116) -> (i32)  : i32 {
      %mul3A_192 = arith.constant 16 : i32
      %mul3A_193 = arith.muli %scan3A_190, %mul3A_192 : i32
      %get3A = arith.index_cast %mul3A_193 : i32 to index
      %get3A_194 = tpu.vector_load %arg7[%get3A] {strides = array<i32>} : memref<512xi32, #tpu.memory_space<vmem>>, vector<16xi32>,
      %mul3A_195 = arith.constant 16 : i32
      %mul3A_196 = arith.muli %scan3A_190, %mul3A_195 : i32
      %get3A_197 = arith.index_cast %mul3A_196 : i32 to index
      %get3A_198 = tpu.vector_load %arg8[%get3A_197] {strides = array<i32>} : memref<512xi32, #tpu.memory_space<vmem>>, vector<16xi32>,
      %sub3A_199 = arith.subi %get3A_198, %get3A_194 : vector<16xi32>
      %mul3A_200 = arith.constant 16 : i32
      %mul3A_201 = arith.muli %scan3A_190, %mul3A_200 : i32
      %add3A_202 = vector.broadcast %mul3A_201 : i32 to vector<16xi32>
      %add3A_203 = arith.addi %iota3A, %add3A_202 : vector<16xi32>
      %jit3A_204 = arith.constant 0 : i32
      %jit3A_205 = arith.constant 4095 : i32
      %max3A_206 = vector.broadcast %jit3A_204 : i32 to vector<16xi32>
      %max3A_207 = arith.maxsi %max3A_206, %sub3A_199 : vector<16xi32>
      %min3A_208 = vector.broadcast %jit3A_205 : i32 to vector<16xi32>
      %min3A_209 = arith.minsi %min3A_208, %max3A_207 : vector<16xi32>
      %add3A_210 = arith.constant 1 : i32
      %add3A_211 = vector.broadcast %add3A_210 : i32 to vector<16xi32>
      %add3A_212 = arith.addi %add3A_203, %add3A_211 : vector<16xi32>
      %gt3A_213 = arith.constant 0 : i32
      %gt3A_214 = vector.broadcast %gt3A_213 : i32 to vector<16xi32>
      %gt3A_215 = arith.cmpi sgt, %get3A_194, %gt3A_214 : vector<16xi32>
      tpu.vector_store_idx %arg9[%min3A_209], %add3A_212 masked %gt3A_215 : memref<4096xi32, #tpu.memory_space<vmem>>[vector<16xi32>], vector<16xi32>, vector<16xi1>
      %scan3A_216 = arith.constant 0 : i32
      scf.yield %scan3A_216 : i32
    }
    %scan3A_122 = arith.constant 32 : i32
    %mul3A_123 = arith.constant 4 : i32
    %mul3A_124 = arith.muli %select_n3A_76, %mul3A_123 : i32
    %broadcast_in_dim3A_125 = arith.constant 0 : i32
    %broadcast_in_dim3A_126 = vector.broadcast %broadcast_in_dim3A_125 : i32 to vector<16xi32>
    %while3A_127 = arith.constant 0 : i32
    %while3A_128 = arith.subi %mul3A_124, %while3A_127 : i32
    %while3A_129 = arith.addi %while3A_127, %while3A_128 : i32
    %while3A_130 = arith.constant 1 : i32
    %while3A_131 = arith.divsi %while3A_128, %while3A_130 : i32
    %while3A_132 = arith.muli %while3A_131, %while3A_130 : i32
    %while3A_133 = arith.addi %while3A_127, %while3A_132 : i32
    %while3A_134 = arith.constant 1 : i32
    %while3A_135 = scf.for %while3A_190 = %while3A_127 to %while3A_133 step %while3A_134 iter_args(%while3A_191 = %broadcast_in_dim3A_126) -> (vector<16xi32>)  : i32 {
      %mul3A_192 = arith.constant 16 : i32
      %mul3A_193 = arith.muli %while3A_190, %mul3A_192 : i32
      %get3A = arith.index_cast %mul3A_193 : i32 to index
      %get3A_194 = tpu.vector_load %arg9[%get3A] {strides = array<i32>} : memref<4096xi32, #tpu.memory_space<vmem>>, vector<16xi32>,
      %broadcast_in_dim3A_195 = arith.constant true
      %broadcast_in_dim3A_196 = vector.broadcast %broadcast_in_dim3A_195 : i1 to vector<16xi1>
      %masked_cummax3A = arith.constant -2147483648 : i32
      %masked_cummax3A_197 = vector.broadcast %masked_cummax3A : i32 to vector<16xi32>
      %masked_cummax3A_198 = arith.xori %get3A_194, %masked_cummax3A_197 : vector<16xi32>
      %masked_cummax3A_199 = tpu.scan <max>, %masked_cummax3A_198 masked %broadcast_in_dim3A_196 : vector<16xi32>, vector<16xi1> -> vector<16xi32>
      %masked_cummax3A_200 = arith.xori %masked_cummax3A_199, %masked_cummax3A_197 : vector<16xi32>
      %max3A_201 = arith.maxsi %masked_cummax3A_200, %while3A_191 : vector<16xi32>
      %sub3A_202 = arith.constant 1 : i32
      %sub3A_203 = vector.broadcast %sub3A_202 : i32 to vector<16xi32>
      %sub3A_204 = arith.subi %max3A_201, %sub3A_203 : vector<16xi32>
      %mul3A_205 = arith.constant 512 : i32
      %mul3A_206 = arith.muli %add3A, %mul3A_205 : i32
      %add3A_207 = vector.broadcast %mul3A_206 : i32 to vector<16xi32>
      %add3A_208 = arith.addi %sub3A_204, %add3A_207 : vector<16xi32>
      %mul3A_209 = arith.constant 16 : i32
      %mul3A_210 = arith.muli %while3A_190, %mul3A_209 : i32
      %swap3A = arith.index_cast %mul3A_210 : i32 to index
      %swap3A_211 = tpu.vector_load %arg9[%swap3A] {strides = array<i32>} : memref<4096xi32, #tpu.memory_space<vmem>>, vector<16xi32>,
      tpu.vector_store %arg9[%swap3A], %add3A_208 {strides = array<i32>} : memref<4096xi32, #tpu.memory_space<vmem>>, vector<16xi32>,
      %broadcast_in_dim3A_212 = vector.shape_cast %broadcast_in_dim3A_34 : vector<16xi32> to vector<16x1xi32>
      %gather3A = vector.shape_cast %broadcast_in_dim3A_212 : vector<16x1xi32> to vector<16xi32>
      %gather3A_213 = tpu.dynamic_gather %max3A_201[%gather3A] in [0] : vector<16xi32>, vector<16xi32> -> vector<16xi32>
      scf.yield %gather3A_213 : vector<16xi32>
    }
    %while3A_136 = arith.constant 1 : i32
    %while3A_137 = scf.for %while3A_190 = %while3A_133 to %while3A_129 step %while3A_136 iter_args(%while3A_191 = %while3A_135) -> (vector<16xi32>)  : i32 {
      %mul3A_192 = arith.constant 16 : i32
      %mul3A_193 = arith.muli %while3A_190, %mul3A_192 : i32
      %get3A = arith.index_cast %mul3A_193 : i32 to index
      %get3A_194 = tpu.vector_load %arg9[%get3A] {strides = array<i32>} : memref<4096xi32, #tpu.memory_space<vmem>>, vector<16xi32>,
      %broadcast_in_dim3A_195 = arith.constant true
      %broadcast_in_dim3A_196 = vector.broadcast %broadcast_in_dim3A_195 : i1 to vector<16xi1>
      %masked_cummax3A = arith.constant -2147483648 : i32
      %masked_cummax3A_197 = vector.broadcast %masked_cummax3A : i32 to vector<16xi32>
      %masked_cummax3A_198 = arith.xori %get3A_194, %masked_cummax3A_197 : vector<16xi32>
      %masked_cummax3A_199 = tpu.scan <max>, %masked_cummax3A_198 masked %broadcast_in_dim3A_196 : vector<16xi32>, vector<16xi1> -> vector<16xi32>
      %masked_cummax3A_200 = arith.xori %masked_cummax3A_199, %masked_cummax3A_197 : vector<16xi32>
      %max3A_201 = arith.maxsi %masked_cummax3A_200, %while3A_191 : vector<16xi32>
      %sub3A_202 = arith.constant 1 : i32
      %sub3A_203 = vector.broadcast %sub3A_202 : i32 to vector<16xi32>
      %sub3A_204 = arith.subi %max3A_201, %sub3A_203 : vector<16xi32>
      %mul3A_205 = arith.constant 512 : i32
      %mul3A_206 = arith.muli %add3A, %mul3A_205 : i32
      %add3A_207 = vector.broadcast %mul3A_206 : i32 to vector<16xi32>
      %add3A_208 = arith.addi %sub3A_204, %add3A_207 : vector<16xi32>
      %mul3A_209 = arith.constant 16 : i32
      %mul3A_210 = arith.muli %while3A_190, %mul3A_209 : i32
      %swap3A = arith.index_cast %mul3A_210 : i32 to index
      %swap3A_211 = tpu.vector_load %arg9[%swap3A] {strides = array<i32>} : memref<4096xi32, #tpu.memory_space<vmem>>, vector<16xi32>,
      tpu.vector_store %arg9[%swap3A], %add3A_208 {strides = array<i32>} : memref<4096xi32, #tpu.memory_space<vmem>>, vector<16xi32>,
      %broadcast_in_dim3A_212 = vector.shape_cast %broadcast_in_dim3A_34 : vector<16xi32> to vector<16x1xi32>
      %gather3A = vector.shape_cast %broadcast_in_dim3A_212 : vector<16x1xi32> to vector<16xi32>
      %gather3A_213 = tpu.dynamic_gather %max3A_201[%gather3A] in [0] : vector<16xi32>, vector<16xi32> -> vector<16xi32>
      scf.yield %gather3A_213 : vector<16xi32>
    }
    %ge3A = arith.constant 1 : i32
    %ge3A_138 = arith.cmpi sge, %max3A_104, %ge3A : i32
    %convert_element_type3A_139 = arith.extui %ge3A_138 : i1 to i32
    %cond3A_140 = arith.constant 0 : i32
    %cond3A_141 = arith.cmpi ne, %convert_element_type3A_139, %cond3A_140 : i32
    scf.if %cond3A_141 {
      %add3A_190 = arith.constant 0 : i32
      %add3A_191 = arith.addi %add3A_190, %select_n3A_30 : i32
      %mul3A_192 = arith.constant 64 : i32
      %mul3A_193 = arith.muli %add3A_191, %mul3A_192 : i32
      %dma_start3A = tpu.memref_slice %arg9[%mul3A_193] : memref<4096xi32, #tpu.memory_space<vmem>> -> memref<64xi32, #tpu.memory_space<vmem>>
      %dma_start3A_194 = arith.constant 0 : i32
      %dma_start3A_195 = arith.constant 0 : i32
      %dma_start3A_196 = tpu.memref_slice %arg2[%dma_start3A_194, %dma_start3A_195] : memref<8192x384xf32, #tpu.memory_space<hbm>> -> memref<8192x384xf32, #tpu.memory_space<hbm>>
      tpu.enqueue_indirect_dma source(%dma_start3A_196 : memref<8192x384xf32, #tpu.memory_space<hbm>>) target(%arg10 : memref<64x384xf32, #tpu.memory_space<vmem>>) offsets(%dma_start3A : memref<64xi32, #tpu.memory_space<vmem>>) semaphore(%arg14 : memref<!tpu.dma_semaphore, #tpu.memory_space<semaphore_mem>>)
    } else {
    }
    %ge3A_142 = arith.constant 2 : i32
    %ge3A_143 = arith.cmpi sge, %max3A_104, %ge3A_142 : i32
    %convert_element_type3A_144 = arith.extui %ge3A_143 : i1 to i32
    %cond3A_145 = arith.constant 0 : i32
    %cond3A_146 = arith.cmpi ne, %convert_element_type3A_144, %cond3A_145 : i32
    scf.if %cond3A_146 {
      %add3A_190 = arith.constant 2 : i32
      %add3A_191 = arith.addi %add3A_190, %select_n3A_30 : i32
      %mul3A_192 = arith.constant 64 : i32
      %mul3A_193 = arith.muli %add3A_191, %mul3A_192 : i32
      %dma_start3A = tpu.memref_slice %arg9[%mul3A_193] : memref<4096xi32, #tpu.memory_space<vmem>> -> memref<64xi32, #tpu.memory_space<vmem>>
      %dma_start3A_194 = arith.constant 0 : i32
      %dma_start3A_195 = arith.constant 0 : i32
      %dma_start3A_196 = tpu.memref_slice %arg2[%dma_start3A_194, %dma_start3A_195] : memref<8192x384xf32, #tpu.memory_space<hbm>> -> memref<8192x384xf32, #tpu.memory_space<hbm>>
      tpu.enqueue_indirect_dma source(%dma_start3A_196 : memref<8192x384xf32, #tpu.memory_space<hbm>>) target(%arg11 : memref<64x384xf32, #tpu.memory_space<vmem>>) offsets(%dma_start3A : memref<64xi32, #tpu.memory_space<vmem>>) semaphore(%arg15 : memref<!tpu.dma_semaphore, #tpu.memory_space<semaphore_mem>>)
    } else {
    }
    %while3A_147 = arith.constant 0 : i32
    %while3A_148 = arith.constant 0 : i32
    %while3A_149 = arith.subi %max3A_104, %while3A_147 : i32
    %while3A_150 = arith.addi %while3A_147, %while3A_149 : i32
    %while3A_151 = arith.constant 1 : i32
    %while3A_152 = arith.divsi %while3A_149, %while3A_151 : i32
    %while3A_153 = arith.muli %while3A_152, %while3A_151 : i32
    %while3A_154 = arith.addi %while3A_147, %while3A_153 : i32
    %while3A_155 = arith.constant 1 : i32
    %while3A_156 = scf.for %while3A_190 = %while3A_147 to %while3A_154 step %while3A_155 iter_args(%while3A_191 = %while3A_148) -> (i32)  : i32 {
      %mul3A_192 = arith.constant 2 : i32
      %mul3A_193 = arith.muli %mul3A_192, %while3A_190 : i32
      %add3A_194 = arith.addi %mul3A_193, %select_n3A_30 : i32
      %mul3A_195 = arith.constant 64 : i32
      %mul3A_196 = arith.muli %add3A_194, %mul3A_195 : i32
      %sub3A_197 = arith.subi %reduce_max3A_48, %mul3A_196 : i32
      %jit3A_198 = arith.constant 3 : i32
      %eq3A_199 = arith.constant 0 : i32
      %eq3A_200 = arith.cmpi eq, %jit3A_198, %eq3A_199 : i32
      %jit3A_201 = arith.constant 1 : i32
      %select_n3A_202 = arith.select %eq3A_200, %jit3A_201, %jit3A_198 : i32
      %rem3A_203 = arith.remsi %while3A_190, %select_n3A_202 : i32
      %ne3A_204 = arith.constant 0 : i32
      %ne3A_205 = arith.cmpi ne, %rem3A_203, %ne3A_204 : i32
      %lt3A_206 = arith.constant 0 : i32
      %lt3A_207 = arith.cmpi slt, %rem3A_203, %lt3A_206 : i32
      %lt3A_208 = arith.constant 0 : i32
      %lt3A_209 = arith.cmpi slt, %select_n3A_202, %lt3A_208 : i32
      %ne3A_210 = arith.xori %lt3A_207, %lt3A_209 : i1
      %and3A_211 = arith.andi %ne3A_210, %ne3A_205 : i1
      %add3A_212 = arith.addi %rem3A_203, %select_n3A_202 : i32
      %select_n3A_213 = arith.select %and3A_211, %add3A_212, %rem3A_203 : i32
      %eq3A_214 = arith.constant 0 : i32
      %eq3A_215 = arith.cmpi eq, %select_n3A_213, %eq3A_214 : i32
      %convert_element_type3A_216 = arith.extui %eq3A_215 : i1 to i32
      %cond3A_217 = arith.constant 0 : i32
      %cond3A_218 = arith.cmpi ne, %convert_element_type3A_216, %cond3A_217 : i32
      scf.if %cond3A_218 {
        %add3A_262 = arith.constant 2 : i32
        %add3A_263 = arith.addi %while3A_190, %add3A_262 : i32
        %lt3A_264 = arith.cmpi slt, %add3A_263, %max3A_104 : i32
        %convert_element_type3A_265 = arith.extui %lt3A_264 : i1 to i32
        %cond3A_266 = arith.constant 0 : i32
        %cond3A_267 = arith.cmpi ne, %convert_element_type3A_265, %cond3A_266 : i32
        scf.if %cond3A_267 {
          %ge3A_283 = arith.constant 1 : i32
          %ge3A_284 = arith.cmpi sge, %while3A_190, %ge3A_283 : i32
          %convert_element_type3A_285 = arith.extui %ge3A_284 : i1 to i32
          %cond3A_286 = arith.constant 0 : i32
          %cond3A_287 = arith.cmpi ne, %convert_element_type3A_285, %cond3A_286 : i32
          scf.if %cond3A_287 {
            %dma_wait3A_299 = arith.constant 0 : i32
            %dma_wait3A_300 = arith.constant 0 : i32
            %dma_wait3A_301 = tpu.memref_slice %arg2[%dma_wait3A_299, %dma_wait3A_300] : memref<8192x384xf32, #tpu.memory_space<hbm>> -> memref<64x384xf32, #tpu.memory_space<hbm>>
            %dma_wait3A_302 = arith.constant 0 : i32
            %dma_wait3A_303 = arith.constant 0 : i32
            %dma_wait3A_304 = tpu.memref_slice %arg2[%dma_wait3A_302, %dma_wait3A_303] : memref<8192x384xf32, #tpu.memory_space<hbm>> -> memref<64x384xf32, #tpu.memory_space<hbm>>
            tpu.wait_dma2 semaphore(%arg19 : memref<!tpu.dma_semaphore, #tpu.memory_space<semaphore_mem>>) src(%dma_wait3A_304 : memref<64x384xf32, #tpu.memory_space<hbm>>) dst(%arg12 : memref<64x384xf32, #tpu.memory_space<vmem>>)
          } else {
          }
          %add3A_288 = arith.constant 2 : i32
          %add3A_289 = arith.addi %while3A_190, %add3A_288 : i32
          %mul3A_290 = arith.constant 2 : i32
          %mul3A_291 = arith.muli %mul3A_290, %add3A_289 : i32
          %add3A_292 = arith.addi %mul3A_291, %select_n3A_30 : i32
          %mul3A_293 = arith.constant 64 : i32
          %mul3A_294 = arith.muli %add3A_292, %mul3A_293 : i32
          %dma_start3A_295 = tpu.memref_slice %arg9[%mul3A_294] : memref<4096xi32, #tpu.memory_space<vmem>> -> memref<64xi32, #tpu.memory_space<vmem>>
          %dma_start3A_296 = arith.constant 0 : i32
          %dma_start3A_297 = arith.constant 0 : i32
          %dma_start3A_298 = tpu.memref_slice %arg2[%dma_start3A_296, %dma_start3A_297] : memref<8192x384xf32, #tpu.memory_space<hbm>> -> memref<8192x384xf32, #tpu.memory_space<hbm>>
          tpu.enqueue_indirect_dma source(%dma_start3A_298 : memref<8192x384xf32, #tpu.memory_space<hbm>>) target(%arg12 : memref<64x384xf32, #tpu.memory_space<vmem>>) offsets(%dma_start3A_295 : memref<64xi32, #tpu.memory_space<vmem>>) semaphore(%arg16 : memref<!tpu.dma_semaphore, #tpu.memory_space<semaphore_mem>>)
        } else {
        }
        %dma_wait3A = arith.constant 0 : i32
        %dma_wait3A_268 = arith.constant 0 : i32
        %dma_wait3A_269 = tpu.memref_slice %arg2[%dma_wait3A, %dma_wait3A_268] : memref<8192x384xf32, #tpu.memory_space<hbm>> -> memref<64x384xf32, #tpu.memory_space<hbm>>
        %dma_wait3A_270 = arith.constant 0 : i32
        %dma_wait3A_271 = arith.constant 0 : i32
        %dma_wait3A_272 = tpu.memref_slice %arg2[%dma_wait3A_270, %dma_wait3A_271] : memref<8192x384xf32, #tpu.memory_space<hbm>> -> memref<64x384xf32, #tpu.memory_space<hbm>>
        tpu.wait_dma2 semaphore(%arg14 : memref<!tpu.dma_semaphore, #tpu.memory_space<semaphore_mem>>) src(%dma_wait3A_272 : memref<64x384xf32, #tpu.memory_space<hbm>>) dst(%arg10 : memref<64x384xf32, #tpu.memory_space<vmem>>)
        %lt3A_273 = arith.constant 64 : i32
        %lt3A_274 = arith.cmpi slt, %sub3A_197, %lt3A_273 : i32
        %convert_element_type3A_275 = arith.extui %lt3A_274 : i1 to i32
        %cond3A_276 = arith.constant 0 : i32
        %cond3A_277 = arith.cmpi ne, %convert_element_type3A_275, %cond3A_276 : i32
        scf.if %cond3A_277 {
          %broadcast_in_dim3A_283 = arith.constant 0.000000e+00 : f32
          %broadcast_in_dim3A_284 = vector.broadcast %broadcast_in_dim3A_283 : f32 to vector<16xf32>
          %while3A_285 = arith.constant 64 : i32
          %while3A_286 = arith.constant 0 : i32
          %while3A_287 = arith.subi %while3A_285, %sub3A_197 : i32
          %while3A_288 = arith.addi %sub3A_197, %while3A_287 : i32
          %while3A_289 = arith.constant 1 : i32
          %while3A_290 = arith.divsi %while3A_287, %while3A_289 : i32
          %while3A_291 = arith.muli %while3A_290, %while3A_289 : i32
          %while3A_292 = arith.addi %sub3A_197, %while3A_291 : i32
          %while3A_293 = arith.constant 1 : i32
          %while3A_294 = scf.for %while3A_297 = %sub3A_197 to %while3A_292 step %while3A_293 iter_args(%while3A_298 = %while3A_286) -> (i32)  : i32 {
            %swap3A = arith.index_cast %while3A_297 : i32 to index
            %swap3A_299 = arith.constant 0 : index
            %swap3A_300 = tpu.vector_load %arg10[%swap3A, %swap3A_299] {strides = array<i32>} : memref<64x384xf32, #tpu.memory_space<vmem>>, vector<16xf32>,
            tpu.vector_store %arg10[%swap3A, %swap3A_299], %broadcast_in_dim3A_284 {strides = array<i32>} : memref<64x384xf32, #tpu.memory_space<vmem>>, vector<16xf32>,
            %swap3A_301 = arith.index_cast %while3A_297 : i32 to index
            %swap3A_302 = arith.constant 16 : index
            %swap3A_303 = tpu.vector_load %arg10[%swap3A_301, %swap3A_302] {strides = array<i32>} : memref<64x384xf32, #tpu.memory_space<vmem>>, vector<16xf32>,
            tpu.vector_store %arg10[%swap3A_301, %swap3A_302], %broadcast_in_dim3A_284 {strides = array<i32>} : memref<64x384xf32, #tpu.memory_space<vmem>>, vector<16xf32>,
            %swap3A_304 = arith.index_cast %while3A_297 : i32 to index
            %swap3A_305 = arith.constant 32 : index
            %swap3A_306 = tpu.vector_load %arg10[%swap3A_304, %swap3A_305] {strides = array<i32>} : memref<64x384xf32, #tpu.memory_space<vmem>>, vector<16xf32>,
            tpu.vector_store %arg10[%swap3A_304, %swap3A_305], %broadcast_in_dim3A_284 {strides = array<i32>} : memref<64x384xf32, #tpu.memory_space<vmem>>, vector<16xf32>,
            %swap3A_307 = arith.index_cast %while3A_297 : i32 to index
            %swap3A_308 = arith.constant 48 : index
            %swap3A_309 = tpu.vector_load %arg10[%swap3A_307, %swap3A_308] {strides = array<i32>} : memref<64x384xf32, #tpu.memory_space<vmem>>, vector<16xf32>,
            tpu.vector_store %arg10[%swap3A_307, %swap3A_308], %broadcast_in_dim3A_284 {strides = array<i32>} : memref<64x384xf32, #tpu.memory_space<vmem>>, vector<16xf32>,
            %swap3A_310 = arith.index_cast %while3A_297 : i32 to index
            %swap3A_311 = arith.constant 64 : index
            %swap3A_312 = tpu.vector_load %arg10[%swap3A_310, %swap3A_311] {strides = array<i32>} : memref<64x384xf32, #tpu.memory_space<vmem>>, vector<16xf32>,
            tpu.vector_store %arg10[%swap3A_310, %swap3A_311], %broadcast_in_dim3A_284 {strides = array<i32>} : memref<64x384xf32, #tpu.memory_space<vmem>>, vector<16xf32>,
            %swap3A_313 = arith.index_cast %while3A_297 : i32 to index
            %swap3A_314 = arith.constant 80 : index
            %swap3A_315 = tpu.vector_load %arg10[%swap3A_313, %swap3A_314] {strides = array<i32>} : memref<64x384xf32, #tpu.memory_space<vmem>>, vector<16xf32>,
            tpu.vector_store %arg10[%swap3A_313, %swap3A_314], %broadcast_in_dim3A_284 {strides = array<i32>} : memref<64x384xf32, #tpu.memory_space<vmem>>, vector<16xf32>,
            %swap3A_316 = arith.index_cast %while3A_297 : i32 to index
            %swap3A_317 = arith.constant 96 : index
            %swap3A_318 = tpu.vector_load %arg10[%swap3A_316, %swap3A_317] {strides = array<i32>} : memref<64x384xf32, #tpu.memory_space<vmem>>, vector<16xf32>,
            tpu.vector_store %arg10[%swap3A_316, %swap3A_317], %broadcast_in_dim3A_284 {strides = array<i32>} : memref<64x384xf32, #tpu.memory_space<vmem>>, vector<16xf32>,
            %swap3A_319 = arith.index_cast %while3A_297 : i32 to index
            %swap3A_320 = arith.constant 112 : index
            %swap3A_321 = tpu.vector_load %arg10[%swap3A_319, %swap3A_320] {strides = array<i32>} : memref<64x384xf32, #tpu.memory_space<vmem>>, vector<16xf32>,
            tpu.vector_store %arg10[%swap3A_319, %swap3A_320], %broadcast_in_dim3A_284 {strides = array<i32>} : memref<64x384xf32, #tpu.memory_space<vmem>>, vector<16xf32>,
            %swap3A_322 = arith.index_cast %while3A_297 : i32 to index
            %swap3A_323 = arith.constant 128 : index
            %swap3A_324 = tpu.vector_load %arg10[%swap3A_322, %swap3A_323] {strides = array<i32>} : memref<64x384xf32, #tpu.memory_space<vmem>>, vector<16xf32>,
            tpu.vector_store %arg10[%swap3A_322, %swap3A_323], %broadcast_in_dim3A_284 {strides = array<i32>} : memref<64x384xf32, #tpu.memory_space<vmem>>, vector<16xf32>,
            %swap3A_325 = arith.index_cast %while3A_297 : i32 to index
            %swap3A_326 = arith.constant 144 : index
            %swap3A_327 = tpu.vector_load %arg10[%swap3A_325, %swap3A_326] {strides = array<i32>} : memref<64x384xf32, #tpu.memory_space<vmem>>, vector<16xf32>,
            tpu.vector_store %arg10[%swap3A_325, %swap3A_326], %broadcast_in_dim3A_284 {strides = array<i32>} : memref<64x384xf32, #tpu.memory_space<vmem>>, vector<16xf32>,
            %swap3A_328 = arith.index_cast %while3A_297 : i32 to index
            %swap3A_329 = arith.constant 160 : index
            %swap3A_330 = tpu.vector_load %arg10[%swap3A_328, %swap3A_329] {strides = array<i32>} : memref<64x384xf32, #tpu.memory_space<vmem>>, vector<16xf32>,
            tpu.vector_store %arg10[%swap3A_328, %swap3A_329], %broadcast_in_dim3A_284 {strides = array<i32>} : memref<64x384xf32, #tpu.memory_space<vmem>>, vector<16xf32>,
            %swap3A_331 = arith.index_cast %while3A_297 : i32 to index
            %swap3A_332 = arith.constant 176 : index
            %swap3A_333 = tpu.vector_load %arg10[%swap3A_331, %swap3A_332] {strides = array<i32>} : memref<64x384xf32, #tpu.memory_space<vmem>>, vector<16xf32>,
            tpu.vector_store %arg10[%swap3A_331, %swap3A_332], %broadcast_in_dim3A_284 {strides = array<i32>} : memref<64x384xf32, #tpu.memory_space<vmem>>, vector<16xf32>,
            %swap3A_334 = arith.index_cast %while3A_297 : i32 to index
            %swap3A_335 = arith.constant 192 : index
            %swap3A_336 = tpu.vector_load %arg10[%swap3A_334, %swap3A_335] {strides = array<i32>} : memref<64x384xf32, #tpu.memory_space<vmem>>, vector<16xf32>,
            tpu.vector_store %arg10[%swap3A_334, %swap3A_335], %broadcast_in_dim3A_284 {strides = array<i32>} : memref<64x384xf32, #tpu.memory_space<vmem>>, vector<16xf32>,
            %swap3A_337 = arith.index_cast %while3A_297 : i32 to index
            %swap3A_338 = arith.constant 208 : index
            %swap3A_339 = tpu.vector_load %arg10[%swap3A_337, %swap3A_338] {strides = array<i32>} : memref<64x384xf32, #tpu.memory_space<vmem>>, vector<16xf32>,
            tpu.vector_store %arg10[%swap3A_337, %swap3A_338], %broadcast_in_dim3A_284 {strides = array<i32>} : memref<64x384xf32, #tpu.memory_space<vmem>>, vector<16xf32>,
            %swap3A_340 = arith.index_cast %while3A_297 : i32 to index
            %swap3A_341 = arith.constant 224 : index
            %swap3A_342 = tpu.vector_load %arg10[%swap3A_340, %swap3A_341] {strides = array<i32>} : memref<64x384xf32, #tpu.memory_space<vmem>>, vector<16xf32>,
            tpu.vector_store %arg10[%swap3A_340, %swap3A_341], %broadcast_in_dim3A_284 {strides = array<i32>} : memref<64x384xf32, #tpu.memory_space<vmem>>, vector<16xf32>,
            %swap3A_343 = arith.index_cast %while3A_297 : i32 to index
            %swap3A_344 = arith.constant 240 : index
            %swap3A_345 = tpu.vector_load %arg10[%swap3A_343, %swap3A_344] {strides = array<i32>} : memref<64x384xf32, #tpu.memory_space<vmem>>, vector<16xf32>,
            tpu.vector_store %arg10[%swap3A_343, %swap3A_344], %broadcast_in_dim3A_284 {strides = array<i32>} : memref<64x384xf32, #tpu.memory_space<vmem>>, vector<16xf32>,
            %swap3A_346 = arith.index_cast %while3A_297 : i32 to index
            %swap3A_347 = arith.constant 256 : index
            %swap3A_348 = tpu.vector_load %arg10[%swap3A_346, %swap3A_347] {strides = array<i32>} : memref<64x384xf32, #tpu.memory_space<vmem>>, vector<16xf32>,
            tpu.vector_store %arg10[%swap3A_346, %swap3A_347], %broadcast_in_dim3A_284 {strides = array<i32>} : memref<64x384xf32, #tpu.memory_space<vmem>>, vector<16xf32>,
            %swap3A_349 = arith.index_cast %while3A_297 : i32 to index
            %swap3A_350 = arith.constant 272 : index
            %swap3A_351 = tpu.vector_load %arg10[%swap3A_349, %swap3A_350] {strides = array<i32>} : memref<64x384xf32, #tpu.memory_space<vmem>>, vector<16xf32>,
            tpu.vector_store %arg10[%swap3A_349, %swap3A_350], %broadcast_in_dim3A_284 {strides = array<i32>} : memref<64x384xf32, #tpu.memory_space<vmem>>, vector<16xf32>,
            %swap3A_352 = arith.index_cast %while3A_297 : i32 to index
            %swap3A_353 = arith.constant 288 : index
            %swap3A_354 = tpu.vector_load %arg10[%swap3A_352, %swap3A_353] {strides = array<i32>} : memref<64x384xf32, #tpu.memory_space<vmem>>, vector<16xf32>,
            tpu.vector_store %arg10[%swap3A_352, %swap3A_353], %broadcast_in_dim3A_284 {strides = array<i32>} : memref<64x384xf32, #tpu.memory_space<vmem>>, vector<16xf32>,
            %swap3A_355 = arith.index_cast %while3A_297 : i32 to index
            %swap3A_356 = arith.constant 304 : index
            %swap3A_357 = tpu.vector_load %arg10[%swap3A_355, %swap3A_356] {strides = array<i32>} : memref<64x384xf32, #tpu.memory_space<vmem>>, vector<16xf32>,
            tpu.vector_store %arg10[%swap3A_355, %swap3A_356], %broadcast_in_dim3A_284 {strides = array<i32>} : memref<64x384xf32, #tpu.memory_space<vmem>>, vector<16xf32>,
            %swap3A_358 = arith.index_cast %while3A_297 : i32 to index
            %swap3A_359 = arith.constant 320 : index
            %swap3A_360 = tpu.vector_load %arg10[%swap3A_358, %swap3A_359] {strides = array<i32>} : memref<64x384xf32, #tpu.memory_space<vmem>>, vector<16xf32>,
            tpu.vector_store %arg10[%swap3A_358, %swap3A_359], %broadcast_in_dim3A_284 {strides = array<i32>} : memref<64x384xf32, #tpu.memory_space<vmem>>, vector<16xf32>,
            %swap3A_361 = arith.index_cast %while3A_297 : i32 to index
            %swap3A_362 = arith.constant 336 : index
            %swap3A_363 = tpu.vector_load %arg10[%swap3A_361, %swap3A_362] {strides = array<i32>} : memref<64x384xf32, #tpu.memory_space<vmem>>, vector<16xf32>,
            tpu.vector_store %arg10[%swap3A_361, %swap3A_362], %broadcast_in_dim3A_284 {strides = array<i32>} : memref<64x384xf32, #tpu.memory_space<vmem>>, vector<16xf32>,
            %swap3A_364 = arith.index_cast %while3A_297 : i32 to index
            %swap3A_365 = arith.constant 352 : index
            %swap3A_366 = tpu.vector_load %arg10[%swap3A_364, %swap3A_365] {strides = array<i32>} : memref<64x384xf32, #tpu.memory_space<vmem>>, vector<16xf32>,
            tpu.vector_store %arg10[%swap3A_364, %swap3A_365], %broadcast_in_dim3A_284 {strides = array<i32>} : memref<64x384xf32, #tpu.memory_space<vmem>>, vector<16xf32>,
            %swap3A_367 = arith.index_cast %while3A_297 : i32 to index
            %swap3A_368 = arith.constant 368 : index
            %swap3A_369 = tpu.vector_load %arg10[%swap3A_367, %swap3A_368] {strides = array<i32>} : memref<64x384xf32, #tpu.memory_space<vmem>>, vector<16xf32>,
            tpu.vector_store %arg10[%swap3A_367, %swap3A_368], %broadcast_in_dim3A_284 {strides = array<i32>} : memref<64x384xf32, #tpu.memory_space<vmem>>, vector<16xf32>,
            %while3A_370 = arith.constant 0 : i32
            scf.yield %while3A_370 : i32
          }
          %while3A_295 = arith.constant 1 : i32
          %while3A_296 = scf.for %while3A_297 = %while3A_292 to %while3A_288 step %while3A_295 iter_args(%while3A_298 = %while3A_294) -> (i32)  : i32 {
            %swap3A = arith.index_cast %while3A_297 : i32 to index
            %swap3A_299 = arith.constant 0 : index
            %swap3A_300 = tpu.vector_load %arg10[%swap3A, %swap3A_299] {strides = array<i32>} : memref<64x384xf32, #tpu.memory_space<vmem>>, vector<16xf32>,
            tpu.vector_store %arg10[%swap3A, %swap3A_299], %broadcast_in_dim3A_284 {strides = array<i32>} : memref<64x384xf32, #tpu.memory_space<vmem>>, vector<16xf32>,
            %swap3A_301 = arith.index_cast %while3A_297 : i32 to index
            %swap3A_302 = arith.constant 16 : index
            %swap3A_303 = tpu.vector_load %arg10[%swap3A_301, %swap3A_302] {strides = array<i32>} : memref<64x384xf32, #tpu.memory_space<vmem>>, vector<16xf32>,
            tpu.vector_store %arg10[%swap3A_301, %swap3A_302], %broadcast_in_dim3A_284 {strides = array<i32>} : memref<64x384xf32, #tpu.memory_space<vmem>>, vector<16xf32>,
            %swap3A_304 = arith.index_cast %while3A_297 : i32 to index
            %swap3A_305 = arith.constant 32 : index
            %swap3A_306 = tpu.vector_load %arg10[%swap3A_304, %swap3A_305] {strides = array<i32>} : memref<64x384xf32, #tpu.memory_space<vmem>>, vector<16xf32>,
            tpu.vector_store %arg10[%swap3A_304, %swap3A_305], %broadcast_in_dim3A_284 {strides = array<i32>} : memref<64x384xf32, #tpu.memory_space<vmem>>, vector<16xf32>,
            %swap3A_307 = arith.index_cast %while3A_297 : i32 to index
            %swap3A_308 = arith.constant 48 : index
            %swap3A_309 = tpu.vector_load %arg10[%swap3A_307, %swap3A_308] {strides = array<i32>} : memref<64x384xf32, #tpu.memory_space<vmem>>, vector<16xf32>,
            tpu.vector_store %arg10[%swap3A_307, %swap3A_308], %broadcast_in_dim3A_284 {strides = array<i32>} : memref<64x384xf32, #tpu.memory_space<vmem>>, vector<16xf32>,
            %swap3A_310 = arith.index_cast %while3A_297 : i32 to index
            %swap3A_311 = arith.constant 64 : index
            %swap3A_312 = tpu.vector_load %arg10[%swap3A_310, %swap3A_311] {strides = array<i32>} : memref<64x384xf32, #tpu.memory_space<vmem>>, vector<16xf32>,
            tpu.vector_store %arg10[%swap3A_310, %swap3A_311], %broadcast_in_dim3A_284 {strides = array<i32>} : memref<64x384xf32, #tpu.memory_space<vmem>>, vector<16xf32>,
            %swap3A_313 = arith.index_cast %while3A_297 : i32 to index
            %swap3A_314 = arith.constant 80 : index
            %swap3A_315 = tpu.vector_load %arg10[%swap3A_313, %swap3A_314] {strides = array<i32>} : memref<64x384xf32, #tpu.memory_space<vmem>>, vector<16xf32>,
            tpu.vector_store %arg10[%swap3A_313, %swap3A_314], %broadcast_in_dim3A_284 {strides = array<i32>} : memref<64x384xf32, #tpu.memory_space<vmem>>, vector<16xf32>,
            %swap3A_316 = arith.index_cast %while3A_297 : i32 to index
            %swap3A_317 = arith.constant 96 : index
            %swap3A_318 = tpu.vector_load %arg10[%swap3A_316, %swap3A_317] {strides = array<i32>} : memref<64x384xf32, #tpu.memory_space<vmem>>, vector<16xf32>,
            tpu.vector_store %arg10[%swap3A_316, %swap3A_317], %broadcast_in_dim3A_284 {strides = array<i32>} : memref<64x384xf32, #tpu.memory_space<vmem>>, vector<16xf32>,
            %swap3A_319 = arith.index_cast %while3A_297 : i32 to index
            %swap3A_320 = arith.constant 112 : index
            %swap3A_321 = tpu.vector_load %arg10[%swap3A_319, %swap3A_320] {strides = array<i32>} : memref<64x384xf32, #tpu.memory_space<vmem>>, vector<16xf32>,
            tpu.vector_store %arg10[%swap3A_319, %swap3A_320], %broadcast_in_dim3A_284 {strides = array<i32>} : memref<64x384xf32, #tpu.memory_space<vmem>>, vector<16xf32>,
            %swap3A_322 = arith.index_cast %while3A_297 : i32 to index
            %swap3A_323 = arith.constant 128 : index
            %swap3A_324 = tpu.vector_load %arg10[%swap3A_322, %swap3A_323] {strides = array<i32>} : memref<64x384xf32, #tpu.memory_space<vmem>>, vector<16xf32>,
            tpu.vector_store %arg10[%swap3A_322, %swap3A_323], %broadcast_in_dim3A_284 {strides = array<i32>} : memref<64x384xf32, #tpu.memory_space<vmem>>, vector<16xf32>,
            %swap3A_325 = arith.index_cast %while3A_297 : i32 to index
            %swap3A_326 = arith.constant 144 : index
            %swap3A_327 = tpu.vector_load %arg10[%swap3A_325, %swap3A_326] {strides = array<i32>} : memref<64x384xf32, #tpu.memory_space<vmem>>, vector<16xf32>,
            tpu.vector_store %arg10[%swap3A_325, %swap3A_326], %broadcast_in_dim3A_284 {strides = array<i32>} : memref<64x384xf32, #tpu.memory_space<vmem>>, vector<16xf32>,
            %swap3A_328 = arith.index_cast %while3A_297 : i32 to index
            %swap3A_329 = arith.constant 160 : index
            %swap3A_330 = tpu.vector_load %arg10[%swap3A_328, %swap3A_329] {strides = array<i32>} : memref<64x384xf32, #tpu.memory_space<vmem>>, vector<16xf32>,
            tpu.vector_store %arg10[%swap3A_328, %swap3A_329], %broadcast_in_dim3A_284 {strides = array<i32>} : memref<64x384xf32, #tpu.memory_space<vmem>>, vector<16xf32>,
            %swap3A_331 = arith.index_cast %while3A_297 : i32 to index
            %swap3A_332 = arith.constant 176 : index
            %swap3A_333 = tpu.vector_load %arg10[%swap3A_331, %swap3A_332] {strides = array<i32>} : memref<64x384xf32, #tpu.memory_space<vmem>>, vector<16xf32>,
            tpu.vector_store %arg10[%swap3A_331, %swap3A_332], %broadcast_in_dim3A_284 {strides = array<i32>} : memref<64x384xf32, #tpu.memory_space<vmem>>, vector<16xf32>,
            %swap3A_334 = arith.index_cast %while3A_297 : i32 to index
            %swap3A_335 = arith.constant 192 : index
            %swap3A_336 = tpu.vector_load %arg10[%swap3A_334, %swap3A_335] {strides = array<i32>} : memref<64x384xf32, #tpu.memory_space<vmem>>, vector<16xf32>,
            tpu.vector_store %arg10[%swap3A_334, %swap3A_335], %broadcast_in_dim3A_284 {strides = array<i32>} : memref<64x384xf32, #tpu.memory_space<vmem>>, vector<16xf32>,
            %swap3A_337 = arith.index_cast %while3A_297 : i32 to index
            %swap3A_338 = arith.constant 208 : index
            %swap3A_339 = tpu.vector_load %arg10[%swap3A_337, %swap3A_338] {strides = array<i32>} : memref<64x384xf32, #tpu.memory_space<vmem>>, vector<16xf32>,
            tpu.vector_store %arg10[%swap3A_337, %swap3A_338], %broadcast_in_dim3A_284 {strides = array<i32>} : memref<64x384xf32, #tpu.memory_space<vmem>>, vector<16xf32>,
            %swap3A_340 = arith.index_cast %while3A_297 : i32 to index
            %swap3A_341 = arith.constant 224 : index
            %swap3A_342 = tpu.vector_load %arg10[%swap3A_340, %swap3A_341] {strides = array<i32>} : memref<64x384xf32, #tpu.memory_space<vmem>>, vector<16xf32>,
            tpu.vector_store %arg10[%swap3A_340, %swap3A_341], %broadcast_in_dim3A_284 {strides = array<i32>} : memref<64x384xf32, #tpu.memory_space<vmem>>, vector<16xf32>,
            %swap3A_343 = arith.index_cast %while3A_297 : i32 to index
            %swap3A_344 = arith.constant 240 : index
            %swap3A_345 = tpu.vector_load %arg10[%swap3A_343, %swap3A_344] {strides = array<i32>} : memref<64x384xf32, #tpu.memory_space<vmem>>, vector<16xf32>,
            tpu.vector_store %arg10[%swap3A_343, %swap3A_344], %broadcast_in_dim3A_284 {strides = array<i32>} : memref<64x384xf32, #tpu.memory_space<vmem>>, vector<16xf32>,
            %swap3A_346 = arith.index_cast %while3A_297 : i32 to index
            %swap3A_347 = arith.constant 256 : index
            %swap3A_348 = tpu.vector_load %arg10[%swap3A_346, %swap3A_347] {strides = array<i32>} : memref<64x384xf32, #tpu.memory_space<vmem>>, vector<16xf32>,
            tpu.vector_store %arg10[%swap3A_346, %swap3A_347], %broadcast_in_dim3A_284 {strides = array<i32>} : memref<64x384xf32, #tpu.memory_space<vmem>>, vector<16xf32>,
            %swap3A_349 = arith.index_cast %while3A_297 : i32 to index
            %swap3A_350 = arith.constant 272 : index
            %swap3A_351 = tpu.vector_load %arg10[%swap3A_349, %swap3A_350] {strides = array<i32>} : memref<64x384xf32, #tpu.memory_space<vmem>>, vector<16xf32>,
            tpu.vector_store %arg10[%swap3A_349, %swap3A_350], %broadcast_in_dim3A_284 {strides = array<i32>} : memref<64x384xf32, #tpu.memory_space<vmem>>, vector<16xf32>,
            %swap3A_352 = arith.index_cast %while3A_297 : i32 to index
            %swap3A_353 = arith.constant 288 : index
            %swap3A_354 = tpu.vector_load %arg10[%swap3A_352, %swap3A_353] {strides = array<i32>} : memref<64x384xf32, #tpu.memory_space<vmem>>, vector<16xf32>,
            tpu.vector_store %arg10[%swap3A_352, %swap3A_353], %broadcast_in_dim3A_284 {strides = array<i32>} : memref<64x384xf32, #tpu.memory_space<vmem>>, vector<16xf32>,
            %swap3A_355 = arith.index_cast %while3A_297 : i32 to index
            %swap3A_356 = arith.constant 304 : index
            %swap3A_357 = tpu.vector_load %arg10[%swap3A_355, %swap3A_356] {strides = array<i32>} : memref<64x384xf32, #tpu.memory_space<vmem>>, vector<16xf32>,
            tpu.vector_store %arg10[%swap3A_355, %swap3A_356], %broadcast_in_dim3A_284 {strides = array<i32>} : memref<64x384xf32, #tpu.memory_space<vmem>>, vector<16xf32>,
            %swap3A_358 = arith.index_cast %while3A_297 : i32 to index
            %swap3A_359 = arith.constant 320 : index
            %swap3A_360 = tpu.vector_load %arg10[%swap3A_358, %swap3A_359] {strides = array<i32>} : memref<64x384xf32, #tpu.memory_space<vmem>>, vector<16xf32>,
            tpu.vector_store %arg10[%swap3A_358, %swap3A_359], %broadcast_in_dim3A_284 {strides = array<i32>} : memref<64x384xf32, #tpu.memory_space<vmem>>, vector<16xf32>,
            %swap3A_361 = arith.index_cast %while3A_297 : i32 to index
            %swap3A_362 = arith.constant 336 : index
            %swap3A_363 = tpu.vector_load %arg10[%swap3A_361, %swap3A_362] {strides = array<i32>} : memref<64x384xf32, #tpu.memory_space<vmem>>, vector<16xf32>,
            tpu.vector_store %arg10[%swap3A_361, %swap3A_362], %broadcast_in_dim3A_284 {strides = array<i32>} : memref<64x384xf32, #tpu.memory_space<vmem>>, vector<16xf32>,
            %swap3A_364 = arith.index_cast %while3A_297 : i32 to index
            %swap3A_365 = arith.constant 352 : index
            %swap3A_366 = tpu.vector_load %arg10[%swap3A_364, %swap3A_365] {strides = array<i32>} : memref<64x384xf32, #tpu.memory_space<vmem>>, vector<16xf32>,
            tpu.vector_store %arg10[%swap3A_364, %swap3A_365], %broadcast_in_dim3A_284 {strides = array<i32>} : memref<64x384xf32, #tpu.memory_space<vmem>>, vector<16xf32>,
            %swap3A_367 = arith.index_cast %while3A_297 : i32 to index
            %swap3A_368 = arith.constant 368 : index
            %swap3A_369 = tpu.vector_load %arg10[%swap3A_367, %swap3A_368] {strides = array<i32>} : memref<64x384xf32, #tpu.memory_space<vmem>>, vector<16xf32>,
            tpu.vector_store %arg10[%swap3A_367, %swap3A_368], %broadcast_in_dim3A_284 {strides = array<i32>} : memref<64x384xf32, #tpu.memory_space<vmem>>, vector<16xf32>,
            %while3A_370 = arith.constant 0 : i32
            scf.yield %while3A_370 : i32
          }
        } else {
        }
        %dma_start3A = arith.constant 0 : i32
        %dma_start3A_278 = tpu.memref_slice %arg6[%add3A, %mul3A_196, %dma_start3A] : memref<16x4096x384xf32, #tpu.memory_space<hbm>> -> memref<1x64x384xf32, #tpu.memory_space<hbm>>
        %dma_start3A_279 = tpu.memref_squeeze %dma_start3A_278 : memref<1x64x384xf32, #tpu.memory_space<hbm>> -> memref<64x384xf32, #tpu.memory_space<hbm>>
        %dma_start3A_280 = arith.constant 0 : i32
        %dma_start3A_281 = tpu.memref_slice %arg6[%add3A, %mul3A_196, %dma_start3A_280] : memref<16x4096x384xf32, #tpu.memory_space<hbm>> -> memref<1x64x384xf32, #tpu.memory_space<hbm>>
        %dma_start3A_282 = tpu.memref_squeeze %dma_start3A_281 : memref<1x64x384xf32, #tpu.memory_space<hbm>> -> memref<64x384xf32, #tpu.memory_space<hbm>>
        tpu.enqueue_dma source(%arg10 : memref<64x384xf32, #tpu.memory_space<vmem>>) target(%dma_start3A_282 : memref<64x384xf32, #tpu.memory_space<hbm>>) target_semaphore(%arg17 : memref<!tpu.dma_semaphore, #tpu.memory_space<semaphore_mem>>)
      } else {
      }
      %jit3A_219 = arith.constant 3 : i32
      %eq3A_220 = arith.constant 0 : i32
      %eq3A_221 = arith.cmpi eq, %jit3A_219, %eq3A_220 : i32
      %jit3A_222 = arith.constant 1 : i32
      %select_n3A_223 = arith.select %eq3A_221, %jit3A_222, %jit3A_219 : i32
      %rem3A_224 = arith.remsi %while3A_190, %select_n3A_223 : i32
      %ne3A_225 = arith.constant 0 : i32
      %ne3A_226 = arith.cmpi ne, %rem3A_224, %ne3A_225 : i32
      %lt3A_227 = arith.constant 0 : i32
      %lt3A_228 = arith.cmpi slt, %rem3A_224, %lt3A_227 : i32
      %lt3A_229 = arith.constant 0 : i32
      %lt3A_230 = arith.cmpi slt, %select_n3A_223, %lt3A_229 : i32
      %ne3A_231 = arith.xori %lt3A_228, %lt3A_230 : i1
      %and3A_232 = arith.andi %ne3A_231, %ne3A_226 : i1
      %add3A_233 = arith.addi %rem3A_224, %select_n3A_223 : i32
      %select_n3A_234 = arith.select %and3A_232, %add3A_233, %rem3A_224 : i32
      %eq3A_235 = arith.constant 1 : i32
      %eq3A_236 = arith.cmpi eq, %select_n3A_234, %eq3A_235 : i32
      %convert_element_type3A_237 = arith.extui %eq3A_236 : i1 to i32
      %cond3A_238 = arith.constant 0 : i32
      %cond3A_239 = arith.cmpi ne, %convert_element_type3A_237, %cond3A_238 : i32
      scf.if %cond3A_239 {
        %add3A_262 = arith.constant 2 : i32
        %add3A_263 = arith.addi %while3A_190, %add3A_262 : i32
        %lt3A_264 = arith.cmpi slt, %add3A_263, %max3A_104 : i32
        %convert_element_type3A_265 = arith.extui %lt3A_264 : i1 to i32
        %cond3A_266 = arith.constant 0 : i32
        %cond3A_267 = arith.cmpi ne, %convert_element_type3A_265, %cond3A_266 : i32
        scf.if %cond3A_267 {
          %ge3A_283 = arith.constant 1 : i32
          %ge3A_284 = arith.cmpi sge, %while3A_190, %ge3A_283 : i32
          %convert_element_type3A_285 = arith.extui %ge3A_284 : i1 to i32
          %cond3A_286 = arith.constant 0 : i32
          %cond3A_287 = arith.cmpi ne, %convert_element_type3A_285, %cond3A_286 : i32
          scf.if %cond3A_287 {
            %dma_wait3A_299 = arith.constant 0 : i32
            %dma_wait3A_300 = arith.constant 0 : i32
            %dma_wait3A_301 = tpu.memref_slice %arg2[%dma_wait3A_299, %dma_wait3A_300] : memref<8192x384xf32, #tpu.memory_space<hbm>> -> memref<64x384xf32, #tpu.memory_space<hbm>>
            %dma_wait3A_302 = arith.constant 0 : i32
            %dma_wait3A_303 = arith.constant 0 : i32
            %dma_wait3A_304 = tpu.memref_slice %arg2[%dma_wait3A_302, %dma_wait3A_303] : memref<8192x384xf32, #tpu.memory_space<hbm>> -> memref<64x384xf32, #tpu.memory_space<hbm>>
            tpu.wait_dma2 semaphore(%arg17 : memref<!tpu.dma_semaphore, #tpu.memory_space<semaphore_mem>>) src(%dma_wait3A_304 : memref<64x384xf32, #tpu.memory_space<hbm>>) dst(%arg10 : memref<64x384xf32, #tpu.memory_space<vmem>>)
          } else {
          }
          %add3A_288 = arith.constant 2 : i32
          %add3A_289 = arith.addi %while3A_190, %add3A_288 : i32
          %mul3A_290 = arith.constant 2 : i32
          %mul3A_291 = arith.muli %mul3A_290, %add3A_289 : i32
          %add3A_292 = arith.addi %mul3A_291, %select_n3A_30 : i32
          %mul3A_293 = arith.constant 64 : i32
          %mul3A_294 = arith.muli %add3A_292, %mul3A_293 : i32
          %dma_start3A_295 = tpu.memref_slice %arg9[%mul3A_294] : memref<4096xi32, #tpu.memory_space<vmem>> -> memref<64xi32, #tpu.memory_space<vmem>>
          %dma_start3A_296 = arith.constant 0 : i32
          %dma_start3A_297 = arith.constant 0 : i32
          %dma_start3A_298 = tpu.memref_slice %arg2[%dma_start3A_296, %dma_start3A_297] : memref<8192x384xf32, #tpu.memory_space<hbm>> -> memref<8192x384xf32, #tpu.memory_space<hbm>>
          tpu.enqueue_indirect_dma source(%dma_start3A_298 : memref<8192x384xf32, #tpu.memory_space<hbm>>) target(%arg10 : memref<64x384xf32, #tpu.memory_space<vmem>>) offsets(%dma_start3A_295 : memref<64xi32, #tpu.memory_space<vmem>>) semaphore(%arg14 : memref<!tpu.dma_semaphore, #tpu.memory_space<semaphore_mem>>)
        } else {
        }
        %dma_wait3A = arith.constant 0 : i32
        %dma_wait3A_268 = arith.constant 0 : i32
        %dma_wait3A_269 = tpu.memref_slice %arg2[%dma_wait3A, %dma_wait3A_268] : memref<8192x384xf32, #tpu.memory_space<hbm>> -> memref<64x384xf32, #tpu.memory_space<hbm>>
        %dma_wait3A_270 = arith.constant 0 : i32
        %dma_wait3A_271 = arith.constant 0 : i32
        %dma_wait3A_272 = tpu.memref_slice %arg2[%dma_wait3A_270, %dma_wait3A_271] : memref<8192x384xf32, #tpu.memory_space<hbm>> -> memref<64x384xf32, #tpu.memory_space<hbm>>
        tpu.wait_dma2 semaphore(%arg15 : memref<!tpu.dma_semaphore, #tpu.memory_space<semaphore_mem>>) src(%dma_wait3A_272 : memref<64x384xf32, #tpu.memory_space<hbm>>) dst(%arg11 : memref<64x384xf32, #tpu.memory_space<vmem>>)
        %lt3A_273 = arith.constant 64 : i32
        %lt3A_274 = arith.cmpi slt, %sub3A_197, %lt3A_273 : i32
        %convert_element_type3A_275 = arith.extui %lt3A_274 : i1 to i32
        %cond3A_276 = arith.constant 0 : i32
        %cond3A_277 = arith.cmpi ne, %convert_element_type3A_275, %cond3A_276 : i32
        scf.if %cond3A_277 {
          %broadcast_in_dim3A_283 = arith.constant 0.000000e+00 : f32
          %broadcast_in_dim3A_284 = vector.broadcast %broadcast_in_dim3A_283 : f32 to vector<16xf32>
          %while3A_285 = arith.constant 64 : i32
          %while3A_286 = arith.constant 0 : i32
          %while3A_287 = arith.subi %while3A_285, %sub3A_197 : i32
          %while3A_288 = arith.addi %sub3A_197, %while3A_287 : i32
          %while3A_289 = arith.constant 1 : i32
          %while3A_290 = arith.divsi %while3A_287, %while3A_289 : i32
          %while3A_291 = arith.muli %while3A_290, %while3A_289 : i32
          %while3A_292 = arith.addi %sub3A_197, %while3A_291 : i32
          %while3A_293 = arith.constant 1 : i32
          %while3A_294 = scf.for %while3A_297 = %sub3A_197 to %while3A_292 step %while3A_293 iter_args(%while3A_298 = %while3A_286) -> (i32)  : i32 {
            %swap3A = arith.index_cast %while3A_297 : i32 to index
            %swap3A_299 = arith.constant 0 : index
            %swap3A_300 = tpu.vector_load %arg11[%swap3A, %swap3A_299] {strides = array<i32>} : memref<64x384xf32, #tpu.memory_space<vmem>>, vector<16xf32>,
            tpu.vector_store %arg11[%swap3A, %swap3A_299], %broadcast_in_dim3A_284 {strides = array<i32>} : memref<64x384xf32, #tpu.memory_space<vmem>>, vector<16xf32>,
            %swap3A_301 = arith.index_cast %while3A_297 : i32 to index
            %swap3A_302 = arith.constant 16 : index
            %swap3A_303 = tpu.vector_load %arg11[%swap3A_301, %swap3A_302] {strides = array<i32>} : memref<64x384xf32, #tpu.memory_space<vmem>>, vector<16xf32>,
            tpu.vector_store %arg11[%swap3A_301, %swap3A_302], %broadcast_in_dim3A_284 {strides = array<i32>} : memref<64x384xf32, #tpu.memory_space<vmem>>, vector<16xf32>,
            %swap3A_304 = arith.index_cast %while3A_297 : i32 to index
            %swap3A_305 = arith.constant 32 : index
            %swap3A_306 = tpu.vector_load %arg11[%swap3A_304, %swap3A_305] {strides = array<i32>} : memref<64x384xf32, #tpu.memory_space<vmem>>, vector<16xf32>,
            tpu.vector_store %arg11[%swap3A_304, %swap3A_305], %broadcast_in_dim3A_284 {strides = array<i32>} : memref<64x384xf32, #tpu.memory_space<vmem>>, vector<16xf32>,
            %swap3A_307 = arith.index_cast %while3A_297 : i32 to index
            %swap3A_308 = arith.constant 48 : index
            %swap3A_309 = tpu.vector_load %arg11[%swap3A_307, %swap3A_308] {strides = array<i32>} : memref<64x384xf32, #tpu.memory_space<vmem>>, vector<16xf32>,
            tpu.vector_store %arg11[%swap3A_307, %swap3A_308], %broadcast_in_dim3A_284 {strides = array<i32>} : memref<64x384xf32, #tpu.memory_space<vmem>>, vector<16xf32>,
            %swap3A_310 = arith.index_cast %while3A_297 : i32 to index
            %swap3A_311 = arith.constant 64 : index
            %swap3A_312 = tpu.vector_load %arg11[%swap3A_310, %swap3A_311] {strides = array<i32>} : memref<64x384xf32, #tpu.memory_space<vmem>>, vector<16xf32>,
            tpu.vector_store %arg11[%swap3A_310, %swap3A_311], %broadcast_in_dim3A_284 {strides = array<i32>} : memref<64x384xf32, #tpu.memory_space<vmem>>, vector<16xf32>,
            %swap3A_313 = arith.index_cast %while3A_297 : i32 to index
            %swap3A_314 = arith.constant 80 : index
            %swap3A_315 = tpu.vector_load %arg11[%swap3A_313, %swap3A_314] {strides = array<i32>} : memref<64x384xf32, #tpu.memory_space<vmem>>, vector<16xf32>,
            tpu.vector_store %arg11[%swap3A_313, %swap3A_314], %broadcast_in_dim3A_284 {strides = array<i32>} : memref<64x384xf32, #tpu.memory_space<vmem>>, vector<16xf32>,
            %swap3A_316 = arith.index_cast %while3A_297 : i32 to index
            %swap3A_317 = arith.constant 96 : index
            %swap3A_318 = tpu.vector_load %arg11[%swap3A_316, %swap3A_317] {strides = array<i32>} : memref<64x384xf32, #tpu.memory_space<vmem>>, vector<16xf32>,
            tpu.vector_store %arg11[%swap3A_316, %swap3A_317], %broadcast_in_dim3A_284 {strides = array<i32>} : memref<64x384xf32, #tpu.memory_space<vmem>>, vector<16xf32>,
            %swap3A_319 = arith.index_cast %while3A_297 : i32 to index
            %swap3A_320 = arith.constant 112 : index
            %swap3A_321 = tpu.vector_load %arg11[%swap3A_319, %swap3A_320] {strides = array<i32>} : memref<64x384xf32, #tpu.memory_space<vmem>>, vector<16xf32>,
            tpu.vector_store %arg11[%swap3A_319, %swap3A_320], %broadcast_in_dim3A_284 {strides = array<i32>} : memref<64x384xf32, #tpu.memory_space<vmem>>, vector<16xf32>,
            %swap3A_322 = arith.index_cast %while3A_297 : i32 to index
            %swap3A_323 = arith.constant 128 : index
            %swap3A_324 = tpu.vector_load %arg11[%swap3A_322, %swap3A_323] {strides = array<i32>} : memref<64x384xf32, #tpu.memory_space<vmem>>, vector<16xf32>,
            tpu.vector_store %arg11[%swap3A_322, %swap3A_323], %broadcast_in_dim3A_284 {strides = array<i32>} : memref<64x384xf32, #tpu.memory_space<vmem>>, vector<16xf32>,
            %swap3A_325 = arith.index_cast %while3A_297 : i32 to index
            %swap3A_326 = arith.constant 144 : index
            %swap3A_327 = tpu.vector_load %arg11[%swap3A_325, %swap3A_326] {strides = array<i32>} : memref<64x384xf32, #tpu.memory_space<vmem>>, vector<16xf32>,
            tpu.vector_store %arg11[%swap3A_325, %swap3A_326], %broadcast_in_dim3A_284 {strides = array<i32>} : memref<64x384xf32, #tpu.memory_space<vmem>>, vector<16xf32>,
            %swap3A_328 = arith.index_cast %while3A_297 : i32 to index
            %swap3A_329 = arith.constant 160 : index
            %swap3A_330 = tpu.vector_load %arg11[%swap3A_328, %swap3A_329] {strides = array<i32>} : memref<64x384xf32, #tpu.memory_space<vmem>>, vector<16xf32>,
            tpu.vector_store %arg11[%swap3A_328, %swap3A_329], %broadcast_in_dim3A_284 {strides = array<i32>} : memref<64x384xf32, #tpu.memory_space<vmem>>, vector<16xf32>,
            %swap3A_331 = arith.index_cast %while3A_297 : i32 to index
            %swap3A_332 = arith.constant 176 : index
            %swap3A_333 = tpu.vector_load %arg11[%swap3A_331, %swap3A_332] {strides = array<i32>} : memref<64x384xf32, #tpu.memory_space<vmem>>, vector<16xf32>,
            tpu.vector_store %arg11[%swap3A_331, %swap3A_332], %broadcast_in_dim3A_284 {strides = array<i32>} : memref<64x384xf32, #tpu.memory_space<vmem>>, vector<16xf32>,
            %swap3A_334 = arith.index_cast %while3A_297 : i32 to index
            %swap3A_335 = arith.constant 192 : index
            %swap3A_336 = tpu.vector_load %arg11[%swap3A_334, %swap3A_335] {strides = array<i32>} : memref<64x384xf32, #tpu.memory_space<vmem>>, vector<16xf32>,
            tpu.vector_store %arg11[%swap3A_334, %swap3A_335], %broadcast_in_dim3A_284 {strides = array<i32>} : memref<64x384xf32, #tpu.memory_space<vmem>>, vector<16xf32>,
            %swap3A_337 = arith.index_cast %while3A_297 : i32 to index
            %swap3A_338 = arith.constant 208 : index
            %swap3A_339 = tpu.vector_load %arg11[%swap3A_337, %swap3A_338] {strides = array<i32>} : memref<64x384xf32, #tpu.memory_space<vmem>>, vector<16xf32>,
            tpu.vector_store %arg11[%swap3A_337, %swap3A_338], %broadcast_in_dim3A_284 {strides = array<i32>} : memref<64x384xf32, #tpu.memory_space<vmem>>, vector<16xf32>,
            %swap3A_340 = arith.index_cast %while3A_297 : i32 to index
            %swap3A_341 = arith.constant 224 : index
            %swap3A_342 = tpu.vector_load %arg11[%swap3A_340, %swap3A_341] {strides = array<i32>} : memref<64x384xf32, #tpu.memory_space<vmem>>, vector<16xf32>,
            tpu.vector_store %arg11[%swap3A_340, %swap3A_341], %broadcast_in_dim3A_284 {strides = array<i32>} : memref<64x384xf32, #tpu.memory_space<vmem>>, vector<16xf32>,
            %swap3A_343 = arith.index_cast %while3A_297 : i32 to index
            %swap3A_344 = arith.constant 240 : index
            %swap3A_345 = tpu.vector_load %arg11[%swap3A_343, %swap3A_344] {strides = array<i32>} : memref<64x384xf32, #tpu.memory_space<vmem>>, vector<16xf32>,
            tpu.vector_store %arg11[%swap3A_343, %swap3A_344], %broadcast_in_dim3A_284 {strides = array<i32>} : memref<64x384xf32, #tpu.memory_space<vmem>>, vector<16xf32>,
            %swap3A_346 = arith.index_cast %while3A_297 : i32 to index
            %swap3A_347 = arith.constant 256 : index
            %swap3A_348 = tpu.vector_load %arg11[%swap3A_346, %swap3A_347] {strides = array<i32>} : memref<64x384xf32, #tpu.memory_space<vmem>>, vector<16xf32>,
            tpu.vector_store %arg11[%swap3A_346, %swap3A_347], %broadcast_in_dim3A_284 {strides = array<i32>} : memref<64x384xf32, #tpu.memory_space<vmem>>, vector<16xf32>,
            %swap3A_349 = arith.index_cast %while3A_297 : i32 to index
            %swap3A_350 = arith.constant 272 : index
            %swap3A_351 = tpu.vector_load %arg11[%swap3A_349, %swap3A_350] {strides = array<i32>} : memref<64x384xf32, #tpu.memory_space<vmem>>, vector<16xf32>,
            tpu.vector_store %arg11[%swap3A_349, %swap3A_350], %broadcast_in_dim3A_284 {strides = array<i32>} : memref<64x384xf32, #tpu.memory_space<vmem>>, vector<16xf32>,
            %swap3A_352 = arith.index_cast %while3A_297 : i32 to index
            %swap3A_353 = arith.constant 288 : index
            %swap3A_354 = tpu.vector_load %arg11[%swap3A_352, %swap3A_353] {strides = array<i32>} : memref<64x384xf32, #tpu.memory_space<vmem>>, vector<16xf32>,
            tpu.vector_store %arg11[%swap3A_352, %swap3A_353], %broadcast_in_dim3A_284 {strides = array<i32>} : memref<64x384xf32, #tpu.memory_space<vmem>>, vector<16xf32>,
            %swap3A_355 = arith.index_cast %while3A_297 : i32 to index
            %swap3A_356 = arith.constant 304 : index
            %swap3A_357 = tpu.vector_load %arg11[%swap3A_355, %swap3A_356] {strides = array<i32>} : memref<64x384xf32, #tpu.memory_space<vmem>>, vector<16xf32>,
            tpu.vector_store %arg11[%swap3A_355, %swap3A_356], %broadcast_in_dim3A_284 {strides = array<i32>} : memref<64x384xf32, #tpu.memory_space<vmem>>, vector<16xf32>,
            %swap3A_358 = arith.index_cast %while3A_297 : i32 to index
            %swap3A_359 = arith.constant 320 : index
            %swap3A_360 = tpu.vector_load %arg11[%swap3A_358, %swap3A_359] {strides = array<i32>} : memref<64x384xf32, #tpu.memory_space<vmem>>, vector<16xf32>,
            tpu.vector_store %arg11[%swap3A_358, %swap3A_359], %broadcast_in_dim3A_284 {strides = array<i32>} : memref<64x384xf32, #tpu.memory_space<vmem>>, vector<16xf32>,
            %swap3A_361 = arith.index_cast %while3A_297 : i32 to index
            %swap3A_362 = arith.constant 336 : index
            %swap3A_363 = tpu.vector_load %arg11[%swap3A_361, %swap3A_362] {strides = array<i32>} : memref<64x384xf32, #tpu.memory_space<vmem>>, vector<16xf32>,
            tpu.vector_store %arg11[%swap3A_361, %swap3A_362], %broadcast_in_dim3A_284 {strides = array<i32>} : memref<64x384xf32, #tpu.memory_space<vmem>>, vector<16xf32>,
            %swap3A_364 = arith.index_cast %while3A_297 : i32 to index
            %swap3A_365 = arith.constant 352 : index
            %swap3A_366 = tpu.vector_load %arg11[%swap3A_364, %swap3A_365] {strides = array<i32>} : memref<64x384xf32, #tpu.memory_space<vmem>>, vector<16xf32>,
            tpu.vector_store %arg11[%swap3A_364, %swap3A_365], %broadcast_in_dim3A_284 {strides = array<i32>} : memref<64x384xf32, #tpu.memory_space<vmem>>, vector<16xf32>,
            %swap3A_367 = arith.index_cast %while3A_297 : i32 to index
            %swap3A_368 = arith.constant 368 : index
            %swap3A_369 = tpu.vector_load %arg11[%swap3A_367, %swap3A_368] {strides = array<i32>} : memref<64x384xf32, #tpu.memory_space<vmem>>, vector<16xf32>,
            tpu.vector_store %arg11[%swap3A_367, %swap3A_368], %broadcast_in_dim3A_284 {strides = array<i32>} : memref<64x384xf32, #tpu.memory_space<vmem>>, vector<16xf32>,
            %while3A_370 = arith.constant 0 : i32
            scf.yield %while3A_370 : i32
          }
          %while3A_295 = arith.constant 1 : i32
          %while3A_296 = scf.for %while3A_297 = %while3A_292 to %while3A_288 step %while3A_295 iter_args(%while3A_298 = %while3A_294) -> (i32)  : i32 {
            %swap3A = arith.index_cast %while3A_297 : i32 to index
            %swap3A_299 = arith.constant 0 : index
            %swap3A_300 = tpu.vector_load %arg11[%swap3A, %swap3A_299] {strides = array<i32>} : memref<64x384xf32, #tpu.memory_space<vmem>>, vector<16xf32>,
            tpu.vector_store %arg11[%swap3A, %swap3A_299], %broadcast_in_dim3A_284 {strides = array<i32>} : memref<64x384xf32, #tpu.memory_space<vmem>>, vector<16xf32>,
            %swap3A_301 = arith.index_cast %while3A_297 : i32 to index
            %swap3A_302 = arith.constant 16 : index
            %swap3A_303 = tpu.vector_load %arg11[%swap3A_301, %swap3A_302] {strides = array<i32>} : memref<64x384xf32, #tpu.memory_space<vmem>>, vector<16xf32>,
            tpu.vector_store %arg11[%swap3A_301, %swap3A_302], %broadcast_in_dim3A_284 {strides = array<i32>} : memref<64x384xf32, #tpu.memory_space<vmem>>, vector<16xf32>,
            %swap3A_304 = arith.index_cast %while3A_297 : i32 to index
            %swap3A_305 = arith.constant 32 : index
            %swap3A_306 = tpu.vector_load %arg11[%swap3A_304, %swap3A_305] {strides = array<i32>} : memref<64x384xf32, #tpu.memory_space<vmem>>, vector<16xf32>,
            tpu.vector_store %arg11[%swap3A_304, %swap3A_305], %broadcast_in_dim3A_284 {strides = array<i32>} : memref<64x384xf32, #tpu.memory_space<vmem>>, vector<16xf32>,
            %swap3A_307 = arith.index_cast %while3A_297 : i32 to index
            %swap3A_308 = arith.constant 48 : index
            %swap3A_309 = tpu.vector_load %arg11[%swap3A_307, %swap3A_308] {strides = array<i32>} : memref<64x384xf32, #tpu.memory_space<vmem>>, vector<16xf32>,
            tpu.vector_store %arg11[%swap3A_307, %swap3A_308], %broadcast_in_dim3A_284 {strides = array<i32>} : memref<64x384xf32, #tpu.memory_space<vmem>>, vector<16xf32>,
            %swap3A_310 = arith.index_cast %while3A_297 : i32 to index
            %swap3A_311 = arith.constant 64 : index
            %swap3A_312 = tpu.vector_load %arg11[%swap3A_310, %swap3A_311] {strides = array<i32>} : memref<64x384xf32, #tpu.memory_space<vmem>>, vector<16xf32>,
            tpu.vector_store %arg11[%swap3A_310, %swap3A_311], %broadcast_in_dim3A_284 {strides = array<i32>} : memref<64x384xf32, #tpu.memory_space<vmem>>, vector<16xf32>,
            %swap3A_313 = arith.index_cast %while3A_297 : i32 to index
            %swap3A_314 = arith.constant 80 : index
            %swap3A_315 = tpu.vector_load %arg11[%swap3A_313, %swap3A_314] {strides = array<i32>} : memref<64x384xf32, #tpu.memory_space<vmem>>, vector<16xf32>,
            tpu.vector_store %arg11[%swap3A_313, %swap3A_314], %broadcast_in_dim3A_284 {strides = array<i32>} : memref<64x384xf32, #tpu.memory_space<vmem>>, vector<16xf32>,
            %swap3A_316 = arith.index_cast %while3A_297 : i32 to index
            %swap3A_317 = arith.constant 96 : index
            %swap3A_318 = tpu.vector_load %arg11[%swap3A_316, %swap3A_317] {strides = array<i32>} : memref<64x384xf32, #tpu.memory_space<vmem>>, vector<16xf32>,
            tpu.vector_store %arg11[%swap3A_316, %swap3A_317], %broadcast_in_dim3A_284 {strides = array<i32>} : memref<64x384xf32, #tpu.memory_space<vmem>>, vector<16xf32>,
            %swap3A_319 = arith.index_cast %while3A_297 : i32 to index
            %swap3A_320 = arith.constant 112 : index
            %swap3A_321 = tpu.vector_load %arg11[%swap3A_319, %swap3A_320] {strides = array<i32>} : memref<64x384xf32, #tpu.memory_space<vmem>>, vector<16xf32>,
            tpu.vector_store %arg11[%swap3A_319, %swap3A_320], %broadcast_in_dim3A_284 {strides = array<i32>} : memref<64x384xf32, #tpu.memory_space<vmem>>, vector<16xf32>,
            %swap3A_322 = arith.index_cast %while3A_297 : i32 to index
            %swap3A_323 = arith.constant 128 : index
            %swap3A_324 = tpu.vector_load %arg11[%swap3A_322, %swap3A_323] {strides = array<i32>} : memref<64x384xf32, #tpu.memory_space<vmem>>, vector<16xf32>,
            tpu.vector_store %arg11[%swap3A_322, %swap3A_323], %broadcast_in_dim3A_284 {strides = array<i32>} : memref<64x384xf32, #tpu.memory_space<vmem>>, vector<16xf32>,
            %swap3A_325 = arith.index_cast %while3A_297 : i32 to index
            %swap3A_326 = arith.constant 144 : index
            %swap3A_327 = tpu.vector_load %arg11[%swap3A_325, %swap3A_326] {strides = array<i32>} : memref<64x384xf32, #tpu.memory_space<vmem>>, vector<16xf32>,
            tpu.vector_store %arg11[%swap3A_325, %swap3A_326], %broadcast_in_dim3A_284 {strides = array<i32>} : memref<64x384xf32, #tpu.memory_space<vmem>>, vector<16xf32>,
            %swap3A_328 = arith.index_cast %while3A_297 : i32 to index
            %swap3A_329 = arith.constant 160 : index
            %swap3A_330 = tpu.vector_load %arg11[%swap3A_328, %swap3A_329] {strides = array<i32>} : memref<64x384xf32, #tpu.memory_space<vmem>>, vector<16xf32>,
            tpu.vector_store %arg11[%swap3A_328, %swap3A_329], %broadcast_in_dim3A_284 {strides = array<i32>} : memref<64x384xf32, #tpu.memory_space<vmem>>, vector<16xf32>,
            %swap3A_331 = arith.index_cast %while3A_297 : i32 to index
            %swap3A_332 = arith.constant 176 : index
            %swap3A_333 = tpu.vector_load %arg11[%swap3A_331, %swap3A_332] {strides = array<i32>} : memref<64x384xf32, #tpu.memory_space<vmem>>, vector<16xf32>,
            tpu.vector_store %arg11[%swap3A_331, %swap3A_332], %broadcast_in_dim3A_284 {strides = array<i32>} : memref<64x384xf32, #tpu.memory_space<vmem>>, vector<16xf32>,
            %swap3A_334 = arith.index_cast %while3A_297 : i32 to index
            %swap3A_335 = arith.constant 192 : index
            %swap3A_336 = tpu.vector_load %arg11[%swap3A_334, %swap3A_335] {strides = array<i32>} : memref<64x384xf32, #tpu.memory_space<vmem>>, vector<16xf32>,
            tpu.vector_store %arg11[%swap3A_334, %swap3A_335], %broadcast_in_dim3A_284 {strides = array<i32>} : memref<64x384xf32, #tpu.memory_space<vmem>>, vector<16xf32>,
            %swap3A_337 = arith.index_cast %while3A_297 : i32 to index
            %swap3A_338 = arith.constant 208 : index
            %swap3A_339 = tpu.vector_load %arg11[%swap3A_337, %swap3A_338] {strides = array<i32>} : memref<64x384xf32, #tpu.memory_space<vmem>>, vector<16xf32>,
            tpu.vector_store %arg11[%swap3A_337, %swap3A_338], %broadcast_in_dim3A_284 {strides = array<i32>} : memref<64x384xf32, #tpu.memory_space<vmem>>, vector<16xf32>,
            %swap3A_340 = arith.index_cast %while3A_297 : i32 to index
            %swap3A_341 = arith.constant 224 : index
            %swap3A_342 = tpu.vector_load %arg11[%swap3A_340, %swap3A_341] {strides = array<i32>} : memref<64x384xf32, #tpu.memory_space<vmem>>, vector<16xf32>,
            tpu.vector_store %arg11[%swap3A_340, %swap3A_341], %broadcast_in_dim3A_284 {strides = array<i32>} : memref<64x384xf32, #tpu.memory_space<vmem>>, vector<16xf32>,
            %swap3A_343 = arith.index_cast %while3A_297 : i32 to index
            %swap3A_344 = arith.constant 240 : index
            %swap3A_345 = tpu.vector_load %arg11[%swap3A_343, %swap3A_344] {strides = array<i32>} : memref<64x384xf32, #tpu.memory_space<vmem>>, vector<16xf32>,
            tpu.vector_store %arg11[%swap3A_343, %swap3A_344], %broadcast_in_dim3A_284 {strides = array<i32>} : memref<64x384xf32, #tpu.memory_space<vmem>>, vector<16xf32>,
            %swap3A_346 = arith.index_cast %while3A_297 : i32 to index
            %swap3A_347 = arith.constant 256 : index
            %swap3A_348 = tpu.vector_load %arg11[%swap3A_346, %swap3A_347] {strides = array<i32>} : memref<64x384xf32, #tpu.memory_space<vmem>>, vector<16xf32>,
            tpu.vector_store %arg11[%swap3A_346, %swap3A_347], %broadcast_in_dim3A_284 {strides = array<i32>} : memref<64x384xf32, #tpu.memory_space<vmem>>, vector<16xf32>,
            %swap3A_349 = arith.index_cast %while3A_297 : i32 to index
            %swap3A_350 = arith.constant 272 : index
            %swap3A_351 = tpu.vector_load %arg11[%swap3A_349, %swap3A_350] {strides = array<i32>} : memref<64x384xf32, #tpu.memory_space<vmem>>, vector<16xf32>,
            tpu.vector_store %arg11[%swap3A_349, %swap3A_350], %broadcast_in_dim3A_284 {strides = array<i32>} : memref<64x384xf32, #tpu.memory_space<vmem>>, vector<16xf32>,
            %swap3A_352 = arith.index_cast %while3A_297 : i32 to index
            %swap3A_353 = arith.constant 288 : index
            %swap3A_354 = tpu.vector_load %arg11[%swap3A_352, %swap3A_353] {strides = array<i32>} : memref<64x384xf32, #tpu.memory_space<vmem>>, vector<16xf32>,
            tpu.vector_store %arg11[%swap3A_352, %swap3A_353], %broadcast_in_dim3A_284 {strides = array<i32>} : memref<64x384xf32, #tpu.memory_space<vmem>>, vector<16xf32>,
            %swap3A_355 = arith.index_cast %while3A_297 : i32 to index
            %swap3A_356 = arith.constant 304 : index
            %swap3A_357 = tpu.vector_load %arg11[%swap3A_355, %swap3A_356] {strides = array<i32>} : memref<64x384xf32, #tpu.memory_space<vmem>>, vector<16xf32>,
            tpu.vector_store %arg11[%swap3A_355, %swap3A_356], %broadcast_in_dim3A_284 {strides = array<i32>} : memref<64x384xf32, #tpu.memory_space<vmem>>, vector<16xf32>,
            %swap3A_358 = arith.index_cast %while3A_297 : i32 to index
            %swap3A_359 = arith.constant 320 : index
            %swap3A_360 = tpu.vector_load %arg11[%swap3A_358, %swap3A_359] {strides = array<i32>} : memref<64x384xf32, #tpu.memory_space<vmem>>, vector<16xf32>,
            tpu.vector_store %arg11[%swap3A_358, %swap3A_359], %broadcast_in_dim3A_284 {strides = array<i32>} : memref<64x384xf32, #tpu.memory_space<vmem>>, vector<16xf32>,
            %swap3A_361 = arith.index_cast %while3A_297 : i32 to index
            %swap3A_362 = arith.constant 336 : index
            %swap3A_363 = tpu.vector_load %arg11[%swap3A_361, %swap3A_362] {strides = array<i32>} : memref<64x384xf32, #tpu.memory_space<vmem>>, vector<16xf32>,
            tpu.vector_store %arg11[%swap3A_361, %swap3A_362], %broadcast_in_dim3A_284 {strides = array<i32>} : memref<64x384xf32, #tpu.memory_space<vmem>>, vector<16xf32>,
            %swap3A_364 = arith.index_cast %while3A_297 : i32 to index
            %swap3A_365 = arith.constant 352 : index
            %swap3A_366 = tpu.vector_load %arg11[%swap3A_364, %swap3A_365] {strides = array<i32>} : memref<64x384xf32, #tpu.memory_space<vmem>>, vector<16xf32>,
            tpu.vector_store %arg11[%swap3A_364, %swap3A_365], %broadcast_in_dim3A_284 {strides = array<i32>} : memref<64x384xf32, #tpu.memory_space<vmem>>, vector<16xf32>,
            %swap3A_367 = arith.index_cast %while3A_297 : i32 to index
            %swap3A_368 = arith.constant 368 : index
            %swap3A_369 = tpu.vector_load %arg11[%swap3A_367, %swap3A_368] {strides = array<i32>} : memref<64x384xf32, #tpu.memory_space<vmem>>, vector<16xf32>,
            tpu.vector_store %arg11[%swap3A_367, %swap3A_368], %broadcast_in_dim3A_284 {strides = array<i32>} : memref<64x384xf32, #tpu.memory_space<vmem>>, vector<16xf32>,
            %while3A_370 = arith.constant 0 : i32
            scf.yield %while3A_370 : i32
          }
        } else {
        }
        %dma_start3A = arith.constant 0 : i32
        %dma_start3A_278 = tpu.memref_slice %arg6[%add3A, %mul3A_196, %dma_start3A] : memref<16x4096x384xf32, #tpu.memory_space<hbm>> -> memref<1x64x384xf32, #tpu.memory_space<hbm>>
        %dma_start3A_279 = tpu.memref_squeeze %dma_start3A_278 : memref<1x64x384xf32, #tpu.memory_space<hbm>> -> memref<64x384xf32, #tpu.memory_space<hbm>>
        %dma_start3A_280 = arith.constant 0 : i32
        %dma_start3A_281 = tpu.memref_slice %arg6[%add3A, %mul3A_196, %dma_start3A_280] : memref<16x4096x384xf32, #tpu.memory_space<hbm>> -> memref<1x64x384xf32, #tpu.memory_space<hbm>>
        %dma_start3A_282 = tpu.memref_squeeze %dma_start3A_281 : memref<1x64x384xf32, #tpu.memory_space<hbm>> -> memref<64x384xf32, #tpu.memory_space<hbm>>
        tpu.enqueue_dma source(%arg11 : memref<64x384xf32, #tpu.memory_space<vmem>>) target(%dma_start3A_282 : memref<64x384xf32, #tpu.memory_space<hbm>>) target_semaphore(%arg18 : memref<!tpu.dma_semaphore, #tpu.memory_space<semaphore_mem>>)
      } else {
      }
      %jit3A_240 = arith.constant 3 : i32
      %eq3A_241 = arith.constant 0 : i32
      %eq3A_242 = arith.cmpi eq, %jit3A_240, %eq3A_241 : i32
      %jit3A_243 = arith.constant 1 : i32
      %select_n3A_244 = arith.select %eq3A_242, %jit3A_243, %jit3A_240 : i32
      %rem3A_245 = arith.remsi %while3A_190, %select_n3A_244 : i32
      %ne3A_246 = arith.constant 0 : i32
      %ne3A_247 = arith.cmpi ne, %rem3A_245, %ne3A_246 : i32
      %lt3A_248 = arith.constant 0 : i32
      %lt3A_249 = arith.cmpi slt, %rem3A_245, %lt3A_248 : i32
      %lt3A_250 = arith.constant 0 : i32
      %lt3A_251 = arith.cmpi slt, %select_n3A_244, %lt3A_250 : i32
      %ne3A_252 = arith.xori %lt3A_249, %lt3A_251 : i1
      %and3A_253 = arith.andi %ne3A_252, %ne3A_247 : i1
      %add3A_254 = arith.addi %rem3A_245, %select_n3A_244 : i32
      %select_n3A_255 = arith.select %and3A_253, %add3A_254, %rem3A_245 : i32
      %eq3A_256 = arith.constant 2 : i32
      %eq3A_257 = arith.cmpi eq, %select_n3A_255, %eq3A_256 : i32
      %convert_element_type3A_258 = arith.extui %eq3A_257 : i1 to i32
      %cond3A_259 = arith.constant 0 : i32
      %cond3A_260 = arith.cmpi ne, %convert_element_type3A_258, %cond3A_259 : i32
      scf.if %cond3A_260 {
        %add3A_262 = arith.constant 2 : i32
        %add3A_263 = arith.addi %while3A_190, %add3A_262 : i32
        %lt3A_264 = arith.cmpi slt, %add3A_263, %max3A_104 : i32
        %convert_element_type3A_265 = arith.extui %lt3A_264 : i1 to i32
        %cond3A_266 = arith.constant 0 : i32
        %cond3A_267 = arith.cmpi ne, %convert_element_type3A_265, %cond3A_266 : i32
        scf.if %cond3A_267 {
          %ge3A_283 = arith.constant 1 : i32
          %ge3A_284 = arith.cmpi sge, %while3A_190, %ge3A_283 : i32
          %convert_element_type3A_285 = arith.extui %ge3A_284 : i1 to i32
          %cond3A_286 = arith.constant 0 : i32
          %cond3A_287 = arith.cmpi ne, %convert_element_type3A_285, %cond3A_286 : i32
          scf.if %cond3A_287 {
            %dma_wait3A_299 = arith.constant 0 : i32
            %dma_wait3A_300 = arith.constant 0 : i32
            %dma_wait3A_301 = tpu.memref_slice %arg2[%dma_wait3A_299, %dma_wait3A_300] : memref<8192x384xf32, #tpu.memory_space<hbm>> -> memref<64x384xf32, #tpu.memory_space<hbm>>
            %dma_wait3A_302 = arith.constant 0 : i32
            %dma_wait3A_303 = arith.constant 0 : i32
            %dma_wait3A_304 = tpu.memref_slice %arg2[%dma_wait3A_302, %dma_wait3A_303] : memref<8192x384xf32, #tpu.memory_space<hbm>> -> memref<64x384xf32, #tpu.memory_space<hbm>>
            tpu.wait_dma2 semaphore(%arg18 : memref<!tpu.dma_semaphore, #tpu.memory_space<semaphore_mem>>) src(%dma_wait3A_304 : memref<64x384xf32, #tpu.memory_space<hbm>>) dst(%arg11 : memref<64x384xf32, #tpu.memory_space<vmem>>)
          } else {
          }
          %add3A_288 = arith.constant 2 : i32
          %add3A_289 = arith.addi %while3A_190, %add3A_288 : i32
          %mul3A_290 = arith.constant 2 : i32
          %mul3A_291 = arith.muli %mul3A_290, %add3A_289 : i32
          %add3A_292 = arith.addi %mul3A_291, %select_n3A_30 : i32
          %mul3A_293 = arith.constant 64 : i32
          %mul3A_294 = arith.muli %add3A_292, %mul3A_293 : i32
          %dma_start3A_295 = tpu.memref_slice %arg9[%mul3A_294] : memref<4096xi32, #tpu.memory_space<vmem>> -> memref<64xi32, #tpu.memory_space<vmem>>
          %dma_start3A_296 = arith.constant 0 : i32
          %dma_start3A_297 = arith.constant 0 : i32
          %dma_start3A_298 = tpu.memref_slice %arg2[%dma_start3A_296, %dma_start3A_297] : memref<8192x384xf32, #tpu.memory_space<hbm>> -> memref<8192x384xf32, #tpu.memory_space<hbm>>
          tpu.enqueue_indirect_dma source(%dma_start3A_298 : memref<8192x384xf32, #tpu.memory_space<hbm>>) target(%arg11 : memref<64x384xf32, #tpu.memory_space<vmem>>) offsets(%dma_start3A_295 : memref<64xi32, #tpu.memory_space<vmem>>) semaphore(%arg15 : memref<!tpu.dma_semaphore, #tpu.memory_space<semaphore_mem>>)
        } else {
        }
        %dma_wait3A = arith.constant 0 : i32
        %dma_wait3A_268 = arith.constant 0 : i32
        %dma_wait3A_269 = tpu.memref_slice %arg2[%dma_wait3A, %dma_wait3A_268] : memref<8192x384xf32, #tpu.memory_space<hbm>> -> memref<64x384xf32, #tpu.memory_space<hbm>>
        %dma_wait3A_270 = arith.constant 0 : i32
        %dma_wait3A_271 = arith.constant 0 : i32
        %dma_wait3A_272 = tpu.memref_slice %arg2[%dma_wait3A_270, %dma_wait3A_271] : memref<8192x384xf32, #tpu.memory_space<hbm>> -> memref<64x384xf32, #tpu.memory_space<hbm>>
        tpu.wait_dma2 semaphore(%arg16 : memref<!tpu.dma_semaphore, #tpu.memory_space<semaphore_mem>>) src(%dma_wait3A_272 : memref<64x384xf32, #tpu.memory_space<hbm>>) dst(%arg12 : memref<64x384xf32, #tpu.memory_space<vmem>>)
        %lt3A_273 = arith.constant 64 : i32
        %lt3A_274 = arith.cmpi slt, %sub3A_197, %lt3A_273 : i32
        %convert_element_type3A_275 = arith.extui %lt3A_274 : i1 to i32
        %cond3A_276 = arith.constant 0 : i32
        %cond3A_277 = arith.cmpi ne, %convert_element_type3A_275, %cond3A_276 : i32
        scf.if %cond3A_277 {
          %broadcast_in_dim3A_283 = arith.constant 0.000000e+00 : f32
          %broadcast_in_dim3A_284 = vector.broadcast %broadcast_in_dim3A_283 : f32 to vector<16xf32>
          %while3A_285 = arith.constant 64 : i32
          %while3A_286 = arith.constant 0 : i32
          %while3A_287 = arith.subi %while3A_285, %sub3A_197 : i32
          %while3A_288 = arith.addi %sub3A_197, %while3A_287 : i32
          %while3A_289 = arith.constant 1 : i32
          %while3A_290 = arith.divsi %while3A_287, %while3A_289 : i32
          %while3A_291 = arith.muli %while3A_290, %while3A_289 : i32
          %while3A_292 = arith.addi %sub3A_197, %while3A_291 : i32
          %while3A_293 = arith.constant 1 : i32
          %while3A_294 = scf.for %while3A_297 = %sub3A_197 to %while3A_292 step %while3A_293 iter_args(%while3A_298 = %while3A_286) -> (i32)  : i32 {
            %swap3A = arith.index_cast %while3A_297 : i32 to index
            %swap3A_299 = arith.constant 0 : index
            %swap3A_300 = tpu.vector_load %arg12[%swap3A, %swap3A_299] {strides = array<i32>} : memref<64x384xf32, #tpu.memory_space<vmem>>, vector<16xf32>,
            tpu.vector_store %arg12[%swap3A, %swap3A_299], %broadcast_in_dim3A_284 {strides = array<i32>} : memref<64x384xf32, #tpu.memory_space<vmem>>, vector<16xf32>,
            %swap3A_301 = arith.index_cast %while3A_297 : i32 to index
            %swap3A_302 = arith.constant 16 : index
            %swap3A_303 = tpu.vector_load %arg12[%swap3A_301, %swap3A_302] {strides = array<i32>} : memref<64x384xf32, #tpu.memory_space<vmem>>, vector<16xf32>,
            tpu.vector_store %arg12[%swap3A_301, %swap3A_302], %broadcast_in_dim3A_284 {strides = array<i32>} : memref<64x384xf32, #tpu.memory_space<vmem>>, vector<16xf32>,
            %swap3A_304 = arith.index_cast %while3A_297 : i32 to index
            %swap3A_305 = arith.constant 32 : index
            %swap3A_306 = tpu.vector_load %arg12[%swap3A_304, %swap3A_305] {strides = array<i32>} : memref<64x384xf32, #tpu.memory_space<vmem>>, vector<16xf32>,
            tpu.vector_store %arg12[%swap3A_304, %swap3A_305], %broadcast_in_dim3A_284 {strides = array<i32>} : memref<64x384xf32, #tpu.memory_space<vmem>>, vector<16xf32>,
            %swap3A_307 = arith.index_cast %while3A_297 : i32 to index
            %swap3A_308 = arith.constant 48 : index
            %swap3A_309 = tpu.vector_load %arg12[%swap3A_307, %swap3A_308] {strides = array<i32>} : memref<64x384xf32, #tpu.memory_space<vmem>>, vector<16xf32>,
            tpu.vector_store %arg12[%swap3A_307, %swap3A_308], %broadcast_in_dim3A_284 {strides = array<i32>} : memref<64x384xf32, #tpu.memory_space<vmem>>, vector<16xf32>,
            %swap3A_310 = arith.index_cast %while3A_297 : i32 to index
            %swap3A_311 = arith.constant 64 : index
            %swap3A_312 = tpu.vector_load %arg12[%swap3A_310, %swap3A_311] {strides = array<i32>} : memref<64x384xf32, #tpu.memory_space<vmem>>, vector<16xf32>,
            tpu.vector_store %arg12[%swap3A_310, %swap3A_311], %broadcast_in_dim3A_284 {strides = array<i32>} : memref<64x384xf32, #tpu.memory_space<vmem>>, vector<16xf32>,
            %swap3A_313 = arith.index_cast %while3A_297 : i32 to index
            %swap3A_314 = arith.constant 80 : index
            %swap3A_315 = tpu.vector_load %arg12[%swap3A_313, %swap3A_314] {strides = array<i32>} : memref<64x384xf32, #tpu.memory_space<vmem>>, vector<16xf32>,
            tpu.vector_store %arg12[%swap3A_313, %swap3A_314], %broadcast_in_dim3A_284 {strides = array<i32>} : memref<64x384xf32, #tpu.memory_space<vmem>>, vector<16xf32>,
            %swap3A_316 = arith.index_cast %while3A_297 : i32 to index
            %swap3A_317 = arith.constant 96 : index
            %swap3A_318 = tpu.vector_load %arg12[%swap3A_316, %swap3A_317] {strides = array<i32>} : memref<64x384xf32, #tpu.memory_space<vmem>>, vector<16xf32>,
            tpu.vector_store %arg12[%swap3A_316, %swap3A_317], %broadcast_in_dim3A_284 {strides = array<i32>} : memref<64x384xf32, #tpu.memory_space<vmem>>, vector<16xf32>,
            %swap3A_319 = arith.index_cast %while3A_297 : i32 to index
            %swap3A_320 = arith.constant 112 : index
            %swap3A_321 = tpu.vector_load %arg12[%swap3A_319, %swap3A_320] {strides = array<i32>} : memref<64x384xf32, #tpu.memory_space<vmem>>, vector<16xf32>,
            tpu.vector_store %arg12[%swap3A_319, %swap3A_320], %broadcast_in_dim3A_284 {strides = array<i32>} : memref<64x384xf32, #tpu.memory_space<vmem>>, vector<16xf32>,
            %swap3A_322 = arith.index_cast %while3A_297 : i32 to index
            %swap3A_323 = arith.constant 128 : index
            %swap3A_324 = tpu.vector_load %arg12[%swap3A_322, %swap3A_323] {strides = array<i32>} : memref<64x384xf32, #tpu.memory_space<vmem>>, vector<16xf32>,
            tpu.vector_store %arg12[%swap3A_322, %swap3A_323], %broadcast_in_dim3A_284 {strides = array<i32>} : memref<64x384xf32, #tpu.memory_space<vmem>>, vector<16xf32>,
            %swap3A_325 = arith.index_cast %while3A_297 : i32 to index
            %swap3A_326 = arith.constant 144 : index
            %swap3A_327 = tpu.vector_load %arg12[%swap3A_325, %swap3A_326] {strides = array<i32>} : memref<64x384xf32, #tpu.memory_space<vmem>>, vector<16xf32>,
            tpu.vector_store %arg12[%swap3A_325, %swap3A_326], %broadcast_in_dim3A_284 {strides = array<i32>} : memref<64x384xf32, #tpu.memory_space<vmem>>, vector<16xf32>,
            %swap3A_328 = arith.index_cast %while3A_297 : i32 to index
            %swap3A_329 = arith.constant 160 : index
            %swap3A_330 = tpu.vector_load %arg12[%swap3A_328, %swap3A_329] {strides = array<i32>} : memref<64x384xf32, #tpu.memory_space<vmem>>, vector<16xf32>,
            tpu.vector_store %arg12[%swap3A_328, %swap3A_329], %broadcast_in_dim3A_284 {strides = array<i32>} : memref<64x384xf32, #tpu.memory_space<vmem>>, vector<16xf32>,
            %swap3A_331 = arith.index_cast %while3A_297 : i32 to index
            %swap3A_332 = arith.constant 176 : index
            %swap3A_333 = tpu.vector_load %arg12[%swap3A_331, %swap3A_332] {strides = array<i32>} : memref<64x384xf32, #tpu.memory_space<vmem>>, vector<16xf32>,
            tpu.vector_store %arg12[%swap3A_331, %swap3A_332], %broadcast_in_dim3A_284 {strides = array<i32>} : memref<64x384xf32, #tpu.memory_space<vmem>>, vector<16xf32>,
            %swap3A_334 = arith.index_cast %while3A_297 : i32 to index
            %swap3A_335 = arith.constant 192 : index
            %swap3A_336 = tpu.vector_load %arg12[%swap3A_334, %swap3A_335] {strides = array<i32>} : memref<64x384xf32, #tpu.memory_space<vmem>>, vector<16xf32>,
            tpu.vector_store %arg12[%swap3A_334, %swap3A_335], %broadcast_in_dim3A_284 {strides = array<i32>} : memref<64x384xf32, #tpu.memory_space<vmem>>, vector<16xf32>,
            %swap3A_337 = arith.index_cast %while3A_297 : i32 to index
            %swap3A_338 = arith.constant 208 : index
            %swap3A_339 = tpu.vector_load %arg12[%swap3A_337, %swap3A_338] {strides = array<i32>} : memref<64x384xf32, #tpu.memory_space<vmem>>, vector<16xf32>,
            tpu.vector_store %arg12[%swap3A_337, %swap3A_338], %broadcast_in_dim3A_284 {strides = array<i32>} : memref<64x384xf32, #tpu.memory_space<vmem>>, vector<16xf32>,
            %swap3A_340 = arith.index_cast %while3A_297 : i32 to index
            %swap3A_341 = arith.constant 224 : index
            %swap3A_342 = tpu.vector_load %arg12[%swap3A_340, %swap3A_341] {strides = array<i32>} : memref<64x384xf32, #tpu.memory_space<vmem>>, vector<16xf32>,
            tpu.vector_store %arg12[%swap3A_340, %swap3A_341], %broadcast_in_dim3A_284 {strides = array<i32>} : memref<64x384xf32, #tpu.memory_space<vmem>>, vector<16xf32>,
            %swap3A_343 = arith.index_cast %while3A_297 : i32 to index
            %swap3A_344 = arith.constant 240 : index
            %swap3A_345 = tpu.vector_load %arg12[%swap3A_343, %swap3A_344] {strides = array<i32>} : memref<64x384xf32, #tpu.memory_space<vmem>>, vector<16xf32>,
            tpu.vector_store %arg12[%swap3A_343, %swap3A_344], %broadcast_in_dim3A_284 {strides = array<i32>} : memref<64x384xf32, #tpu.memory_space<vmem>>, vector<16xf32>,
            %swap3A_346 = arith.index_cast %while3A_297 : i32 to index
            %swap3A_347 = arith.constant 256 : index
            %swap3A_348 = tpu.vector_load %arg12[%swap3A_346, %swap3A_347] {strides = array<i32>} : memref<64x384xf32, #tpu.memory_space<vmem>>, vector<16xf32>,
            tpu.vector_store %arg12[%swap3A_346, %swap3A_347], %broadcast_in_dim3A_284 {strides = array<i32>} : memref<64x384xf32, #tpu.memory_space<vmem>>, vector<16xf32>,
            %swap3A_349 = arith.index_cast %while3A_297 : i32 to index
            %swap3A_350 = arith.constant 272 : index
            %swap3A_351 = tpu.vector_load %arg12[%swap3A_349, %swap3A_350] {strides = array<i32>} : memref<64x384xf32, #tpu.memory_space<vmem>>, vector<16xf32>,
            tpu.vector_store %arg12[%swap3A_349, %swap3A_350], %broadcast_in_dim3A_284 {strides = array<i32>} : memref<64x384xf32, #tpu.memory_space<vmem>>, vector<16xf32>,
            %swap3A_352 = arith.index_cast %while3A_297 : i32 to index
            %swap3A_353 = arith.constant 288 : index
            %swap3A_354 = tpu.vector_load %arg12[%swap3A_352, %swap3A_353] {strides = array<i32>} : memref<64x384xf32, #tpu.memory_space<vmem>>, vector<16xf32>,
            tpu.vector_store %arg12[%swap3A_352, %swap3A_353], %broadcast_in_dim3A_284 {strides = array<i32>} : memref<64x384xf32, #tpu.memory_space<vmem>>, vector<16xf32>,
            %swap3A_355 = arith.index_cast %while3A_297 : i32 to index
            %swap3A_356 = arith.constant 304 : index
            %swap3A_357 = tpu.vector_load %arg12[%swap3A_355, %swap3A_356] {strides = array<i32>} : memref<64x384xf32, #tpu.memory_space<vmem>>, vector<16xf32>,
            tpu.vector_store %arg12[%swap3A_355, %swap3A_356], %broadcast_in_dim3A_284 {strides = array<i32>} : memref<64x384xf32, #tpu.memory_space<vmem>>, vector<16xf32>,
            %swap3A_358 = arith.index_cast %while3A_297 : i32 to index
            %swap3A_359 = arith.constant 320 : index
            %swap3A_360 = tpu.vector_load %arg12[%swap3A_358, %swap3A_359] {strides = array<i32>} : memref<64x384xf32, #tpu.memory_space<vmem>>, vector<16xf32>,
            tpu.vector_store %arg12[%swap3A_358, %swap3A_359], %broadcast_in_dim3A_284 {strides = array<i32>} : memref<64x384xf32, #tpu.memory_space<vmem>>, vector<16xf32>,
            %swap3A_361 = arith.index_cast %while3A_297 : i32 to index
            %swap3A_362 = arith.constant 336 : index
            %swap3A_363 = tpu.vector_load %arg12[%swap3A_361, %swap3A_362] {strides = array<i32>} : memref<64x384xf32, #tpu.memory_space<vmem>>, vector<16xf32>,
            tpu.vector_store %arg12[%swap3A_361, %swap3A_362], %broadcast_in_dim3A_284 {strides = array<i32>} : memref<64x384xf32, #tpu.memory_space<vmem>>, vector<16xf32>,
            %swap3A_364 = arith.index_cast %while3A_297 : i32 to index
            %swap3A_365 = arith.constant 352 : index
            %swap3A_366 = tpu.vector_load %arg12[%swap3A_364, %swap3A_365] {strides = array<i32>} : memref<64x384xf32, #tpu.memory_space<vmem>>, vector<16xf32>,
            tpu.vector_store %arg12[%swap3A_364, %swap3A_365], %broadcast_in_dim3A_284 {strides = array<i32>} : memref<64x384xf32, #tpu.memory_space<vmem>>, vector<16xf32>,
            %swap3A_367 = arith.index_cast %while3A_297 : i32 to index
            %swap3A_368 = arith.constant 368 : index
            %swap3A_369 = tpu.vector_load %arg12[%swap3A_367, %swap3A_368] {strides = array<i32>} : memref<64x384xf32, #tpu.memory_space<vmem>>, vector<16xf32>,
            tpu.vector_store %arg12[%swap3A_367, %swap3A_368], %broadcast_in_dim3A_284 {strides = array<i32>} : memref<64x384xf32, #tpu.memory_space<vmem>>, vector<16xf32>,
            %while3A_370 = arith.constant 0 : i32
            scf.yield %while3A_370 : i32
          }
          %while3A_295 = arith.constant 1 : i32
          %while3A_296 = scf.for %while3A_297 = %while3A_292 to %while3A_288 step %while3A_295 iter_args(%while3A_298 = %while3A_294) -> (i32)  : i32 {
            %swap3A = arith.index_cast %while3A_297 : i32 to index
            %swap3A_299 = arith.constant 0 : index
            %swap3A_300 = tpu.vector_load %arg12[%swap3A, %swap3A_299] {strides = array<i32>} : memref<64x384xf32, #tpu.memory_space<vmem>>, vector<16xf32>,
            tpu.vector_store %arg12[%swap3A, %swap3A_299], %broadcast_in_dim3A_284 {strides = array<i32>} : memref<64x384xf32, #tpu.memory_space<vmem>>, vector<16xf32>,
            %swap3A_301 = arith.index_cast %while3A_297 : i32 to index
            %swap3A_302 = arith.constant 16 : index
            %swap3A_303 = tpu.vector_load %arg12[%swap3A_301, %swap3A_302] {strides = array<i32>} : memref<64x384xf32, #tpu.memory_space<vmem>>, vector<16xf32>,
            tpu.vector_store %arg12[%swap3A_301, %swap3A_302], %broadcast_in_dim3A_284 {strides = array<i32>} : memref<64x384xf32, #tpu.memory_space<vmem>>, vector<16xf32>,
            %swap3A_304 = arith.index_cast %while3A_297 : i32 to index
            %swap3A_305 = arith.constant 32 : index
            %swap3A_306 = tpu.vector_load %arg12[%swap3A_304, %swap3A_305] {strides = array<i32>} : memref<64x384xf32, #tpu.memory_space<vmem>>, vector<16xf32>,
            tpu.vector_store %arg12[%swap3A_304, %swap3A_305], %broadcast_in_dim3A_284 {strides = array<i32>} : memref<64x384xf32, #tpu.memory_space<vmem>>, vector<16xf32>,
            %swap3A_307 = arith.index_cast %while3A_297 : i32 to index
            %swap3A_308 = arith.constant 48 : index
            %swap3A_309 = tpu.vector_load %arg12[%swap3A_307, %swap3A_308] {strides = array<i32>} : memref<64x384xf32, #tpu.memory_space<vmem>>, vector<16xf32>,
            tpu.vector_store %arg12[%swap3A_307, %swap3A_308], %broadcast_in_dim3A_284 {strides = array<i32>} : memref<64x384xf32, #tpu.memory_space<vmem>>, vector<16xf32>,
            %swap3A_310 = arith.index_cast %while3A_297 : i32 to index
            %swap3A_311 = arith.constant 64 : index
            %swap3A_312 = tpu.vector_load %arg12[%swap3A_310, %swap3A_311] {strides = array<i32>} : memref<64x384xf32, #tpu.memory_space<vmem>>, vector<16xf32>,
            tpu.vector_store %arg12[%swap3A_310, %swap3A_311], %broadcast_in_dim3A_284 {strides = array<i32>} : memref<64x384xf32, #tpu.memory_space<vmem>>, vector<16xf32>,
            %swap3A_313 = arith.index_cast %while3A_297 : i32 to index
            %swap3A_314 = arith.constant 80 : index
            %swap3A_315 = tpu.vector_load %arg12[%swap3A_313, %swap3A_314] {strides = array<i32>} : memref<64x384xf32, #tpu.memory_space<vmem>>, vector<16xf32>,
            tpu.vector_store %arg12[%swap3A_313, %swap3A_314], %broadcast_in_dim3A_284 {strides = array<i32>} : memref<64x384xf32, #tpu.memory_space<vmem>>, vector<16xf32>,
            %swap3A_316 = arith.index_cast %while3A_297 : i32 to index
            %swap3A_317 = arith.constant 96 : index
            %swap3A_318 = tpu.vector_load %arg12[%swap3A_316, %swap3A_317] {strides = array<i32>} : memref<64x384xf32, #tpu.memory_space<vmem>>, vector<16xf32>,
            tpu.vector_store %arg12[%swap3A_316, %swap3A_317], %broadcast_in_dim3A_284 {strides = array<i32>} : memref<64x384xf32, #tpu.memory_space<vmem>>, vector<16xf32>,
            %swap3A_319 = arith.index_cast %while3A_297 : i32 to index
            %swap3A_320 = arith.constant 112 : index
            %swap3A_321 = tpu.vector_load %arg12[%swap3A_319, %swap3A_320] {strides = array<i32>} : memref<64x384xf32, #tpu.memory_space<vmem>>, vector<16xf32>,
            tpu.vector_store %arg12[%swap3A_319, %swap3A_320], %broadcast_in_dim3A_284 {strides = array<i32>} : memref<64x384xf32, #tpu.memory_space<vmem>>, vector<16xf32>,
            %swap3A_322 = arith.index_cast %while3A_297 : i32 to index
            %swap3A_323 = arith.constant 128 : index
            %swap3A_324 = tpu.vector_load %arg12[%swap3A_322, %swap3A_323] {strides = array<i32>} : memref<64x384xf32, #tpu.memory_space<vmem>>, vector<16xf32>,
            tpu.vector_store %arg12[%swap3A_322, %swap3A_323], %broadcast_in_dim3A_284 {strides = array<i32>} : memref<64x384xf32, #tpu.memory_space<vmem>>, vector<16xf32>,
            %swap3A_325 = arith.index_cast %while3A_297 : i32 to index
            %swap3A_326 = arith.constant 144 : index
            %swap3A_327 = tpu.vector_load %arg12[%swap3A_325, %swap3A_326] {strides = array<i32>} : memref<64x384xf32, #tpu.memory_space<vmem>>, vector<16xf32>,
            tpu.vector_store %arg12[%swap3A_325, %swap3A_326], %broadcast_in_dim3A_284 {strides = array<i32>} : memref<64x384xf32, #tpu.memory_space<vmem>>, vector<16xf32>,
            %swap3A_328 = arith.index_cast %while3A_297 : i32 to index
            %swap3A_329 = arith.constant 160 : index
            %swap3A_330 = tpu.vector_load %arg12[%swap3A_328, %swap3A_329] {strides = array<i32>} : memref<64x384xf32, #tpu.memory_space<vmem>>, vector<16xf32>,
            tpu.vector_store %arg12[%swap3A_328, %swap3A_329], %broadcast_in_dim3A_284 {strides = array<i32>} : memref<64x384xf32, #tpu.memory_space<vmem>>, vector<16xf32>,
            %swap3A_331 = arith.index_cast %while3A_297 : i32 to index
            %swap3A_332 = arith.constant 176 : index
            %swap3A_333 = tpu.vector_load %arg12[%swap3A_331, %swap3A_332] {strides = array<i32>} : memref<64x384xf32, #tpu.memory_space<vmem>>, vector<16xf32>,
            tpu.vector_store %arg12[%swap3A_331, %swap3A_332], %broadcast_in_dim3A_284 {strides = array<i32>} : memref<64x384xf32, #tpu.memory_space<vmem>>, vector<16xf32>,
            %swap3A_334 = arith.index_cast %while3A_297 : i32 to index
            %swap3A_335 = arith.constant 192 : index
            %swap3A_336 = tpu.vector_load %arg12[%swap3A_334, %swap3A_335] {strides = array<i32>} : memref<64x384xf32, #tpu.memory_space<vmem>>, vector<16xf32>,
            tpu.vector_store %arg12[%swap3A_334, %swap3A_335], %broadcast_in_dim3A_284 {strides = array<i32>} : memref<64x384xf32, #tpu.memory_space<vmem>>, vector<16xf32>,
            %swap3A_337 = arith.index_cast %while3A_297 : i32 to index
            %swap3A_338 = arith.constant 208 : index
            %swap3A_339 = tpu.vector_load %arg12[%swap3A_337, %swap3A_338] {strides = array<i32>} : memref<64x384xf32, #tpu.memory_space<vmem>>, vector<16xf32>,
            tpu.vector_store %arg12[%swap3A_337, %swap3A_338], %broadcast_in_dim3A_284 {strides = array<i32>} : memref<64x384xf32, #tpu.memory_space<vmem>>, vector<16xf32>,
            %swap3A_340 = arith.index_cast %while3A_297 : i32 to index
            %swap3A_341 = arith.constant 224 : index
            %swap3A_342 = tpu.vector_load %arg12[%swap3A_340, %swap3A_341] {strides = array<i32>} : memref<64x384xf32, #tpu.memory_space<vmem>>, vector<16xf32>,
            tpu.vector_store %arg12[%swap3A_340, %swap3A_341], %broadcast_in_dim3A_284 {strides = array<i32>} : memref<64x384xf32, #tpu.memory_space<vmem>>, vector<16xf32>,
            %swap3A_343 = arith.index_cast %while3A_297 : i32 to index
            %swap3A_344 = arith.constant 240 : index
            %swap3A_345 = tpu.vector_load %arg12[%swap3A_343, %swap3A_344] {strides = array<i32>} : memref<64x384xf32, #tpu.memory_space<vmem>>, vector<16xf32>,
            tpu.vector_store %arg12[%swap3A_343, %swap3A_344], %broadcast_in_dim3A_284 {strides = array<i32>} : memref<64x384xf32, #tpu.memory_space<vmem>>, vector<16xf32>,
            %swap3A_346 = arith.index_cast %while3A_297 : i32 to index
            %swap3A_347 = arith.constant 256 : index
            %swap3A_348 = tpu.vector_load %arg12[%swap3A_346, %swap3A_347] {strides = array<i32>} : memref<64x384xf32, #tpu.memory_space<vmem>>, vector<16xf32>,
            tpu.vector_store %arg12[%swap3A_346, %swap3A_347], %broadcast_in_dim3A_284 {strides = array<i32>} : memref<64x384xf32, #tpu.memory_space<vmem>>, vector<16xf32>,
            %swap3A_349 = arith.index_cast %while3A_297 : i32 to index
            %swap3A_350 = arith.constant 272 : index
            %swap3A_351 = tpu.vector_load %arg12[%swap3A_349, %swap3A_350] {strides = array<i32>} : memref<64x384xf32, #tpu.memory_space<vmem>>, vector<16xf32>,
            tpu.vector_store %arg12[%swap3A_349, %swap3A_350], %broadcast_in_dim3A_284 {strides = array<i32>} : memref<64x384xf32, #tpu.memory_space<vmem>>, vector<16xf32>,
            %swap3A_352 = arith.index_cast %while3A_297 : i32 to index
            %swap3A_353 = arith.constant 288 : index
            %swap3A_354 = tpu.vector_load %arg12[%swap3A_352, %swap3A_353] {strides = array<i32>} : memref<64x384xf32, #tpu.memory_space<vmem>>, vector<16xf32>,
            tpu.vector_store %arg12[%swap3A_352, %swap3A_353], %broadcast_in_dim3A_284 {strides = array<i32>} : memref<64x384xf32, #tpu.memory_space<vmem>>, vector<16xf32>,
            %swap3A_355 = arith.index_cast %while3A_297 : i32 to index
            %swap3A_356 = arith.constant 304 : index
            %swap3A_357 = tpu.vector_load %arg12[%swap3A_355, %swap3A_356] {strides = array<i32>} : memref<64x384xf32, #tpu.memory_space<vmem>>, vector<16xf32>,
            tpu.vector_store %arg12[%swap3A_355, %swap3A_356], %broadcast_in_dim3A_284 {strides = array<i32>} : memref<64x384xf32, #tpu.memory_space<vmem>>, vector<16xf32>,
            %swap3A_358 = arith.index_cast %while3A_297 : i32 to index
            %swap3A_359 = arith.constant 320 : index
            %swap3A_360 = tpu.vector_load %arg12[%swap3A_358, %swap3A_359] {strides = array<i32>} : memref<64x384xf32, #tpu.memory_space<vmem>>, vector<16xf32>,
            tpu.vector_store %arg12[%swap3A_358, %swap3A_359], %broadcast_in_dim3A_284 {strides = array<i32>} : memref<64x384xf32, #tpu.memory_space<vmem>>, vector<16xf32>,
            %swap3A_361 = arith.index_cast %while3A_297 : i32 to index
            %swap3A_362 = arith.constant 336 : index
            %swap3A_363 = tpu.vector_load %arg12[%swap3A_361, %swap3A_362] {strides = array<i32>} : memref<64x384xf32, #tpu.memory_space<vmem>>, vector<16xf32>,
            tpu.vector_store %arg12[%swap3A_361, %swap3A_362], %broadcast_in_dim3A_284 {strides = array<i32>} : memref<64x384xf32, #tpu.memory_space<vmem>>, vector<16xf32>,
            %swap3A_364 = arith.index_cast %while3A_297 : i32 to index
            %swap3A_365 = arith.constant 352 : index
            %swap3A_366 = tpu.vector_load %arg12[%swap3A_364, %swap3A_365] {strides = array<i32>} : memref<64x384xf32, #tpu.memory_space<vmem>>, vector<16xf32>,
            tpu.vector_store %arg12[%swap3A_364, %swap3A_365], %broadcast_in_dim3A_284 {strides = array<i32>} : memref<64x384xf32, #tpu.memory_space<vmem>>, vector<16xf32>,
            %swap3A_367 = arith.index_cast %while3A_297 : i32 to index
            %swap3A_368 = arith.constant 368 : index
            %swap3A_369 = tpu.vector_load %arg12[%swap3A_367, %swap3A_368] {strides = array<i32>} : memref<64x384xf32, #tpu.memory_space<vmem>>, vector<16xf32>,
            tpu.vector_store %arg12[%swap3A_367, %swap3A_368], %broadcast_in_dim3A_284 {strides = array<i32>} : memref<64x384xf32, #tpu.memory_space<vmem>>, vector<16xf32>,
            %while3A_370 = arith.constant 0 : i32
            scf.yield %while3A_370 : i32
          }
        } else {
        }
        %dma_start3A = arith.constant 0 : i32
        %dma_start3A_278 = tpu.memref_slice %arg6[%add3A, %mul3A_196, %dma_start3A] : memref<16x4096x384xf32, #tpu.memory_space<hbm>> -> memref<1x64x384xf32, #tpu.memory_space<hbm>>
        %dma_start3A_279 = tpu.memref_squeeze %dma_start3A_278 : memref<1x64x384xf32, #tpu.memory_space<hbm>> -> memref<64x384xf32, #tpu.memory_space<hbm>>
        %dma_start3A_280 = arith.constant 0 : i32
        %dma_start3A_281 = tpu.memref_slice %arg6[%add3A, %mul3A_196, %dma_start3A_280] : memref<16x4096x384xf32, #tpu.memory_space<hbm>> -> memref<1x64x384xf32, #tpu.memory_space<hbm>>
        %dma_start3A_282 = tpu.memref_squeeze %dma_start3A_281 : memref<1x64x384xf32, #tpu.memory_space<hbm>> -> memref<64x384xf32, #tpu.memory_space<hbm>>
        tpu.enqueue_dma source(%arg12 : memref<64x384xf32, #tpu.memory_space<vmem>>) target(%dma_start3A_282 : memref<64x384xf32, #tpu.memory_space<hbm>>) target_semaphore(%arg19 : memref<!tpu.dma_semaphore, #tpu.memory_space<semaphore_mem>>)
      } else {
      }
      %while3A_261 = arith.constant 0 : i32
      scf.yield %while3A_261 : i32
    }
    %while3A_157 = arith.constant 1 : i32
    %while3A_158 = scf.for %while3A_190 = %while3A_154 to %while3A_150 step %while3A_157 iter_args(%while3A_191 = %while3A_156) -> (i32)  : i32 {
      %mul3A_192 = arith.constant 2 : i32
      %mul3A_193 = arith.muli %mul3A_192, %while3A_190 : i32
      %add3A_194 = arith.addi %mul3A_193, %select_n3A_30 : i32
      %mul3A_195 = arith.constant 64 : i32
      %mul3A_196 = arith.muli %add3A_194, %mul3A_195 : i32
      %sub3A_197 = arith.subi %reduce_max3A_48, %mul3A_196 : i32
      %jit3A_198 = arith.constant 3 : i32
      %eq3A_199 = arith.constant 0 : i32
      %eq3A_200 = arith.cmpi eq, %jit3A_198, %eq3A_199 : i32
      %jit3A_201 = arith.constant 1 : i32
      %select_n3A_202 = arith.select %eq3A_200, %jit3A_201, %jit3A_198 : i32
      %rem3A_203 = arith.remsi %while3A_190, %select_n3A_202 : i32
      %ne3A_204 = arith.constant 0 : i32
      %ne3A_205 = arith.cmpi ne, %rem3A_203, %ne3A_204 : i32
      %lt3A_206 = arith.constant 0 : i32
      %lt3A_207 = arith.cmpi slt, %rem3A_203, %lt3A_206 : i32
      %lt3A_208 = arith.constant 0 : i32
      %lt3A_209 = arith.cmpi slt, %select_n3A_202, %lt3A_208 : i32
      %ne3A_210 = arith.xori %lt3A_207, %lt3A_209 : i1
      %and3A_211 = arith.andi %ne3A_210, %ne3A_205 : i1
      %add3A_212 = arith.addi %rem3A_203, %select_n3A_202 : i32
      %select_n3A_213 = arith.select %and3A_211, %add3A_212, %rem3A_203 : i32
      %eq3A_214 = arith.constant 0 : i32
      %eq3A_215 = arith.cmpi eq, %select_n3A_213, %eq3A_214 : i32
      %convert_element_type3A_216 = arith.extui %eq3A_215 : i1 to i32
      %cond3A_217 = arith.constant 0 : i32
      %cond3A_218 = arith.cmpi ne, %convert_element_type3A_216, %cond3A_217 : i32
      scf.if %cond3A_218 {
        %add3A_262 = arith.constant 2 : i32
        %add3A_263 = arith.addi %while3A_190, %add3A_262 : i32
        %lt3A_264 = arith.cmpi slt, %add3A_263, %max3A_104 : i32
        %convert_element_type3A_265 = arith.extui %lt3A_264 : i1 to i32
        %cond3A_266 = arith.constant 0 : i32
        %cond3A_267 = arith.cmpi ne, %convert_element_type3A_265, %cond3A_266 : i32
        scf.if %cond3A_267 {
          %ge3A_283 = arith.constant 1 : i32
          %ge3A_284 = arith.cmpi sge, %while3A_190, %ge3A_283 : i32
          %convert_element_type3A_285 = arith.extui %ge3A_284 : i1 to i32
          %cond3A_286 = arith.constant 0 : i32
          %cond3A_287 = arith.cmpi ne, %convert_element_type3A_285, %cond3A_286 : i32
          scf.if %cond3A_287 {
            %dma_wait3A_299 = arith.constant 0 : i32
            %dma_wait3A_300 = arith.constant 0 : i32
            %dma_wait3A_301 = tpu.memref_slice %arg2[%dma_wait3A_299, %dma_wait3A_300] : memref<8192x384xf32, #tpu.memory_space<hbm>> -> memref<64x384xf32, #tpu.memory_space<hbm>>
            %dma_wait3A_302 = arith.constant 0 : i32
            %dma_wait3A_303 = arith.constant 0 : i32
            %dma_wait3A_304 = tpu.memref_slice %arg2[%dma_wait3A_302, %dma_wait3A_303] : memref<8192x384xf32, #tpu.memory_space<hbm>> -> memref<64x384xf32, #tpu.memory_space<hbm>>
            tpu.wait_dma2 semaphore(%arg19 : memref<!tpu.dma_semaphore, #tpu.memory_space<semaphore_mem>>) src(%dma_wait3A_304 : memref<64x384xf32, #tpu.memory_space<hbm>>) dst(%arg12 : memref<64x384xf32, #tpu.memory_space<vmem>>)
          } else {
          }
          %add3A_288 = arith.constant 2 : i32
          %add3A_289 = arith.addi %while3A_190, %add3A_288 : i32
          %mul3A_290 = arith.constant 2 : i32
          %mul3A_291 = arith.muli %mul3A_290, %add3A_289 : i32
          %add3A_292 = arith.addi %mul3A_291, %select_n3A_30 : i32
          %mul3A_293 = arith.constant 64 : i32
          %mul3A_294 = arith.muli %add3A_292, %mul3A_293 : i32
          %dma_start3A_295 = tpu.memref_slice %arg9[%mul3A_294] : memref<4096xi32, #tpu.memory_space<vmem>> -> memref<64xi32, #tpu.memory_space<vmem>>
          %dma_start3A_296 = arith.constant 0 : i32
          %dma_start3A_297 = arith.constant 0 : i32
          %dma_start3A_298 = tpu.memref_slice %arg2[%dma_start3A_296, %dma_start3A_297] : memref<8192x384xf32, #tpu.memory_space<hbm>> -> memref<8192x384xf32, #tpu.memory_space<hbm>>
          tpu.enqueue_indirect_dma source(%dma_start3A_298 : memref<8192x384xf32, #tpu.memory_space<hbm>>) target(%arg12 : memref<64x384xf32, #tpu.memory_space<vmem>>) offsets(%dma_start3A_295 : memref<64xi32, #tpu.memory_space<vmem>>) semaphore(%arg16 : memref<!tpu.dma_semaphore, #tpu.memory_space<semaphore_mem>>)
        } else {
        }
        %dma_wait3A = arith.constant 0 : i32
        %dma_wait3A_268 = arith.constant 0 : i32
        %dma_wait3A_269 = tpu.memref_slice %arg2[%dma_wait3A, %dma_wait3A_268] : memref<8192x384xf32, #tpu.memory_space<hbm>> -> memref<64x384xf32, #tpu.memory_space<hbm>>
        %dma_wait3A_270 = arith.constant 0 : i32
        %dma_wait3A_271 = arith.constant 0 : i32
        %dma_wait3A_272 = tpu.memref_slice %arg2[%dma_wait3A_270, %dma_wait3A_271] : memref<8192x384xf32, #tpu.memory_space<hbm>> -> memref<64x384xf32, #tpu.memory_space<hbm>>
        tpu.wait_dma2 semaphore(%arg14 : memref<!tpu.dma_semaphore, #tpu.memory_space<semaphore_mem>>) src(%dma_wait3A_272 : memref<64x384xf32, #tpu.memory_space<hbm>>) dst(%arg10 : memref<64x384xf32, #tpu.memory_space<vmem>>)
        %lt3A_273 = arith.constant 64 : i32
        %lt3A_274 = arith.cmpi slt, %sub3A_197, %lt3A_273 : i32
        %convert_element_type3A_275 = arith.extui %lt3A_274 : i1 to i32
        %cond3A_276 = arith.constant 0 : i32
        %cond3A_277 = arith.cmpi ne, %convert_element_type3A_275, %cond3A_276 : i32
        scf.if %cond3A_277 {
          %broadcast_in_dim3A_283 = arith.constant 0.000000e+00 : f32
          %broadcast_in_dim3A_284 = vector.broadcast %broadcast_in_dim3A_283 : f32 to vector<16xf32>
          %while3A_285 = arith.constant 64 : i32
          %while3A_286 = arith.constant 0 : i32
          %while3A_287 = arith.subi %while3A_285, %sub3A_197 : i32
          %while3A_288 = arith.addi %sub3A_197, %while3A_287 : i32
          %while3A_289 = arith.constant 1 : i32
          %while3A_290 = arith.divsi %while3A_287, %while3A_289 : i32
          %while3A_291 = arith.muli %while3A_290, %while3A_289 : i32
          %while3A_292 = arith.addi %sub3A_197, %while3A_291 : i32
          %while3A_293 = arith.constant 1 : i32
          %while3A_294 = scf.for %while3A_297 = %sub3A_197 to %while3A_292 step %while3A_293 iter_args(%while3A_298 = %while3A_286) -> (i32)  : i32 {
            %swap3A = arith.index_cast %while3A_297 : i32 to index
            %swap3A_299 = arith.constant 0 : index
            %swap3A_300 = tpu.vector_load %arg10[%swap3A, %swap3A_299] {strides = array<i32>} : memref<64x384xf32, #tpu.memory_space<vmem>>, vector<16xf32>,
            tpu.vector_store %arg10[%swap3A, %swap3A_299], %broadcast_in_dim3A_284 {strides = array<i32>} : memref<64x384xf32, #tpu.memory_space<vmem>>, vector<16xf32>,
            %swap3A_301 = arith.index_cast %while3A_297 : i32 to index
            %swap3A_302 = arith.constant 16 : index
            %swap3A_303 = tpu.vector_load %arg10[%swap3A_301, %swap3A_302] {strides = array<i32>} : memref<64x384xf32, #tpu.memory_space<vmem>>, vector<16xf32>,
            tpu.vector_store %arg10[%swap3A_301, %swap3A_302], %broadcast_in_dim3A_284 {strides = array<i32>} : memref<64x384xf32, #tpu.memory_space<vmem>>, vector<16xf32>,
            %swap3A_304 = arith.index_cast %while3A_297 : i32 to index
            %swap3A_305 = arith.constant 32 : index
            %swap3A_306 = tpu.vector_load %arg10[%swap3A_304, %swap3A_305] {strides = array<i32>} : memref<64x384xf32, #tpu.memory_space<vmem>>, vector<16xf32>,
            tpu.vector_store %arg10[%swap3A_304, %swap3A_305], %broadcast_in_dim3A_284 {strides = array<i32>} : memref<64x384xf32, #tpu.memory_space<vmem>>, vector<16xf32>,
            %swap3A_307 = arith.index_cast %while3A_297 : i32 to index
            %swap3A_308 = arith.constant 48 : index
            %swap3A_309 = tpu.vector_load %arg10[%swap3A_307, %swap3A_308] {strides = array<i32>} : memref<64x384xf32, #tpu.memory_space<vmem>>, vector<16xf32>,
            tpu.vector_store %arg10[%swap3A_307, %swap3A_308], %broadcast_in_dim3A_284 {strides = array<i32>} : memref<64x384xf32, #tpu.memory_space<vmem>>, vector<16xf32>,
            %swap3A_310 = arith.index_cast %while3A_297 : i32 to index
            %swap3A_311 = arith.constant 64 : index
            %swap3A_312 = tpu.vector_load %arg10[%swap3A_310, %swap3A_311] {strides = array<i32>} : memref<64x384xf32, #tpu.memory_space<vmem>>, vector<16xf32>,
            tpu.vector_store %arg10[%swap3A_310, %swap3A_311], %broadcast_in_dim3A_284 {strides = array<i32>} : memref<64x384xf32, #tpu.memory_space<vmem>>, vector<16xf32>,
            %swap3A_313 = arith.index_cast %while3A_297 : i32 to index
            %swap3A_314 = arith.constant 80 : index
            %swap3A_315 = tpu.vector_load %arg10[%swap3A_313, %swap3A_314] {strides = array<i32>} : memref<64x384xf32, #tpu.memory_space<vmem>>, vector<16xf32>,
            tpu.vector_store %arg10[%swap3A_313, %swap3A_314], %broadcast_in_dim3A_284 {strides = array<i32>} : memref<64x384xf32, #tpu.memory_space<vmem>>, vector<16xf32>,
            %swap3A_316 = arith.index_cast %while3A_297 : i32 to index
            %swap3A_317 = arith.constant 96 : index
            %swap3A_318 = tpu.vector_load %arg10[%swap3A_316, %swap3A_317] {strides = array<i32>} : memref<64x384xf32, #tpu.memory_space<vmem>>, vector<16xf32>,
            tpu.vector_store %arg10[%swap3A_316, %swap3A_317], %broadcast_in_dim3A_284 {strides = array<i32>} : memref<64x384xf32, #tpu.memory_space<vmem>>, vector<16xf32>,
            %swap3A_319 = arith.index_cast %while3A_297 : i32 to index
            %swap3A_320 = arith.constant 112 : index
            %swap3A_321 = tpu.vector_load %arg10[%swap3A_319, %swap3A_320] {strides = array<i32>} : memref<64x384xf32, #tpu.memory_space<vmem>>, vector<16xf32>,
            tpu.vector_store %arg10[%swap3A_319, %swap3A_320], %broadcast_in_dim3A_284 {strides = array<i32>} : memref<64x384xf32, #tpu.memory_space<vmem>>, vector<16xf32>,
            %swap3A_322 = arith.index_cast %while3A_297 : i32 to index
            %swap3A_323 = arith.constant 128 : index
            %swap3A_324 = tpu.vector_load %arg10[%swap3A_322, %swap3A_323] {strides = array<i32>} : memref<64x384xf32, #tpu.memory_space<vmem>>, vector<16xf32>,
            tpu.vector_store %arg10[%swap3A_322, %swap3A_323], %broadcast_in_dim3A_284 {strides = array<i32>} : memref<64x384xf32, #tpu.memory_space<vmem>>, vector<16xf32>,
            %swap3A_325 = arith.index_cast %while3A_297 : i32 to index
            %swap3A_326 = arith.constant 144 : index
            %swap3A_327 = tpu.vector_load %arg10[%swap3A_325, %swap3A_326] {strides = array<i32>} : memref<64x384xf32, #tpu.memory_space<vmem>>, vector<16xf32>,
            tpu.vector_store %arg10[%swap3A_325, %swap3A_326], %broadcast_in_dim3A_284 {strides = array<i32>} : memref<64x384xf32, #tpu.memory_space<vmem>>, vector<16xf32>,
            %swap3A_328 = arith.index_cast %while3A_297 : i32 to index
            %swap3A_329 = arith.constant 160 : index
            %swap3A_330 = tpu.vector_load %arg10[%swap3A_328, %swap3A_329] {strides = array<i32>} : memref<64x384xf32, #tpu.memory_space<vmem>>, vector<16xf32>,
            tpu.vector_store %arg10[%swap3A_328, %swap3A_329], %broadcast_in_dim3A_284 {strides = array<i32>} : memref<64x384xf32, #tpu.memory_space<vmem>>, vector<16xf32>,
            %swap3A_331 = arith.index_cast %while3A_297 : i32 to index
            %swap3A_332 = arith.constant 176 : index
            %swap3A_333 = tpu.vector_load %arg10[%swap3A_331, %swap3A_332] {strides = array<i32>} : memref<64x384xf32, #tpu.memory_space<vmem>>, vector<16xf32>,
            tpu.vector_store %arg10[%swap3A_331, %swap3A_332], %broadcast_in_dim3A_284 {strides = array<i32>} : memref<64x384xf32, #tpu.memory_space<vmem>>, vector<16xf32>,
            %swap3A_334 = arith.index_cast %while3A_297 : i32 to index
            %swap3A_335 = arith.constant 192 : index
            %swap3A_336 = tpu.vector_load %arg10[%swap3A_334, %swap3A_335] {strides = array<i32>} : memref<64x384xf32, #tpu.memory_space<vmem>>, vector<16xf32>,
            tpu.vector_store %arg10[%swap3A_334, %swap3A_335], %broadcast_in_dim3A_284 {strides = array<i32>} : memref<64x384xf32, #tpu.memory_space<vmem>>, vector<16xf32>,
            %swap3A_337 = arith.index_cast %while3A_297 : i32 to index
            %swap3A_338 = arith.constant 208 : index
            %swap3A_339 = tpu.vector_load %arg10[%swap3A_337, %swap3A_338] {strides = array<i32>} : memref<64x384xf32, #tpu.memory_space<vmem>>, vector<16xf32>,
            tpu.vector_store %arg10[%swap3A_337, %swap3A_338], %broadcast_in_dim3A_284 {strides = array<i32>} : memref<64x384xf32, #tpu.memory_space<vmem>>, vector<16xf32>,
            %swap3A_340 = arith.index_cast %while3A_297 : i32 to index
            %swap3A_341 = arith.constant 224 : index
            %swap3A_342 = tpu.vector_load %arg10[%swap3A_340, %swap3A_341] {strides = array<i32>} : memref<64x384xf32, #tpu.memory_space<vmem>>, vector<16xf32>,
            tpu.vector_store %arg10[%swap3A_340, %swap3A_341], %broadcast_in_dim3A_284 {strides = array<i32>} : memref<64x384xf32, #tpu.memory_space<vmem>>, vector<16xf32>,
            %swap3A_343 = arith.index_cast %while3A_297 : i32 to index
            %swap3A_344 = arith.constant 240 : index
            %swap3A_345 = tpu.vector_load %arg10[%swap3A_343, %swap3A_344] {strides = array<i32>} : memref<64x384xf32, #tpu.memory_space<vmem>>, vector<16xf32>,
            tpu.vector_store %arg10[%swap3A_343, %swap3A_344], %broadcast_in_dim3A_284 {strides = array<i32>} : memref<64x384xf32, #tpu.memory_space<vmem>>, vector<16xf32>,
            %swap3A_346 = arith.index_cast %while3A_297 : i32 to index
            %swap3A_347 = arith.constant 256 : index
            %swap3A_348 = tpu.vector_load %arg10[%swap3A_346, %swap3A_347] {strides = array<i32>} : memref<64x384xf32, #tpu.memory_space<vmem>>, vector<16xf32>,
            tpu.vector_store %arg10[%swap3A_346, %swap3A_347], %broadcast_in_dim3A_284 {strides = array<i32>} : memref<64x384xf32, #tpu.memory_space<vmem>>, vector<16xf32>,
            %swap3A_349 = arith.index_cast %while3A_297 : i32 to index
            %swap3A_350 = arith.constant 272 : index
            %swap3A_351 = tpu.vector_load %arg10[%swap3A_349, %swap3A_350] {strides = array<i32>} : memref<64x384xf32, #tpu.memory_space<vmem>>, vector<16xf32>,
            tpu.vector_store %arg10[%swap3A_349, %swap3A_350], %broadcast_in_dim3A_284 {strides = array<i32>} : memref<64x384xf32, #tpu.memory_space<vmem>>, vector<16xf32>,
            %swap3A_352 = arith.index_cast %while3A_297 : i32 to index
            %swap3A_353 = arith.constant 288 : index
            %swap3A_354 = tpu.vector_load %arg10[%swap3A_352, %swap3A_353] {strides = array<i32>} : memref<64x384xf32, #tpu.memory_space<vmem>>, vector<16xf32>,
            tpu.vector_store %arg10[%swap3A_352, %swap3A_353], %broadcast_in_dim3A_284 {strides = array<i32>} : memref<64x384xf32, #tpu.memory_space<vmem>>, vector<16xf32>,
            %swap3A_355 = arith.index_cast %while3A_297 : i32 to index
            %swap3A_356 = arith.constant 304 : index
            %swap3A_357 = tpu.vector_load %arg10[%swap3A_355, %swap3A_356] {strides = array<i32>} : memref<64x384xf32, #tpu.memory_space<vmem>>, vector<16xf32>,
            tpu.vector_store %arg10[%swap3A_355, %swap3A_356], %broadcast_in_dim3A_284 {strides = array<i32>} : memref<64x384xf32, #tpu.memory_space<vmem>>, vector<16xf32>,
            %swap3A_358 = arith.index_cast %while3A_297 : i32 to index
            %swap3A_359 = arith.constant 320 : index
            %swap3A_360 = tpu.vector_load %arg10[%swap3A_358, %swap3A_359] {strides = array<i32>} : memref<64x384xf32, #tpu.memory_space<vmem>>, vector<16xf32>,
            tpu.vector_store %arg10[%swap3A_358, %swap3A_359], %broadcast_in_dim3A_284 {strides = array<i32>} : memref<64x384xf32, #tpu.memory_space<vmem>>, vector<16xf32>,
            %swap3A_361 = arith.index_cast %while3A_297 : i32 to index
            %swap3A_362 = arith.constant 336 : index
            %swap3A_363 = tpu.vector_load %arg10[%swap3A_361, %swap3A_362] {strides = array<i32>} : memref<64x384xf32, #tpu.memory_space<vmem>>, vector<16xf32>,
            tpu.vector_store %arg10[%swap3A_361, %swap3A_362], %broadcast_in_dim3A_284 {strides = array<i32>} : memref<64x384xf32, #tpu.memory_space<vmem>>, vector<16xf32>,
            %swap3A_364 = arith.index_cast %while3A_297 : i32 to index
            %swap3A_365 = arith.constant 352 : index
            %swap3A_366 = tpu.vector_load %arg10[%swap3A_364, %swap3A_365] {strides = array<i32>} : memref<64x384xf32, #tpu.memory_space<vmem>>, vector<16xf32>,
            tpu.vector_store %arg10[%swap3A_364, %swap3A_365], %broadcast_in_dim3A_284 {strides = array<i32>} : memref<64x384xf32, #tpu.memory_space<vmem>>, vector<16xf32>,
            %swap3A_367 = arith.index_cast %while3A_297 : i32 to index
            %swap3A_368 = arith.constant 368 : index
            %swap3A_369 = tpu.vector_load %arg10[%swap3A_367, %swap3A_368] {strides = array<i32>} : memref<64x384xf32, #tpu.memory_space<vmem>>, vector<16xf32>,
            tpu.vector_store %arg10[%swap3A_367, %swap3A_368], %broadcast_in_dim3A_284 {strides = array<i32>} : memref<64x384xf32, #tpu.memory_space<vmem>>, vector<16xf32>,
            %while3A_370 = arith.constant 0 : i32
            scf.yield %while3A_370 : i32
          }
          %while3A_295 = arith.constant 1 : i32
          %while3A_296 = scf.for %while3A_297 = %while3A_292 to %while3A_288 step %while3A_295 iter_args(%while3A_298 = %while3A_294) -> (i32)  : i32 {
            %swap3A = arith.index_cast %while3A_297 : i32 to index
            %swap3A_299 = arith.constant 0 : index
            %swap3A_300 = tpu.vector_load %arg10[%swap3A, %swap3A_299] {strides = array<i32>} : memref<64x384xf32, #tpu.memory_space<vmem>>, vector<16xf32>,
            tpu.vector_store %arg10[%swap3A, %swap3A_299], %broadcast_in_dim3A_284 {strides = array<i32>} : memref<64x384xf32, #tpu.memory_space<vmem>>, vector<16xf32>,
            %swap3A_301 = arith.index_cast %while3A_297 : i32 to index
            %swap3A_302 = arith.constant 16 : index
            %swap3A_303 = tpu.vector_load %arg10[%swap3A_301, %swap3A_302] {strides = array<i32>} : memref<64x384xf32, #tpu.memory_space<vmem>>, vector<16xf32>,
            tpu.vector_store %arg10[%swap3A_301, %swap3A_302], %broadcast_in_dim3A_284 {strides = array<i32>} : memref<64x384xf32, #tpu.memory_space<vmem>>, vector<16xf32>,
            %swap3A_304 = arith.index_cast %while3A_297 : i32 to index
            %swap3A_305 = arith.constant 32 : index
            %swap3A_306 = tpu.vector_load %arg10[%swap3A_304, %swap3A_305] {strides = array<i32>} : memref<64x384xf32, #tpu.memory_space<vmem>>, vector<16xf32>,
            tpu.vector_store %arg10[%swap3A_304, %swap3A_305], %broadcast_in_dim3A_284 {strides = array<i32>} : memref<64x384xf32, #tpu.memory_space<vmem>>, vector<16xf32>,
            %swap3A_307 = arith.index_cast %while3A_297 : i32 to index
            %swap3A_308 = arith.constant 48 : index
            %swap3A_309 = tpu.vector_load %arg10[%swap3A_307, %swap3A_308] {strides = array<i32>} : memref<64x384xf32, #tpu.memory_space<vmem>>, vector<16xf32>,
            tpu.vector_store %arg10[%swap3A_307, %swap3A_308], %broadcast_in_dim3A_284 {strides = array<i32>} : memref<64x384xf32, #tpu.memory_space<vmem>>, vector<16xf32>,
            %swap3A_310 = arith.index_cast %while3A_297 : i32 to index
            %swap3A_311 = arith.constant 64 : index
            %swap3A_312 = tpu.vector_load %arg10[%swap3A_310, %swap3A_311] {strides = array<i32>} : memref<64x384xf32, #tpu.memory_space<vmem>>, vector<16xf32>,
            tpu.vector_store %arg10[%swap3A_310, %swap3A_311], %broadcast_in_dim3A_284 {strides = array<i32>} : memref<64x384xf32, #tpu.memory_space<vmem>>, vector<16xf32>,
            %swap3A_313 = arith.index_cast %while3A_297 : i32 to index
            %swap3A_314 = arith.constant 80 : index
            %swap3A_315 = tpu.vector_load %arg10[%swap3A_313, %swap3A_314] {strides = array<i32>} : memref<64x384xf32, #tpu.memory_space<vmem>>, vector<16xf32>,
            tpu.vector_store %arg10[%swap3A_313, %swap3A_314], %broadcast_in_dim3A_284 {strides = array<i32>} : memref<64x384xf32, #tpu.memory_space<vmem>>, vector<16xf32>,
            %swap3A_316 = arith.index_cast %while3A_297 : i32 to index
            %swap3A_317 = arith.constant 96 : index
            %swap3A_318 = tpu.vector_load %arg10[%swap3A_316, %swap3A_317] {strides = array<i32>} : memref<64x384xf32, #tpu.memory_space<vmem>>, vector<16xf32>,
            tpu.vector_store %arg10[%swap3A_316, %swap3A_317], %broadcast_in_dim3A_284 {strides = array<i32>} : memref<64x384xf32, #tpu.memory_space<vmem>>, vector<16xf32>,
            %swap3A_319 = arith.index_cast %while3A_297 : i32 to index
            %swap3A_320 = arith.constant 112 : index
            %swap3A_321 = tpu.vector_load %arg10[%swap3A_319, %swap3A_320] {strides = array<i32>} : memref<64x384xf32, #tpu.memory_space<vmem>>, vector<16xf32>,
            tpu.vector_store %arg10[%swap3A_319, %swap3A_320], %broadcast_in_dim3A_284 {strides = array<i32>} : memref<64x384xf32, #tpu.memory_space<vmem>>, vector<16xf32>,
            %swap3A_322 = arith.index_cast %while3A_297 : i32 to index
            %swap3A_323 = arith.constant 128 : index
            %swap3A_324 = tpu.vector_load %arg10[%swap3A_322, %swap3A_323] {strides = array<i32>} : memref<64x384xf32, #tpu.memory_space<vmem>>, vector<16xf32>,
            tpu.vector_store %arg10[%swap3A_322, %swap3A_323], %broadcast_in_dim3A_284 {strides = array<i32>} : memref<64x384xf32, #tpu.memory_space<vmem>>, vector<16xf32>,
            %swap3A_325 = arith.index_cast %while3A_297 : i32 to index
            %swap3A_326 = arith.constant 144 : index
            %swap3A_327 = tpu.vector_load %arg10[%swap3A_325, %swap3A_326] {strides = array<i32>} : memref<64x384xf32, #tpu.memory_space<vmem>>, vector<16xf32>,
            tpu.vector_store %arg10[%swap3A_325, %swap3A_326], %broadcast_in_dim3A_284 {strides = array<i32>} : memref<64x384xf32, #tpu.memory_space<vmem>>, vector<16xf32>,
            %swap3A_328 = arith.index_cast %while3A_297 : i32 to index
            %swap3A_329 = arith.constant 160 : index
            %swap3A_330 = tpu.vector_load %arg10[%swap3A_328, %swap3A_329] {strides = array<i32>} : memref<64x384xf32, #tpu.memory_space<vmem>>, vector<16xf32>,
            tpu.vector_store %arg10[%swap3A_328, %swap3A_329], %broadcast_in_dim3A_284 {strides = array<i32>} : memref<64x384xf32, #tpu.memory_space<vmem>>, vector<16xf32>,
            %swap3A_331 = arith.index_cast %while3A_297 : i32 to index
            %swap3A_332 = arith.constant 176 : index
            %swap3A_333 = tpu.vector_load %arg10[%swap3A_331, %swap3A_332] {strides = array<i32>} : memref<64x384xf32, #tpu.memory_space<vmem>>, vector<16xf32>,
            tpu.vector_store %arg10[%swap3A_331, %swap3A_332], %broadcast_in_dim3A_284 {strides = array<i32>} : memref<64x384xf32, #tpu.memory_space<vmem>>, vector<16xf32>,
            %swap3A_334 = arith.index_cast %while3A_297 : i32 to index
            %swap3A_335 = arith.constant 192 : index
            %swap3A_336 = tpu.vector_load %arg10[%swap3A_334, %swap3A_335] {strides = array<i32>} : memref<64x384xf32, #tpu.memory_space<vmem>>, vector<16xf32>,
            tpu.vector_store %arg10[%swap3A_334, %swap3A_335], %broadcast_in_dim3A_284 {strides = array<i32>} : memref<64x384xf32, #tpu.memory_space<vmem>>, vector<16xf32>,
            %swap3A_337 = arith.index_cast %while3A_297 : i32 to index
            %swap3A_338 = arith.constant 208 : index
            %swap3A_339 = tpu.vector_load %arg10[%swap3A_337, %swap3A_338] {strides = array<i32>} : memref<64x384xf32, #tpu.memory_space<vmem>>, vector<16xf32>,
            tpu.vector_store %arg10[%swap3A_337, %swap3A_338], %broadcast_in_dim3A_284 {strides = array<i32>} : memref<64x384xf32, #tpu.memory_space<vmem>>, vector<16xf32>,
            %swap3A_340 = arith.index_cast %while3A_297 : i32 to index
            %swap3A_341 = arith.constant 224 : index
            %swap3A_342 = tpu.vector_load %arg10[%swap3A_340, %swap3A_341] {strides = array<i32>} : memref<64x384xf32, #tpu.memory_space<vmem>>, vector<16xf32>,
            tpu.vector_store %arg10[%swap3A_340, %swap3A_341], %broadcast_in_dim3A_284 {strides = array<i32>} : memref<64x384xf32, #tpu.memory_space<vmem>>, vector<16xf32>,
            %swap3A_343 = arith.index_cast %while3A_297 : i32 to index
            %swap3A_344 = arith.constant 240 : index
            %swap3A_345 = tpu.vector_load %arg10[%swap3A_343, %swap3A_344] {strides = array<i32>} : memref<64x384xf32, #tpu.memory_space<vmem>>, vector<16xf32>,
            tpu.vector_store %arg10[%swap3A_343, %swap3A_344], %broadcast_in_dim3A_284 {strides = array<i32>} : memref<64x384xf32, #tpu.memory_space<vmem>>, vector<16xf32>,
            %swap3A_346 = arith.index_cast %while3A_297 : i32 to index
            %swap3A_347 = arith.constant 256 : index
            %swap3A_348 = tpu.vector_load %arg10[%swap3A_346, %swap3A_347] {strides = array<i32>} : memref<64x384xf32, #tpu.memory_space<vmem>>, vector<16xf32>,
            tpu.vector_store %arg10[%swap3A_346, %swap3A_347], %broadcast_in_dim3A_284 {strides = array<i32>} : memref<64x384xf32, #tpu.memory_space<vmem>>, vector<16xf32>,
            %swap3A_349 = arith.index_cast %while3A_297 : i32 to index
            %swap3A_350 = arith.constant 272 : index
            %swap3A_351 = tpu.vector_load %arg10[%swap3A_349, %swap3A_350] {strides = array<i32>} : memref<64x384xf32, #tpu.memory_space<vmem>>, vector<16xf32>,
            tpu.vector_store %arg10[%swap3A_349, %swap3A_350], %broadcast_in_dim3A_284 {strides = array<i32>} : memref<64x384xf32, #tpu.memory_space<vmem>>, vector<16xf32>,
            %swap3A_352 = arith.index_cast %while3A_297 : i32 to index
            %swap3A_353 = arith.constant 288 : index
            %swap3A_354 = tpu.vector_load %arg10[%swap3A_352, %swap3A_353] {strides = array<i32>} : memref<64x384xf32, #tpu.memory_space<vmem>>, vector<16xf32>,
            tpu.vector_store %arg10[%swap3A_352, %swap3A_353], %broadcast_in_dim3A_284 {strides = array<i32>} : memref<64x384xf32, #tpu.memory_space<vmem>>, vector<16xf32>,
            %swap3A_355 = arith.index_cast %while3A_297 : i32 to index
            %swap3A_356 = arith.constant 304 : index
            %swap3A_357 = tpu.vector_load %arg10[%swap3A_355, %swap3A_356] {strides = array<i32>} : memref<64x384xf32, #tpu.memory_space<vmem>>, vector<16xf32>,
            tpu.vector_store %arg10[%swap3A_355, %swap3A_356], %broadcast_in_dim3A_284 {strides = array<i32>} : memref<64x384xf32, #tpu.memory_space<vmem>>, vector<16xf32>,
            %swap3A_358 = arith.index_cast %while3A_297 : i32 to index
            %swap3A_359 = arith.constant 320 : index
            %swap3A_360 = tpu.vector_load %arg10[%swap3A_358, %swap3A_359] {strides = array<i32>} : memref<64x384xf32, #tpu.memory_space<vmem>>, vector<16xf32>,
            tpu.vector_store %arg10[%swap3A_358, %swap3A_359], %broadcast_in_dim3A_284 {strides = array<i32>} : memref<64x384xf32, #tpu.memory_space<vmem>>, vector<16xf32>,
            %swap3A_361 = arith.index_cast %while3A_297 : i32 to index
            %swap3A_362 = arith.constant 336 : index
            %swap3A_363 = tpu.vector_load %arg10[%swap3A_361, %swap3A_362] {strides = array<i32>} : memref<64x384xf32, #tpu.memory_space<vmem>>, vector<16xf32>,
            tpu.vector_store %arg10[%swap3A_361, %swap3A_362], %broadcast_in_dim3A_284 {strides = array<i32>} : memref<64x384xf32, #tpu.memory_space<vmem>>, vector<16xf32>,
            %swap3A_364 = arith.index_cast %while3A_297 : i32 to index
            %swap3A_365 = arith.constant 352 : index
            %swap3A_366 = tpu.vector_load %arg10[%swap3A_364, %swap3A_365] {strides = array<i32>} : memref<64x384xf32, #tpu.memory_space<vmem>>, vector<16xf32>,
            tpu.vector_store %arg10[%swap3A_364, %swap3A_365], %broadcast_in_dim3A_284 {strides = array<i32>} : memref<64x384xf32, #tpu.memory_space<vmem>>, vector<16xf32>,
            %swap3A_367 = arith.index_cast %while3A_297 : i32 to index
            %swap3A_368 = arith.constant 368 : index
            %swap3A_369 = tpu.vector_load %arg10[%swap3A_367, %swap3A_368] {strides = array<i32>} : memref<64x384xf32, #tpu.memory_space<vmem>>, vector<16xf32>,
            tpu.vector_store %arg10[%swap3A_367, %swap3A_368], %broadcast_in_dim3A_284 {strides = array<i32>} : memref<64x384xf32, #tpu.memory_space<vmem>>, vector<16xf32>,
            %while3A_370 = arith.constant 0 : i32
            scf.yield %while3A_370 : i32
          }
        } else {
        }
        %dma_start3A = arith.constant 0 : i32
        %dma_start3A_278 = tpu.memref_slice %arg6[%add3A, %mul3A_196, %dma_start3A] : memref<16x4096x384xf32, #tpu.memory_space<hbm>> -> memref<1x64x384xf32, #tpu.memory_space<hbm>>
        %dma_start3A_279 = tpu.memref_squeeze %dma_start3A_278 : memref<1x64x384xf32, #tpu.memory_space<hbm>> -> memref<64x384xf32, #tpu.memory_space<hbm>>
        %dma_start3A_280 = arith.constant 0 : i32
        %dma_start3A_281 = tpu.memref_slice %arg6[%add3A, %mul3A_196, %dma_start3A_280] : memref<16x4096x384xf32, #tpu.memory_space<hbm>> -> memref<1x64x384xf32, #tpu.memory_space<hbm>>
        %dma_start3A_282 = tpu.memref_squeeze %dma_start3A_281 : memref<1x64x384xf32, #tpu.memory_space<hbm>> -> memref<64x384xf32, #tpu.memory_space<hbm>>
        tpu.enqueue_dma source(%arg10 : memref<64x384xf32, #tpu.memory_space<vmem>>) target(%dma_start3A_282 : memref<64x384xf32, #tpu.memory_space<hbm>>) target_semaphore(%arg17 : memref<!tpu.dma_semaphore, #tpu.memory_space<semaphore_mem>>)
      } else {
      }
      %jit3A_219 = arith.constant 3 : i32
      %eq3A_220 = arith.constant 0 : i32
      %eq3A_221 = arith.cmpi eq, %jit3A_219, %eq3A_220 : i32
      %jit3A_222 = arith.constant 1 : i32
      %select_n3A_223 = arith.select %eq3A_221, %jit3A_222, %jit3A_219 : i32
      %rem3A_224 = arith.remsi %while3A_190, %select_n3A_223 : i32
      %ne3A_225 = arith.constant 0 : i32
      %ne3A_226 = arith.cmpi ne, %rem3A_224, %ne3A_225 : i32
      %lt3A_227 = arith.constant 0 : i32
      %lt3A_228 = arith.cmpi slt, %rem3A_224, %lt3A_227 : i32
      %lt3A_229 = arith.constant 0 : i32
      %lt3A_230 = arith.cmpi slt, %select_n3A_223, %lt3A_229 : i32
      %ne3A_231 = arith.xori %lt3A_228, %lt3A_230 : i1
      %and3A_232 = arith.andi %ne3A_231, %ne3A_226 : i1
      %add3A_233 = arith.addi %rem3A_224, %select_n3A_223 : i32
      %select_n3A_234 = arith.select %and3A_232, %add3A_233, %rem3A_224 : i32
      %eq3A_235 = arith.constant 1 : i32
      %eq3A_236 = arith.cmpi eq, %select_n3A_234, %eq3A_235 : i32
      %convert_element_type3A_237 = arith.extui %eq3A_236 : i1 to i32
      %cond3A_238 = arith.constant 0 : i32
      %cond3A_239 = arith.cmpi ne, %convert_element_type3A_237, %cond3A_238 : i32
      scf.if %cond3A_239 {
        %add3A_262 = arith.constant 2 : i32
        %add3A_263 = arith.addi %while3A_190, %add3A_262 : i32
        %lt3A_264 = arith.cmpi slt, %add3A_263, %max3A_104 : i32
        %convert_element_type3A_265 = arith.extui %lt3A_264 : i1 to i32
        %cond3A_266 = arith.constant 0 : i32
        %cond3A_267 = arith.cmpi ne, %convert_element_type3A_265, %cond3A_266 : i32
        scf.if %cond3A_267 {
          %ge3A_283 = arith.constant 1 : i32
          %ge3A_284 = arith.cmpi sge, %while3A_190, %ge3A_283 : i32
          %convert_element_type3A_285 = arith.extui %ge3A_284 : i1 to i32
          %cond3A_286 = arith.constant 0 : i32
          %cond3A_287 = arith.cmpi ne, %convert_element_type3A_285, %cond3A_286 : i32
          scf.if %cond3A_287 {
            %dma_wait3A_299 = arith.constant 0 : i32
            %dma_wait3A_300 = arith.constant 0 : i32
            %dma_wait3A_301 = tpu.memref_slice %arg2[%dma_wait3A_299, %dma_wait3A_300] : memref<8192x384xf32, #tpu.memory_space<hbm>> -> memref<64x384xf32, #tpu.memory_space<hbm>>
            %dma_wait3A_302 = arith.constant 0 : i32
            %dma_wait3A_303 = arith.constant 0 : i32
            %dma_wait3A_304 = tpu.memref_slice %arg2[%dma_wait3A_302, %dma_wait3A_303] : memref<8192x384xf32, #tpu.memory_space<hbm>> -> memref<64x384xf32, #tpu.memory_space<hbm>>
            tpu.wait_dma2 semaphore(%arg17 : memref<!tpu.dma_semaphore, #tpu.memory_space<semaphore_mem>>) src(%dma_wait3A_304 : memref<64x384xf32, #tpu.memory_space<hbm>>) dst(%arg10 : memref<64x384xf32, #tpu.memory_space<vmem>>)
          } else {
          }
          %add3A_288 = arith.constant 2 : i32
          %add3A_289 = arith.addi %while3A_190, %add3A_288 : i32
          %mul3A_290 = arith.constant 2 : i32
          %mul3A_291 = arith.muli %mul3A_290, %add3A_289 : i32
          %add3A_292 = arith.addi %mul3A_291, %select_n3A_30 : i32
          %mul3A_293 = arith.constant 64 : i32
          %mul3A_294 = arith.muli %add3A_292, %mul3A_293 : i32
          %dma_start3A_295 = tpu.memref_slice %arg9[%mul3A_294] : memref<4096xi32, #tpu.memory_space<vmem>> -> memref<64xi32, #tpu.memory_space<vmem>>
          %dma_start3A_296 = arith.constant 0 : i32
          %dma_start3A_297 = arith.constant 0 : i32
          %dma_start3A_298 = tpu.memref_slice %arg2[%dma_start3A_296, %dma_start3A_297] : memref<8192x384xf32, #tpu.memory_space<hbm>> -> memref<8192x384xf32, #tpu.memory_space<hbm>>
          tpu.enqueue_indirect_dma source(%dma_start3A_298 : memref<8192x384xf32, #tpu.memory_space<hbm>>) target(%arg10 : memref<64x384xf32, #tpu.memory_space<vmem>>) offsets(%dma_start3A_295 : memref<64xi32, #tpu.memory_space<vmem>>) semaphore(%arg14 : memref<!tpu.dma_semaphore, #tpu.memory_space<semaphore_mem>>)
        } else {
        }
        %dma_wait3A = arith.constant 0 : i32
        %dma_wait3A_268 = arith.constant 0 : i32
        %dma_wait3A_269 = tpu.memref_slice %arg2[%dma_wait3A, %dma_wait3A_268] : memref<8192x384xf32, #tpu.memory_space<hbm>> -> memref<64x384xf32, #tpu.memory_space<hbm>>
        %dma_wait3A_270 = arith.constant 0 : i32
        %dma_wait3A_271 = arith.constant 0 : i32
        %dma_wait3A_272 = tpu.memref_slice %arg2[%dma_wait3A_270, %dma_wait3A_271] : memref<8192x384xf32, #tpu.memory_space<hbm>> -> memref<64x384xf32, #tpu.memory_space<hbm>>
        tpu.wait_dma2 semaphore(%arg15 : memref<!tpu.dma_semaphore, #tpu.memory_space<semaphore_mem>>) src(%dma_wait3A_272 : memref<64x384xf32, #tpu.memory_space<hbm>>) dst(%arg11 : memref<64x384xf32, #tpu.memory_space<vmem>>)
        %lt3A_273 = arith.constant 64 : i32
        %lt3A_274 = arith.cmpi slt, %sub3A_197, %lt3A_273 : i32
        %convert_element_type3A_275 = arith.extui %lt3A_274 : i1 to i32
        %cond3A_276 = arith.constant 0 : i32
        %cond3A_277 = arith.cmpi ne, %convert_element_type3A_275, %cond3A_276 : i32
        scf.if %cond3A_277 {
          %broadcast_in_dim3A_283 = arith.constant 0.000000e+00 : f32
          %broadcast_in_dim3A_284 = vector.broadcast %broadcast_in_dim3A_283 : f32 to vector<16xf32>
          %while3A_285 = arith.constant 64 : i32
          %while3A_286 = arith.constant 0 : i32
          %while3A_287 = arith.subi %while3A_285, %sub3A_197 : i32
          %while3A_288 = arith.addi %sub3A_197, %while3A_287 : i32
          %while3A_289 = arith.constant 1 : i32
          %while3A_290 = arith.divsi %while3A_287, %while3A_289 : i32
          %while3A_291 = arith.muli %while3A_290, %while3A_289 : i32
          %while3A_292 = arith.addi %sub3A_197, %while3A_291 : i32
          %while3A_293 = arith.constant 1 : i32
          %while3A_294 = scf.for %while3A_297 = %sub3A_197 to %while3A_292 step %while3A_293 iter_args(%while3A_298 = %while3A_286) -> (i32)  : i32 {
            %swap3A = arith.index_cast %while3A_297 : i32 to index
            %swap3A_299 = arith.constant 0 : index
            %swap3A_300 = tpu.vector_load %arg11[%swap3A, %swap3A_299] {strides = array<i32>} : memref<64x384xf32, #tpu.memory_space<vmem>>, vector<16xf32>,
            tpu.vector_store %arg11[%swap3A, %swap3A_299], %broadcast_in_dim3A_284 {strides = array<i32>} : memref<64x384xf32, #tpu.memory_space<vmem>>, vector<16xf32>,
            %swap3A_301 = arith.index_cast %while3A_297 : i32 to index
            %swap3A_302 = arith.constant 16 : index
            %swap3A_303 = tpu.vector_load %arg11[%swap3A_301, %swap3A_302] {strides = array<i32>} : memref<64x384xf32, #tpu.memory_space<vmem>>, vector<16xf32>,
            tpu.vector_store %arg11[%swap3A_301, %swap3A_302], %broadcast_in_dim3A_284 {strides = array<i32>} : memref<64x384xf32, #tpu.memory_space<vmem>>, vector<16xf32>,
            %swap3A_304 = arith.index_cast %while3A_297 : i32 to index
            %swap3A_305 = arith.constant 32 : index
            %swap3A_306 = tpu.vector_load %arg11[%swap3A_304, %swap3A_305] {strides = array<i32>} : memref<64x384xf32, #tpu.memory_space<vmem>>, vector<16xf32>,
            tpu.vector_store %arg11[%swap3A_304, %swap3A_305], %broadcast_in_dim3A_284 {strides = array<i32>} : memref<64x384xf32, #tpu.memory_space<vmem>>, vector<16xf32>,
            %swap3A_307 = arith.index_cast %while3A_297 : i32 to index
            %swap3A_308 = arith.constant 48 : index
            %swap3A_309 = tpu.vector_load %arg11[%swap3A_307, %swap3A_308] {strides = array<i32>} : memref<64x384xf32, #tpu.memory_space<vmem>>, vector<16xf32>,
            tpu.vector_store %arg11[%swap3A_307, %swap3A_308], %broadcast_in_dim3A_284 {strides = array<i32>} : memref<64x384xf32, #tpu.memory_space<vmem>>, vector<16xf32>,
            %swap3A_310 = arith.index_cast %while3A_297 : i32 to index
            %swap3A_311 = arith.constant 64 : index
            %swap3A_312 = tpu.vector_load %arg11[%swap3A_310, %swap3A_311] {strides = array<i32>} : memref<64x384xf32, #tpu.memory_space<vmem>>, vector<16xf32>,
            tpu.vector_store %arg11[%swap3A_310, %swap3A_311], %broadcast_in_dim3A_284 {strides = array<i32>} : memref<64x384xf32, #tpu.memory_space<vmem>>, vector<16xf32>,
            %swap3A_313 = arith.index_cast %while3A_297 : i32 to index
            %swap3A_314 = arith.constant 80 : index
            %swap3A_315 = tpu.vector_load %arg11[%swap3A_313, %swap3A_314] {strides = array<i32>} : memref<64x384xf32, #tpu.memory_space<vmem>>, vector<16xf32>,
            tpu.vector_store %arg11[%swap3A_313, %swap3A_314], %broadcast_in_dim3A_284 {strides = array<i32>} : memref<64x384xf32, #tpu.memory_space<vmem>>, vector<16xf32>,
            %swap3A_316 = arith.index_cast %while3A_297 : i32 to index
            %swap3A_317 = arith.constant 96 : index
            %swap3A_318 = tpu.vector_load %arg11[%swap3A_316, %swap3A_317] {strides = array<i32>} : memref<64x384xf32, #tpu.memory_space<vmem>>, vector<16xf32>,
            tpu.vector_store %arg11[%swap3A_316, %swap3A_317], %broadcast_in_dim3A_284 {strides = array<i32>} : memref<64x384xf32, #tpu.memory_space<vmem>>, vector<16xf32>,
            %swap3A_319 = arith.index_cast %while3A_297 : i32 to index
            %swap3A_320 = arith.constant 112 : index
            %swap3A_321 = tpu.vector_load %arg11[%swap3A_319, %swap3A_320] {strides = array<i32>} : memref<64x384xf32, #tpu.memory_space<vmem>>, vector<16xf32>,
            tpu.vector_store %arg11[%swap3A_319, %swap3A_320], %broadcast_in_dim3A_284 {strides = array<i32>} : memref<64x384xf32, #tpu.memory_space<vmem>>, vector<16xf32>,
            %swap3A_322 = arith.index_cast %while3A_297 : i32 to index
            %swap3A_323 = arith.constant 128 : index
            %swap3A_324 = tpu.vector_load %arg11[%swap3A_322, %swap3A_323] {strides = array<i32>} : memref<64x384xf32, #tpu.memory_space<vmem>>, vector<16xf32>,
            tpu.vector_store %arg11[%swap3A_322, %swap3A_323], %broadcast_in_dim3A_284 {strides = array<i32>} : memref<64x384xf32, #tpu.memory_space<vmem>>, vector<16xf32>,
            %swap3A_325 = arith.index_cast %while3A_297 : i32 to index
            %swap3A_326 = arith.constant 144 : index
            %swap3A_327 = tpu.vector_load %arg11[%swap3A_325, %swap3A_326] {strides = array<i32>} : memref<64x384xf32, #tpu.memory_space<vmem>>, vector<16xf32>,
            tpu.vector_store %arg11[%swap3A_325, %swap3A_326], %broadcast_in_dim3A_284 {strides = array<i32>} : memref<64x384xf32, #tpu.memory_space<vmem>>, vector<16xf32>,
            %swap3A_328 = arith.index_cast %while3A_297 : i32 to index
            %swap3A_329 = arith.constant 160 : index
            %swap3A_330 = tpu.vector_load %arg11[%swap3A_328, %swap3A_329] {strides = array<i32>} : memref<64x384xf32, #tpu.memory_space<vmem>>, vector<16xf32>,
            tpu.vector_store %arg11[%swap3A_328, %swap3A_329], %broadcast_in_dim3A_284 {strides = array<i32>} : memref<64x384xf32, #tpu.memory_space<vmem>>, vector<16xf32>,
            %swap3A_331 = arith.index_cast %while3A_297 : i32 to index
            %swap3A_332 = arith.constant 176 : index
            %swap3A_333 = tpu.vector_load %arg11[%swap3A_331, %swap3A_332] {strides = array<i32>} : memref<64x384xf32, #tpu.memory_space<vmem>>, vector<16xf32>,
            tpu.vector_store %arg11[%swap3A_331, %swap3A_332], %broadcast_in_dim3A_284 {strides = array<i32>} : memref<64x384xf32, #tpu.memory_space<vmem>>, vector<16xf32>,
            %swap3A_334 = arith.index_cast %while3A_297 : i32 to index
            %swap3A_335 = arith.constant 192 : index
            %swap3A_336 = tpu.vector_load %arg11[%swap3A_334, %swap3A_335] {strides = array<i32>} : memref<64x384xf32, #tpu.memory_space<vmem>>, vector<16xf32>,
            tpu.vector_store %arg11[%swap3A_334, %swap3A_335], %broadcast_in_dim3A_284 {strides = array<i32>} : memref<64x384xf32, #tpu.memory_space<vmem>>, vector<16xf32>,
            %swap3A_337 = arith.index_cast %while3A_297 : i32 to index
            %swap3A_338 = arith.constant 208 : index
            %swap3A_339 = tpu.vector_load %arg11[%swap3A_337, %swap3A_338] {strides = array<i32>} : memref<64x384xf32, #tpu.memory_space<vmem>>, vector<16xf32>,
            tpu.vector_store %arg11[%swap3A_337, %swap3A_338], %broadcast_in_dim3A_284 {strides = array<i32>} : memref<64x384xf32, #tpu.memory_space<vmem>>, vector<16xf32>,
            %swap3A_340 = arith.index_cast %while3A_297 : i32 to index
            %swap3A_341 = arith.constant 224 : index
            %swap3A_342 = tpu.vector_load %arg11[%swap3A_340, %swap3A_341] {strides = array<i32>} : memref<64x384xf32, #tpu.memory_space<vmem>>, vector<16xf32>,
            tpu.vector_store %arg11[%swap3A_340, %swap3A_341], %broadcast_in_dim3A_284 {strides = array<i32>} : memref<64x384xf32, #tpu.memory_space<vmem>>, vector<16xf32>,
            %swap3A_343 = arith.index_cast %while3A_297 : i32 to index
            %swap3A_344 = arith.constant 240 : index
            %swap3A_345 = tpu.vector_load %arg11[%swap3A_343, %swap3A_344] {strides = array<i32>} : memref<64x384xf32, #tpu.memory_space<vmem>>, vector<16xf32>,
            tpu.vector_store %arg11[%swap3A_343, %swap3A_344], %broadcast_in_dim3A_284 {strides = array<i32>} : memref<64x384xf32, #tpu.memory_space<vmem>>, vector<16xf32>,
            %swap3A_346 = arith.index_cast %while3A_297 : i32 to index
            %swap3A_347 = arith.constant 256 : index
            %swap3A_348 = tpu.vector_load %arg11[%swap3A_346, %swap3A_347] {strides = array<i32>} : memref<64x384xf32, #tpu.memory_space<vmem>>, vector<16xf32>,
            tpu.vector_store %arg11[%swap3A_346, %swap3A_347], %broadcast_in_dim3A_284 {strides = array<i32>} : memref<64x384xf32, #tpu.memory_space<vmem>>, vector<16xf32>,
            %swap3A_349 = arith.index_cast %while3A_297 : i32 to index
            %swap3A_350 = arith.constant 272 : index
            %swap3A_351 = tpu.vector_load %arg11[%swap3A_349, %swap3A_350] {strides = array<i32>} : memref<64x384xf32, #tpu.memory_space<vmem>>, vector<16xf32>,
            tpu.vector_store %arg11[%swap3A_349, %swap3A_350], %broadcast_in_dim3A_284 {strides = array<i32>} : memref<64x384xf32, #tpu.memory_space<vmem>>, vector<16xf32>,
            %swap3A_352 = arith.index_cast %while3A_297 : i32 to index
            %swap3A_353 = arith.constant 288 : index
            %swap3A_354 = tpu.vector_load %arg11[%swap3A_352, %swap3A_353] {strides = array<i32>} : memref<64x384xf32, #tpu.memory_space<vmem>>, vector<16xf32>,
            tpu.vector_store %arg11[%swap3A_352, %swap3A_353], %broadcast_in_dim3A_284 {strides = array<i32>} : memref<64x384xf32, #tpu.memory_space<vmem>>, vector<16xf32>,
            %swap3A_355 = arith.index_cast %while3A_297 : i32 to index
            %swap3A_356 = arith.constant 304 : index
            %swap3A_357 = tpu.vector_load %arg11[%swap3A_355, %swap3A_356] {strides = array<i32>} : memref<64x384xf32, #tpu.memory_space<vmem>>, vector<16xf32>,
            tpu.vector_store %arg11[%swap3A_355, %swap3A_356], %broadcast_in_dim3A_284 {strides = array<i32>} : memref<64x384xf32, #tpu.memory_space<vmem>>, vector<16xf32>,
            %swap3A_358 = arith.index_cast %while3A_297 : i32 to index
            %swap3A_359 = arith.constant 320 : index
            %swap3A_360 = tpu.vector_load %arg11[%swap3A_358, %swap3A_359] {strides = array<i32>} : memref<64x384xf32, #tpu.memory_space<vmem>>, vector<16xf32>,
            tpu.vector_store %arg11[%swap3A_358, %swap3A_359], %broadcast_in_dim3A_284 {strides = array<i32>} : memref<64x384xf32, #tpu.memory_space<vmem>>, vector<16xf32>,
            %swap3A_361 = arith.index_cast %while3A_297 : i32 to index
            %swap3A_362 = arith.constant 336 : index
            %swap3A_363 = tpu.vector_load %arg11[%swap3A_361, %swap3A_362] {strides = array<i32>} : memref<64x384xf32, #tpu.memory_space<vmem>>, vector<16xf32>,
            tpu.vector_store %arg11[%swap3A_361, %swap3A_362], %broadcast_in_dim3A_284 {strides = array<i32>} : memref<64x384xf32, #tpu.memory_space<vmem>>, vector<16xf32>,
            %swap3A_364 = arith.index_cast %while3A_297 : i32 to index
            %swap3A_365 = arith.constant 352 : index
            %swap3A_366 = tpu.vector_load %arg11[%swap3A_364, %swap3A_365] {strides = array<i32>} : memref<64x384xf32, #tpu.memory_space<vmem>>, vector<16xf32>,
            tpu.vector_store %arg11[%swap3A_364, %swap3A_365], %broadcast_in_dim3A_284 {strides = array<i32>} : memref<64x384xf32, #tpu.memory_space<vmem>>, vector<16xf32>,
            %swap3A_367 = arith.index_cast %while3A_297 : i32 to index
            %swap3A_368 = arith.constant 368 : index
            %swap3A_369 = tpu.vector_load %arg11[%swap3A_367, %swap3A_368] {strides = array<i32>} : memref<64x384xf32, #tpu.memory_space<vmem>>, vector<16xf32>,
            tpu.vector_store %arg11[%swap3A_367, %swap3A_368], %broadcast_in_dim3A_284 {strides = array<i32>} : memref<64x384xf32, #tpu.memory_space<vmem>>, vector<16xf32>,
            %while3A_370 = arith.constant 0 : i32
            scf.yield %while3A_370 : i32
          }
          %while3A_295 = arith.constant 1 : i32
          %while3A_296 = scf.for %while3A_297 = %while3A_292 to %while3A_288 step %while3A_295 iter_args(%while3A_298 = %while3A_294) -> (i32)  : i32 {
            %swap3A = arith.index_cast %while3A_297 : i32 to index
            %swap3A_299 = arith.constant 0 : index
            %swap3A_300 = tpu.vector_load %arg11[%swap3A, %swap3A_299] {strides = array<i32>} : memref<64x384xf32, #tpu.memory_space<vmem>>, vector<16xf32>,
            tpu.vector_store %arg11[%swap3A, %swap3A_299], %broadcast_in_dim3A_284 {strides = array<i32>} : memref<64x384xf32, #tpu.memory_space<vmem>>, vector<16xf32>,
            %swap3A_301 = arith.index_cast %while3A_297 : i32 to index
            %swap3A_302 = arith.constant 16 : index
            %swap3A_303 = tpu.vector_load %arg11[%swap3A_301, %swap3A_302] {strides = array<i32>} : memref<64x384xf32, #tpu.memory_space<vmem>>, vector<16xf32>,
            tpu.vector_store %arg11[%swap3A_301, %swap3A_302], %broadcast_in_dim3A_284 {strides = array<i32>} : memref<64x384xf32, #tpu.memory_space<vmem>>, vector<16xf32>,
            %swap3A_304 = arith.index_cast %while3A_297 : i32 to index
            %swap3A_305 = arith.constant 32 : index
            %swap3A_306 = tpu.vector_load %arg11[%swap3A_304, %swap3A_305] {strides = array<i32>} : memref<64x384xf32, #tpu.memory_space<vmem>>, vector<16xf32>,
            tpu.vector_store %arg11[%swap3A_304, %swap3A_305], %broadcast_in_dim3A_284 {strides = array<i32>} : memref<64x384xf32, #tpu.memory_space<vmem>>, vector<16xf32>,
            %swap3A_307 = arith.index_cast %while3A_297 : i32 to index
            %swap3A_308 = arith.constant 48 : index
            %swap3A_309 = tpu.vector_load %arg11[%swap3A_307, %swap3A_308] {strides = array<i32>} : memref<64x384xf32, #tpu.memory_space<vmem>>, vector<16xf32>,
            tpu.vector_store %arg11[%swap3A_307, %swap3A_308], %broadcast_in_dim3A_284 {strides = array<i32>} : memref<64x384xf32, #tpu.memory_space<vmem>>, vector<16xf32>,
            %swap3A_310 = arith.index_cast %while3A_297 : i32 to index
            %swap3A_311 = arith.constant 64 : index
            %swap3A_312 = tpu.vector_load %arg11[%swap3A_310, %swap3A_311] {strides = array<i32>} : memref<64x384xf32, #tpu.memory_space<vmem>>, vector<16xf32>,
            tpu.vector_store %arg11[%swap3A_310, %swap3A_311], %broadcast_in_dim3A_284 {strides = array<i32>} : memref<64x384xf32, #tpu.memory_space<vmem>>, vector<16xf32>,
            %swap3A_313 = arith.index_cast %while3A_297 : i32 to index
            %swap3A_314 = arith.constant 80 : index
            %swap3A_315 = tpu.vector_load %arg11[%swap3A_313, %swap3A_314] {strides = array<i32>} : memref<64x384xf32, #tpu.memory_space<vmem>>, vector<16xf32>,
            tpu.vector_store %arg11[%swap3A_313, %swap3A_314], %broadcast_in_dim3A_284 {strides = array<i32>} : memref<64x384xf32, #tpu.memory_space<vmem>>, vector<16xf32>,
            %swap3A_316 = arith.index_cast %while3A_297 : i32 to index
            %swap3A_317 = arith.constant 96 : index
            %swap3A_318 = tpu.vector_load %arg11[%swap3A_316, %swap3A_317] {strides = array<i32>} : memref<64x384xf32, #tpu.memory_space<vmem>>, vector<16xf32>,
            tpu.vector_store %arg11[%swap3A_316, %swap3A_317], %broadcast_in_dim3A_284 {strides = array<i32>} : memref<64x384xf32, #tpu.memory_space<vmem>>, vector<16xf32>,
            %swap3A_319 = arith.index_cast %while3A_297 : i32 to index
            %swap3A_320 = arith.constant 112 : index
            %swap3A_321 = tpu.vector_load %arg11[%swap3A_319, %swap3A_320] {strides = array<i32>} : memref<64x384xf32, #tpu.memory_space<vmem>>, vector<16xf32>,
            tpu.vector_store %arg11[%swap3A_319, %swap3A_320], %broadcast_in_dim3A_284 {strides = array<i32>} : memref<64x384xf32, #tpu.memory_space<vmem>>, vector<16xf32>,
            %swap3A_322 = arith.index_cast %while3A_297 : i32 to index
            %swap3A_323 = arith.constant 128 : index
            %swap3A_324 = tpu.vector_load %arg11[%swap3A_322, %swap3A_323] {strides = array<i32>} : memref<64x384xf32, #tpu.memory_space<vmem>>, vector<16xf32>,
            tpu.vector_store %arg11[%swap3A_322, %swap3A_323], %broadcast_in_dim3A_284 {strides = array<i32>} : memref<64x384xf32, #tpu.memory_space<vmem>>, vector<16xf32>,
            %swap3A_325 = arith.index_cast %while3A_297 : i32 to index
            %swap3A_326 = arith.constant 144 : index
            %swap3A_327 = tpu.vector_load %arg11[%swap3A_325, %swap3A_326] {strides = array<i32>} : memref<64x384xf32, #tpu.memory_space<vmem>>, vector<16xf32>,
            tpu.vector_store %arg11[%swap3A_325, %swap3A_326], %broadcast_in_dim3A_284 {strides = array<i32>} : memref<64x384xf32, #tpu.memory_space<vmem>>, vector<16xf32>,
            %swap3A_328 = arith.index_cast %while3A_297 : i32 to index
            %swap3A_329 = arith.constant 160 : index
            %swap3A_330 = tpu.vector_load %arg11[%swap3A_328, %swap3A_329] {strides = array<i32>} : memref<64x384xf32, #tpu.memory_space<vmem>>, vector<16xf32>,
            tpu.vector_store %arg11[%swap3A_328, %swap3A_329], %broadcast_in_dim3A_284 {strides = array<i32>} : memref<64x384xf32, #tpu.memory_space<vmem>>, vector<16xf32>,
            %swap3A_331 = arith.index_cast %while3A_297 : i32 to index
            %swap3A_332 = arith.constant 176 : index
            %swap3A_333 = tpu.vector_load %arg11[%swap3A_331, %swap3A_332] {strides = array<i32>} : memref<64x384xf32, #tpu.memory_space<vmem>>, vector<16xf32>,
            tpu.vector_store %arg11[%swap3A_331, %swap3A_332], %broadcast_in_dim3A_284 {strides = array<i32>} : memref<64x384xf32, #tpu.memory_space<vmem>>, vector<16xf32>,
            %swap3A_334 = arith.index_cast %while3A_297 : i32 to index
            %swap3A_335 = arith.constant 192 : index
            %swap3A_336 = tpu.vector_load %arg11[%swap3A_334, %swap3A_335] {strides = array<i32>} : memref<64x384xf32, #tpu.memory_space<vmem>>, vector<16xf32>,
            tpu.vector_store %arg11[%swap3A_334, %swap3A_335], %broadcast_in_dim3A_284 {strides = array<i32>} : memref<64x384xf32, #tpu.memory_space<vmem>>, vector<16xf32>,
            %swap3A_337 = arith.index_cast %while3A_297 : i32 to index
            %swap3A_338 = arith.constant 208 : index
            %swap3A_339 = tpu.vector_load %arg11[%swap3A_337, %swap3A_338] {strides = array<i32>} : memref<64x384xf32, #tpu.memory_space<vmem>>, vector<16xf32>,
            tpu.vector_store %arg11[%swap3A_337, %swap3A_338], %broadcast_in_dim3A_284 {strides = array<i32>} : memref<64x384xf32, #tpu.memory_space<vmem>>, vector<16xf32>,
            %swap3A_340 = arith.index_cast %while3A_297 : i32 to index
            %swap3A_341 = arith.constant 224 : index
            %swap3A_342 = tpu.vector_load %arg11[%swap3A_340, %swap3A_341] {strides = array<i32>} : memref<64x384xf32, #tpu.memory_space<vmem>>, vector<16xf32>,
            tpu.vector_store %arg11[%swap3A_340, %swap3A_341], %broadcast_in_dim3A_284 {strides = array<i32>} : memref<64x384xf32, #tpu.memory_space<vmem>>, vector<16xf32>,
            %swap3A_343 = arith.index_cast %while3A_297 : i32 to index
            %swap3A_344 = arith.constant 240 : index
            %swap3A_345 = tpu.vector_load %arg11[%swap3A_343, %swap3A_344] {strides = array<i32>} : memref<64x384xf32, #tpu.memory_space<vmem>>, vector<16xf32>,
            tpu.vector_store %arg11[%swap3A_343, %swap3A_344], %broadcast_in_dim3A_284 {strides = array<i32>} : memref<64x384xf32, #tpu.memory_space<vmem>>, vector<16xf32>,
            %swap3A_346 = arith.index_cast %while3A_297 : i32 to index
            %swap3A_347 = arith.constant 256 : index
            %swap3A_348 = tpu.vector_load %arg11[%swap3A_346, %swap3A_347] {strides = array<i32>} : memref<64x384xf32, #tpu.memory_space<vmem>>, vector<16xf32>,
            tpu.vector_store %arg11[%swap3A_346, %swap3A_347], %broadcast_in_dim3A_284 {strides = array<i32>} : memref<64x384xf32, #tpu.memory_space<vmem>>, vector<16xf32>,
            %swap3A_349 = arith.index_cast %while3A_297 : i32 to index
            %swap3A_350 = arith.constant 272 : index
            %swap3A_351 = tpu.vector_load %arg11[%swap3A_349, %swap3A_350] {strides = array<i32>} : memref<64x384xf32, #tpu.memory_space<vmem>>, vector<16xf32>,
            tpu.vector_store %arg11[%swap3A_349, %swap3A_350], %broadcast_in_dim3A_284 {strides = array<i32>} : memref<64x384xf32, #tpu.memory_space<vmem>>, vector<16xf32>,
            %swap3A_352 = arith.index_cast %while3A_297 : i32 to index
            %swap3A_353 = arith.constant 288 : index
            %swap3A_354 = tpu.vector_load %arg11[%swap3A_352, %swap3A_353] {strides = array<i32>} : memref<64x384xf32, #tpu.memory_space<vmem>>, vector<16xf32>,
            tpu.vector_store %arg11[%swap3A_352, %swap3A_353], %broadcast_in_dim3A_284 {strides = array<i32>} : memref<64x384xf32, #tpu.memory_space<vmem>>, vector<16xf32>,
            %swap3A_355 = arith.index_cast %while3A_297 : i32 to index
            %swap3A_356 = arith.constant 304 : index
            %swap3A_357 = tpu.vector_load %arg11[%swap3A_355, %swap3A_356] {strides = array<i32>} : memref<64x384xf32, #tpu.memory_space<vmem>>, vector<16xf32>,
            tpu.vector_store %arg11[%swap3A_355, %swap3A_356], %broadcast_in_dim3A_284 {strides = array<i32>} : memref<64x384xf32, #tpu.memory_space<vmem>>, vector<16xf32>,
            %swap3A_358 = arith.index_cast %while3A_297 : i32 to index
            %swap3A_359 = arith.constant 320 : index
            %swap3A_360 = tpu.vector_load %arg11[%swap3A_358, %swap3A_359] {strides = array<i32>} : memref<64x384xf32, #tpu.memory_space<vmem>>, vector<16xf32>,
            tpu.vector_store %arg11[%swap3A_358, %swap3A_359], %broadcast_in_dim3A_284 {strides = array<i32>} : memref<64x384xf32, #tpu.memory_space<vmem>>, vector<16xf32>,
            %swap3A_361 = arith.index_cast %while3A_297 : i32 to index
            %swap3A_362 = arith.constant 336 : index
            %swap3A_363 = tpu.vector_load %arg11[%swap3A_361, %swap3A_362] {strides = array<i32>} : memref<64x384xf32, #tpu.memory_space<vmem>>, vector<16xf32>,
            tpu.vector_store %arg11[%swap3A_361, %swap3A_362], %broadcast_in_dim3A_284 {strides = array<i32>} : memref<64x384xf32, #tpu.memory_space<vmem>>, vector<16xf32>,
            %swap3A_364 = arith.index_cast %while3A_297 : i32 to index
            %swap3A_365 = arith.constant 352 : index
            %swap3A_366 = tpu.vector_load %arg11[%swap3A_364, %swap3A_365] {strides = array<i32>} : memref<64x384xf32, #tpu.memory_space<vmem>>, vector<16xf32>,
            tpu.vector_store %arg11[%swap3A_364, %swap3A_365], %broadcast_in_dim3A_284 {strides = array<i32>} : memref<64x384xf32, #tpu.memory_space<vmem>>, vector<16xf32>,
            %swap3A_367 = arith.index_cast %while3A_297 : i32 to index
            %swap3A_368 = arith.constant 368 : index
            %swap3A_369 = tpu.vector_load %arg11[%swap3A_367, %swap3A_368] {strides = array<i32>} : memref<64x384xf32, #tpu.memory_space<vmem>>, vector<16xf32>,
            tpu.vector_store %arg11[%swap3A_367, %swap3A_368], %broadcast_in_dim3A_284 {strides = array<i32>} : memref<64x384xf32, #tpu.memory_space<vmem>>, vector<16xf32>,
            %while3A_370 = arith.constant 0 : i32
            scf.yield %while3A_370 : i32
          }
        } else {
        }
        %dma_start3A = arith.constant 0 : i32
        %dma_start3A_278 = tpu.memref_slice %arg6[%add3A, %mul3A_196, %dma_start3A] : memref<16x4096x384xf32, #tpu.memory_space<hbm>> -> memref<1x64x384xf32, #tpu.memory_space<hbm>>
        %dma_start3A_279 = tpu.memref_squeeze %dma_start3A_278 : memref<1x64x384xf32, #tpu.memory_space<hbm>> -> memref<64x384xf32, #tpu.memory_space<hbm>>
        %dma_start3A_280 = arith.constant 0 : i32
        %dma_start3A_281 = tpu.memref_slice %arg6[%add3A, %mul3A_196, %dma_start3A_280] : memref<16x4096x384xf32, #tpu.memory_space<hbm>> -> memref<1x64x384xf32, #tpu.memory_space<hbm>>
        %dma_start3A_282 = tpu.memref_squeeze %dma_start3A_281 : memref<1x64x384xf32, #tpu.memory_space<hbm>> -> memref<64x384xf32, #tpu.memory_space<hbm>>
        tpu.enqueue_dma source(%arg11 : memref<64x384xf32, #tpu.memory_space<vmem>>) target(%dma_start3A_282 : memref<64x384xf32, #tpu.memory_space<hbm>>) target_semaphore(%arg18 : memref<!tpu.dma_semaphore, #tpu.memory_space<semaphore_mem>>)
      } else {
      }
      %jit3A_240 = arith.constant 3 : i32
      %eq3A_241 = arith.constant 0 : i32
      %eq3A_242 = arith.cmpi eq, %jit3A_240, %eq3A_241 : i32
      %jit3A_243 = arith.constant 1 : i32
      %select_n3A_244 = arith.select %eq3A_242, %jit3A_243, %jit3A_240 : i32
      %rem3A_245 = arith.remsi %while3A_190, %select_n3A_244 : i32
      %ne3A_246 = arith.constant 0 : i32
      %ne3A_247 = arith.cmpi ne, %rem3A_245, %ne3A_246 : i32
      %lt3A_248 = arith.constant 0 : i32
      %lt3A_249 = arith.cmpi slt, %rem3A_245, %lt3A_248 : i32
      %lt3A_250 = arith.constant 0 : i32
      %lt3A_251 = arith.cmpi slt, %select_n3A_244, %lt3A_250 : i32
      %ne3A_252 = arith.xori %lt3A_249, %lt3A_251 : i1
      %and3A_253 = arith.andi %ne3A_252, %ne3A_247 : i1
      %add3A_254 = arith.addi %rem3A_245, %select_n3A_244 : i32
      %select_n3A_255 = arith.select %and3A_253, %add3A_254, %rem3A_245 : i32
      %eq3A_256 = arith.constant 2 : i32
      %eq3A_257 = arith.cmpi eq, %select_n3A_255, %eq3A_256 : i32
      %convert_element_type3A_258 = arith.extui %eq3A_257 : i1 to i32
      %cond3A_259 = arith.constant 0 : i32
      %cond3A_260 = arith.cmpi ne, %convert_element_type3A_258, %cond3A_259 : i32
      scf.if %cond3A_260 {
        %add3A_262 = arith.constant 2 : i32
        %add3A_263 = arith.addi %while3A_190, %add3A_262 : i32
        %lt3A_264 = arith.cmpi slt, %add3A_263, %max3A_104 : i32
        %convert_element_type3A_265 = arith.extui %lt3A_264 : i1 to i32
        %cond3A_266 = arith.constant 0 : i32
        %cond3A_267 = arith.cmpi ne, %convert_element_type3A_265, %cond3A_266 : i32
        scf.if %cond3A_267 {
          %ge3A_283 = arith.constant 1 : i32
          %ge3A_284 = arith.cmpi sge, %while3A_190, %ge3A_283 : i32
          %convert_element_type3A_285 = arith.extui %ge3A_284 : i1 to i32
          %cond3A_286 = arith.constant 0 : i32
          %cond3A_287 = arith.cmpi ne, %convert_element_type3A_285, %cond3A_286 : i32
          scf.if %cond3A_287 {
            %dma_wait3A_299 = arith.constant 0 : i32
            %dma_wait3A_300 = arith.constant 0 : i32
            %dma_wait3A_301 = tpu.memref_slice %arg2[%dma_wait3A_299, %dma_wait3A_300] : memref<8192x384xf32, #tpu.memory_space<hbm>> -> memref<64x384xf32, #tpu.memory_space<hbm>>
            %dma_wait3A_302 = arith.constant 0 : i32
            %dma_wait3A_303 = arith.constant 0 : i32
            %dma_wait3A_304 = tpu.memref_slice %arg2[%dma_wait3A_302, %dma_wait3A_303] : memref<8192x384xf32, #tpu.memory_space<hbm>> -> memref<64x384xf32, #tpu.memory_space<hbm>>
            tpu.wait_dma2 semaphore(%arg18 : memref<!tpu.dma_semaphore, #tpu.memory_space<semaphore_mem>>) src(%dma_wait3A_304 : memref<64x384xf32, #tpu.memory_space<hbm>>) dst(%arg11 : memref<64x384xf32, #tpu.memory_space<vmem>>)
          } else {
          }
          %add3A_288 = arith.constant 2 : i32
          %add3A_289 = arith.addi %while3A_190, %add3A_288 : i32
          %mul3A_290 = arith.constant 2 : i32
          %mul3A_291 = arith.muli %mul3A_290, %add3A_289 : i32
          %add3A_292 = arith.addi %mul3A_291, %select_n3A_30 : i32
          %mul3A_293 = arith.constant 64 : i32
          %mul3A_294 = arith.muli %add3A_292, %mul3A_293 : i32
          %dma_start3A_295 = tpu.memref_slice %arg9[%mul3A_294] : memref<4096xi32, #tpu.memory_space<vmem>> -> memref<64xi32, #tpu.memory_space<vmem>>
          %dma_start3A_296 = arith.constant 0 : i32
          %dma_start3A_297 = arith.constant 0 : i32
          %dma_start3A_298 = tpu.memref_slice %arg2[%dma_start3A_296, %dma_start3A_297] : memref<8192x384xf32, #tpu.memory_space<hbm>> -> memref<8192x384xf32, #tpu.memory_space<hbm>>
          tpu.enqueue_indirect_dma source(%dma_start3A_298 : memref<8192x384xf32, #tpu.memory_space<hbm>>) target(%arg11 : memref<64x384xf32, #tpu.memory_space<vmem>>) offsets(%dma_start3A_295 : memref<64xi32, #tpu.memory_space<vmem>>) semaphore(%arg15 : memref<!tpu.dma_semaphore, #tpu.memory_space<semaphore_mem>>)
        } else {
        }
        %dma_wait3A = arith.constant 0 : i32
        %dma_wait3A_268 = arith.constant 0 : i32
        %dma_wait3A_269 = tpu.memref_slice %arg2[%dma_wait3A, %dma_wait3A_268] : memref<8192x384xf32, #tpu.memory_space<hbm>> -> memref<64x384xf32, #tpu.memory_space<hbm>>
        %dma_wait3A_270 = arith.constant 0 : i32
        %dma_wait3A_271 = arith.constant 0 : i32
        %dma_wait3A_272 = tpu.memref_slice %arg2[%dma_wait3A_270, %dma_wait3A_271] : memref<8192x384xf32, #tpu.memory_space<hbm>> -> memref<64x384xf32, #tpu.memory_space<hbm>>
        tpu.wait_dma2 semaphore(%arg16 : memref<!tpu.dma_semaphore, #tpu.memory_space<semaphore_mem>>) src(%dma_wait3A_272 : memref<64x384xf32, #tpu.memory_space<hbm>>) dst(%arg12 : memref<64x384xf32, #tpu.memory_space<vmem>>)
        %lt3A_273 = arith.constant 64 : i32
        %lt3A_274 = arith.cmpi slt, %sub3A_197, %lt3A_273 : i32
        %convert_element_type3A_275 = arith.extui %lt3A_274 : i1 to i32
        %cond3A_276 = arith.constant 0 : i32
        %cond3A_277 = arith.cmpi ne, %convert_element_type3A_275, %cond3A_276 : i32
        scf.if %cond3A_277 {
          %broadcast_in_dim3A_283 = arith.constant 0.000000e+00 : f32
          %broadcast_in_dim3A_284 = vector.broadcast %broadcast_in_dim3A_283 : f32 to vector<16xf32>
          %while3A_285 = arith.constant 64 : i32
          %while3A_286 = arith.constant 0 : i32
          %while3A_287 = arith.subi %while3A_285, %sub3A_197 : i32
          %while3A_288 = arith.addi %sub3A_197, %while3A_287 : i32
          %while3A_289 = arith.constant 1 : i32
          %while3A_290 = arith.divsi %while3A_287, %while3A_289 : i32
          %while3A_291 = arith.muli %while3A_290, %while3A_289 : i32
          %while3A_292 = arith.addi %sub3A_197, %while3A_291 : i32
          %while3A_293 = arith.constant 1 : i32
          %while3A_294 = scf.for %while3A_297 = %sub3A_197 to %while3A_292 step %while3A_293 iter_args(%while3A_298 = %while3A_286) -> (i32)  : i32 {
            %swap3A = arith.index_cast %while3A_297 : i32 to index
            %swap3A_299 = arith.constant 0 : index
            %swap3A_300 = tpu.vector_load %arg12[%swap3A, %swap3A_299] {strides = array<i32>} : memref<64x384xf32, #tpu.memory_space<vmem>>, vector<16xf32>,
            tpu.vector_store %arg12[%swap3A, %swap3A_299], %broadcast_in_dim3A_284 {strides = array<i32>} : memref<64x384xf32, #tpu.memory_space<vmem>>, vector<16xf32>,
            %swap3A_301 = arith.index_cast %while3A_297 : i32 to index
            %swap3A_302 = arith.constant 16 : index
            %swap3A_303 = tpu.vector_load %arg12[%swap3A_301, %swap3A_302] {strides = array<i32>} : memref<64x384xf32, #tpu.memory_space<vmem>>, vector<16xf32>,
            tpu.vector_store %arg12[%swap3A_301, %swap3A_302], %broadcast_in_dim3A_284 {strides = array<i32>} : memref<64x384xf32, #tpu.memory_space<vmem>>, vector<16xf32>,
            %swap3A_304 = arith.index_cast %while3A_297 : i32 to index
            %swap3A_305 = arith.constant 32 : index
            %swap3A_306 = tpu.vector_load %arg12[%swap3A_304, %swap3A_305] {strides = array<i32>} : memref<64x384xf32, #tpu.memory_space<vmem>>, vector<16xf32>,
            tpu.vector_store %arg12[%swap3A_304, %swap3A_305], %broadcast_in_dim3A_284 {strides = array<i32>} : memref<64x384xf32, #tpu.memory_space<vmem>>, vector<16xf32>,
            %swap3A_307 = arith.index_cast %while3A_297 : i32 to index
            %swap3A_308 = arith.constant 48 : index
            %swap3A_309 = tpu.vector_load %arg12[%swap3A_307, %swap3A_308] {strides = array<i32>} : memref<64x384xf32, #tpu.memory_space<vmem>>, vector<16xf32>,
            tpu.vector_store %arg12[%swap3A_307, %swap3A_308], %broadcast_in_dim3A_284 {strides = array<i32>} : memref<64x384xf32, #tpu.memory_space<vmem>>, vector<16xf32>,
            %swap3A_310 = arith.index_cast %while3A_297 : i32 to index
            %swap3A_311 = arith.constant 64 : index
            %swap3A_312 = tpu.vector_load %arg12[%swap3A_310, %swap3A_311] {strides = array<i32>} : memref<64x384xf32, #tpu.memory_space<vmem>>, vector<16xf32>,
            tpu.vector_store %arg12[%swap3A_310, %swap3A_311], %broadcast_in_dim3A_284 {strides = array<i32>} : memref<64x384xf32, #tpu.memory_space<vmem>>, vector<16xf32>,
            %swap3A_313 = arith.index_cast %while3A_297 : i32 to index
            %swap3A_314 = arith.constant 80 : index
            %swap3A_315 = tpu.vector_load %arg12[%swap3A_313, %swap3A_314] {strides = array<i32>} : memref<64x384xf32, #tpu.memory_space<vmem>>, vector<16xf32>,
            tpu.vector_store %arg12[%swap3A_313, %swap3A_314], %broadcast_in_dim3A_284 {strides = array<i32>} : memref<64x384xf32, #tpu.memory_space<vmem>>, vector<16xf32>,
            %swap3A_316 = arith.index_cast %while3A_297 : i32 to index
            %swap3A_317 = arith.constant 96 : index
            %swap3A_318 = tpu.vector_load %arg12[%swap3A_316, %swap3A_317] {strides = array<i32>} : memref<64x384xf32, #tpu.memory_space<vmem>>, vector<16xf32>,
            tpu.vector_store %arg12[%swap3A_316, %swap3A_317], %broadcast_in_dim3A_284 {strides = array<i32>} : memref<64x384xf32, #tpu.memory_space<vmem>>, vector<16xf32>,
            %swap3A_319 = arith.index_cast %while3A_297 : i32 to index
            %swap3A_320 = arith.constant 112 : index
            %swap3A_321 = tpu.vector_load %arg12[%swap3A_319, %swap3A_320] {strides = array<i32>} : memref<64x384xf32, #tpu.memory_space<vmem>>, vector<16xf32>,
            tpu.vector_store %arg12[%swap3A_319, %swap3A_320], %broadcast_in_dim3A_284 {strides = array<i32>} : memref<64x384xf32, #tpu.memory_space<vmem>>, vector<16xf32>,
            %swap3A_322 = arith.index_cast %while3A_297 : i32 to index
            %swap3A_323 = arith.constant 128 : index
            %swap3A_324 = tpu.vector_load %arg12[%swap3A_322, %swap3A_323] {strides = array<i32>} : memref<64x384xf32, #tpu.memory_space<vmem>>, vector<16xf32>,
            tpu.vector_store %arg12[%swap3A_322, %swap3A_323], %broadcast_in_dim3A_284 {strides = array<i32>} : memref<64x384xf32, #tpu.memory_space<vmem>>, vector<16xf32>,
            %swap3A_325 = arith.index_cast %while3A_297 : i32 to index
            %swap3A_326 = arith.constant 144 : index
            %swap3A_327 = tpu.vector_load %arg12[%swap3A_325, %swap3A_326] {strides = array<i32>} : memref<64x384xf32, #tpu.memory_space<vmem>>, vector<16xf32>,
            tpu.vector_store %arg12[%swap3A_325, %swap3A_326], %broadcast_in_dim3A_284 {strides = array<i32>} : memref<64x384xf32, #tpu.memory_space<vmem>>, vector<16xf32>,
            %swap3A_328 = arith.index_cast %while3A_297 : i32 to index
            %swap3A_329 = arith.constant 160 : index
            %swap3A_330 = tpu.vector_load %arg12[%swap3A_328, %swap3A_329] {strides = array<i32>} : memref<64x384xf32, #tpu.memory_space<vmem>>, vector<16xf32>,
            tpu.vector_store %arg12[%swap3A_328, %swap3A_329], %broadcast_in_dim3A_284 {strides = array<i32>} : memref<64x384xf32, #tpu.memory_space<vmem>>, vector<16xf32>,
            %swap3A_331 = arith.index_cast %while3A_297 : i32 to index
            %swap3A_332 = arith.constant 176 : index
            %swap3A_333 = tpu.vector_load %arg12[%swap3A_331, %swap3A_332] {strides = array<i32>} : memref<64x384xf32, #tpu.memory_space<vmem>>, vector<16xf32>,
            tpu.vector_store %arg12[%swap3A_331, %swap3A_332], %broadcast_in_dim3A_284 {strides = array<i32>} : memref<64x384xf32, #tpu.memory_space<vmem>>, vector<16xf32>,
            %swap3A_334 = arith.index_cast %while3A_297 : i32 to index
            %swap3A_335 = arith.constant 192 : index
            %swap3A_336 = tpu.vector_load %arg12[%swap3A_334, %swap3A_335] {strides = array<i32>} : memref<64x384xf32, #tpu.memory_space<vmem>>, vector<16xf32>,
            tpu.vector_store %arg12[%swap3A_334, %swap3A_335], %broadcast_in_dim3A_284 {strides = array<i32>} : memref<64x384xf32, #tpu.memory_space<vmem>>, vector<16xf32>,
            %swap3A_337 = arith.index_cast %while3A_297 : i32 to index
            %swap3A_338 = arith.constant 208 : index
            %swap3A_339 = tpu.vector_load %arg12[%swap3A_337, %swap3A_338] {strides = array<i32>} : memref<64x384xf32, #tpu.memory_space<vmem>>, vector<16xf32>,
            tpu.vector_store %arg12[%swap3A_337, %swap3A_338], %broadcast_in_dim3A_284 {strides = array<i32>} : memref<64x384xf32, #tpu.memory_space<vmem>>, vector<16xf32>,
            %swap3A_340 = arith.index_cast %while3A_297 : i32 to index
            %swap3A_341 = arith.constant 224 : index
            %swap3A_342 = tpu.vector_load %arg12[%swap3A_340, %swap3A_341] {strides = array<i32>} : memref<64x384xf32, #tpu.memory_space<vmem>>, vector<16xf32>,
            tpu.vector_store %arg12[%swap3A_340, %swap3A_341], %broadcast_in_dim3A_284 {strides = array<i32>} : memref<64x384xf32, #tpu.memory_space<vmem>>, vector<16xf32>,
            %swap3A_343 = arith.index_cast %while3A_297 : i32 to index
            %swap3A_344 = arith.constant 240 : index
            %swap3A_345 = tpu.vector_load %arg12[%swap3A_343, %swap3A_344] {strides = array<i32>} : memref<64x384xf32, #tpu.memory_space<vmem>>, vector<16xf32>,
            tpu.vector_store %arg12[%swap3A_343, %swap3A_344], %broadcast_in_dim3A_284 {strides = array<i32>} : memref<64x384xf32, #tpu.memory_space<vmem>>, vector<16xf32>,
            %swap3A_346 = arith.index_cast %while3A_297 : i32 to index
            %swap3A_347 = arith.constant 256 : index
            %swap3A_348 = tpu.vector_load %arg12[%swap3A_346, %swap3A_347] {strides = array<i32>} : memref<64x384xf32, #tpu.memory_space<vmem>>, vector<16xf32>,
            tpu.vector_store %arg12[%swap3A_346, %swap3A_347], %broadcast_in_dim3A_284 {strides = array<i32>} : memref<64x384xf32, #tpu.memory_space<vmem>>, vector<16xf32>,
            %swap3A_349 = arith.index_cast %while3A_297 : i32 to index
            %swap3A_350 = arith.constant 272 : index
            %swap3A_351 = tpu.vector_load %arg12[%swap3A_349, %swap3A_350] {strides = array<i32>} : memref<64x384xf32, #tpu.memory_space<vmem>>, vector<16xf32>,
            tpu.vector_store %arg12[%swap3A_349, %swap3A_350], %broadcast_in_dim3A_284 {strides = array<i32>} : memref<64x384xf32, #tpu.memory_space<vmem>>, vector<16xf32>,
            %swap3A_352 = arith.index_cast %while3A_297 : i32 to index
            %swap3A_353 = arith.constant 288 : index
            %swap3A_354 = tpu.vector_load %arg12[%swap3A_352, %swap3A_353] {strides = array<i32>} : memref<64x384xf32, #tpu.memory_space<vmem>>, vector<16xf32>,
            tpu.vector_store %arg12[%swap3A_352, %swap3A_353], %broadcast_in_dim3A_284 {strides = array<i32>} : memref<64x384xf32, #tpu.memory_space<vmem>>, vector<16xf32>,
            %swap3A_355 = arith.index_cast %while3A_297 : i32 to index
            %swap3A_356 = arith.constant 304 : index
            %swap3A_357 = tpu.vector_load %arg12[%swap3A_355, %swap3A_356] {strides = array<i32>} : memref<64x384xf32, #tpu.memory_space<vmem>>, vector<16xf32>,
            tpu.vector_store %arg12[%swap3A_355, %swap3A_356], %broadcast_in_dim3A_284 {strides = array<i32>} : memref<64x384xf32, #tpu.memory_space<vmem>>, vector<16xf32>,
            %swap3A_358 = arith.index_cast %while3A_297 : i32 to index
            %swap3A_359 = arith.constant 320 : index
            %swap3A_360 = tpu.vector_load %arg12[%swap3A_358, %swap3A_359] {strides = array<i32>} : memref<64x384xf32, #tpu.memory_space<vmem>>, vector<16xf32>,
            tpu.vector_store %arg12[%swap3A_358, %swap3A_359], %broadcast_in_dim3A_284 {strides = array<i32>} : memref<64x384xf32, #tpu.memory_space<vmem>>, vector<16xf32>,
            %swap3A_361 = arith.index_cast %while3A_297 : i32 to index
            %swap3A_362 = arith.constant 336 : index
            %swap3A_363 = tpu.vector_load %arg12[%swap3A_361, %swap3A_362] {strides = array<i32>} : memref<64x384xf32, #tpu.memory_space<vmem>>, vector<16xf32>,
            tpu.vector_store %arg12[%swap3A_361, %swap3A_362], %broadcast_in_dim3A_284 {strides = array<i32>} : memref<64x384xf32, #tpu.memory_space<vmem>>, vector<16xf32>,
            %swap3A_364 = arith.index_cast %while3A_297 : i32 to index
            %swap3A_365 = arith.constant 352 : index
            %swap3A_366 = tpu.vector_load %arg12[%swap3A_364, %swap3A_365] {strides = array<i32>} : memref<64x384xf32, #tpu.memory_space<vmem>>, vector<16xf32>,
            tpu.vector_store %arg12[%swap3A_364, %swap3A_365], %broadcast_in_dim3A_284 {strides = array<i32>} : memref<64x384xf32, #tpu.memory_space<vmem>>, vector<16xf32>,
            %swap3A_367 = arith.index_cast %while3A_297 : i32 to index
            %swap3A_368 = arith.constant 368 : index
            %swap3A_369 = tpu.vector_load %arg12[%swap3A_367, %swap3A_368] {strides = array<i32>} : memref<64x384xf32, #tpu.memory_space<vmem>>, vector<16xf32>,
            tpu.vector_store %arg12[%swap3A_367, %swap3A_368], %broadcast_in_dim3A_284 {strides = array<i32>} : memref<64x384xf32, #tpu.memory_space<vmem>>, vector<16xf32>,
            %while3A_370 = arith.constant 0 : i32
            scf.yield %while3A_370 : i32
          }
          %while3A_295 = arith.constant 1 : i32
          %while3A_296 = scf.for %while3A_297 = %while3A_292 to %while3A_288 step %while3A_295 iter_args(%while3A_298 = %while3A_294) -> (i32)  : i32 {
            %swap3A = arith.index_cast %while3A_297 : i32 to index
            %swap3A_299 = arith.constant 0 : index
            %swap3A_300 = tpu.vector_load %arg12[%swap3A, %swap3A_299] {strides = array<i32>} : memref<64x384xf32, #tpu.memory_space<vmem>>, vector<16xf32>,
            tpu.vector_store %arg12[%swap3A, %swap3A_299], %broadcast_in_dim3A_284 {strides = array<i32>} : memref<64x384xf32, #tpu.memory_space<vmem>>, vector<16xf32>,
            %swap3A_301 = arith.index_cast %while3A_297 : i32 to index
            %swap3A_302 = arith.constant 16 : index
            %swap3A_303 = tpu.vector_load %arg12[%swap3A_301, %swap3A_302] {strides = array<i32>} : memref<64x384xf32, #tpu.memory_space<vmem>>, vector<16xf32>,
            tpu.vector_store %arg12[%swap3A_301, %swap3A_302], %broadcast_in_dim3A_284 {strides = array<i32>} : memref<64x384xf32, #tpu.memory_space<vmem>>, vector<16xf32>,
            %swap3A_304 = arith.index_cast %while3A_297 : i32 to index
            %swap3A_305 = arith.constant 32 : index
            %swap3A_306 = tpu.vector_load %arg12[%swap3A_304, %swap3A_305] {strides = array<i32>} : memref<64x384xf32, #tpu.memory_space<vmem>>, vector<16xf32>,
            tpu.vector_store %arg12[%swap3A_304, %swap3A_305], %broadcast_in_dim3A_284 {strides = array<i32>} : memref<64x384xf32, #tpu.memory_space<vmem>>, vector<16xf32>,
            %swap3A_307 = arith.index_cast %while3A_297 : i32 to index
            %swap3A_308 = arith.constant 48 : index
            %swap3A_309 = tpu.vector_load %arg12[%swap3A_307, %swap3A_308] {strides = array<i32>} : memref<64x384xf32, #tpu.memory_space<vmem>>, vector<16xf32>,
            tpu.vector_store %arg12[%swap3A_307, %swap3A_308], %broadcast_in_dim3A_284 {strides = array<i32>} : memref<64x384xf32, #tpu.memory_space<vmem>>, vector<16xf32>,
            %swap3A_310 = arith.index_cast %while3A_297 : i32 to index
            %swap3A_311 = arith.constant 64 : index
            %swap3A_312 = tpu.vector_load %arg12[%swap3A_310, %swap3A_311] {strides = array<i32>} : memref<64x384xf32, #tpu.memory_space<vmem>>, vector<16xf32>,
            tpu.vector_store %arg12[%swap3A_310, %swap3A_311], %broadcast_in_dim3A_284 {strides = array<i32>} : memref<64x384xf32, #tpu.memory_space<vmem>>, vector<16xf32>,
            %swap3A_313 = arith.index_cast %while3A_297 : i32 to index
            %swap3A_314 = arith.constant 80 : index
            %swap3A_315 = tpu.vector_load %arg12[%swap3A_313, %swap3A_314] {strides = array<i32>} : memref<64x384xf32, #tpu.memory_space<vmem>>, vector<16xf32>,
            tpu.vector_store %arg12[%swap3A_313, %swap3A_314], %broadcast_in_dim3A_284 {strides = array<i32>} : memref<64x384xf32, #tpu.memory_space<vmem>>, vector<16xf32>,
            %swap3A_316 = arith.index_cast %while3A_297 : i32 to index
            %swap3A_317 = arith.constant 96 : index
            %swap3A_318 = tpu.vector_load %arg12[%swap3A_316, %swap3A_317] {strides = array<i32>} : memref<64x384xf32, #tpu.memory_space<vmem>>, vector<16xf32>,
            tpu.vector_store %arg12[%swap3A_316, %swap3A_317], %broadcast_in_dim3A_284 {strides = array<i32>} : memref<64x384xf32, #tpu.memory_space<vmem>>, vector<16xf32>,
            %swap3A_319 = arith.index_cast %while3A_297 : i32 to index
            %swap3A_320 = arith.constant 112 : index
            %swap3A_321 = tpu.vector_load %arg12[%swap3A_319, %swap3A_320] {strides = array<i32>} : memref<64x384xf32, #tpu.memory_space<vmem>>, vector<16xf32>,
            tpu.vector_store %arg12[%swap3A_319, %swap3A_320], %broadcast_in_dim3A_284 {strides = array<i32>} : memref<64x384xf32, #tpu.memory_space<vmem>>, vector<16xf32>,
            %swap3A_322 = arith.index_cast %while3A_297 : i32 to index
            %swap3A_323 = arith.constant 128 : index
            %swap3A_324 = tpu.vector_load %arg12[%swap3A_322, %swap3A_323] {strides = array<i32>} : memref<64x384xf32, #tpu.memory_space<vmem>>, vector<16xf32>,
            tpu.vector_store %arg12[%swap3A_322, %swap3A_323], %broadcast_in_dim3A_284 {strides = array<i32>} : memref<64x384xf32, #tpu.memory_space<vmem>>, vector<16xf32>,
            %swap3A_325 = arith.index_cast %while3A_297 : i32 to index
            %swap3A_326 = arith.constant 144 : index
            %swap3A_327 = tpu.vector_load %arg12[%swap3A_325, %swap3A_326] {strides = array<i32>} : memref<64x384xf32, #tpu.memory_space<vmem>>, vector<16xf32>,
            tpu.vector_store %arg12[%swap3A_325, %swap3A_326], %broadcast_in_dim3A_284 {strides = array<i32>} : memref<64x384xf32, #tpu.memory_space<vmem>>, vector<16xf32>,
            %swap3A_328 = arith.index_cast %while3A_297 : i32 to index
            %swap3A_329 = arith.constant 160 : index
            %swap3A_330 = tpu.vector_load %arg12[%swap3A_328, %swap3A_329] {strides = array<i32>} : memref<64x384xf32, #tpu.memory_space<vmem>>, vector<16xf32>,
            tpu.vector_store %arg12[%swap3A_328, %swap3A_329], %broadcast_in_dim3A_284 {strides = array<i32>} : memref<64x384xf32, #tpu.memory_space<vmem>>, vector<16xf32>,
            %swap3A_331 = arith.index_cast %while3A_297 : i32 to index
            %swap3A_332 = arith.constant 176 : index
            %swap3A_333 = tpu.vector_load %arg12[%swap3A_331, %swap3A_332] {strides = array<i32>} : memref<64x384xf32, #tpu.memory_space<vmem>>, vector<16xf32>,
            tpu.vector_store %arg12[%swap3A_331, %swap3A_332], %broadcast_in_dim3A_284 {strides = array<i32>} : memref<64x384xf32, #tpu.memory_space<vmem>>, vector<16xf32>,
            %swap3A_334 = arith.index_cast %while3A_297 : i32 to index
            %swap3A_335 = arith.constant 192 : index
            %swap3A_336 = tpu.vector_load %arg12[%swap3A_334, %swap3A_335] {strides = array<i32>} : memref<64x384xf32, #tpu.memory_space<vmem>>, vector<16xf32>,
            tpu.vector_store %arg12[%swap3A_334, %swap3A_335], %broadcast_in_dim3A_284 {strides = array<i32>} : memref<64x384xf32, #tpu.memory_space<vmem>>, vector<16xf32>,
            %swap3A_337 = arith.index_cast %while3A_297 : i32 to index
            %swap3A_338 = arith.constant 208 : index
            %swap3A_339 = tpu.vector_load %arg12[%swap3A_337, %swap3A_338] {strides = array<i32>} : memref<64x384xf32, #tpu.memory_space<vmem>>, vector<16xf32>,
            tpu.vector_store %arg12[%swap3A_337, %swap3A_338], %broadcast_in_dim3A_284 {strides = array<i32>} : memref<64x384xf32, #tpu.memory_space<vmem>>, vector<16xf32>,
            %swap3A_340 = arith.index_cast %while3A_297 : i32 to index
            %swap3A_341 = arith.constant 224 : index
            %swap3A_342 = tpu.vector_load %arg12[%swap3A_340, %swap3A_341] {strides = array<i32>} : memref<64x384xf32, #tpu.memory_space<vmem>>, vector<16xf32>,
            tpu.vector_store %arg12[%swap3A_340, %swap3A_341], %broadcast_in_dim3A_284 {strides = array<i32>} : memref<64x384xf32, #tpu.memory_space<vmem>>, vector<16xf32>,
            %swap3A_343 = arith.index_cast %while3A_297 : i32 to index
            %swap3A_344 = arith.constant 240 : index
            %swap3A_345 = tpu.vector_load %arg12[%swap3A_343, %swap3A_344] {strides = array<i32>} : memref<64x384xf32, #tpu.memory_space<vmem>>, vector<16xf32>,
            tpu.vector_store %arg12[%swap3A_343, %swap3A_344], %broadcast_in_dim3A_284 {strides = array<i32>} : memref<64x384xf32, #tpu.memory_space<vmem>>, vector<16xf32>,
            %swap3A_346 = arith.index_cast %while3A_297 : i32 to index
            %swap3A_347 = arith.constant 256 : index
            %swap3A_348 = tpu.vector_load %arg12[%swap3A_346, %swap3A_347] {strides = array<i32>} : memref<64x384xf32, #tpu.memory_space<vmem>>, vector<16xf32>,
            tpu.vector_store %arg12[%swap3A_346, %swap3A_347], %broadcast_in_dim3A_284 {strides = array<i32>} : memref<64x384xf32, #tpu.memory_space<vmem>>, vector<16xf32>,
            %swap3A_349 = arith.index_cast %while3A_297 : i32 to index
            %swap3A_350 = arith.constant 272 : index
            %swap3A_351 = tpu.vector_load %arg12[%swap3A_349, %swap3A_350] {strides = array<i32>} : memref<64x384xf32, #tpu.memory_space<vmem>>, vector<16xf32>,
            tpu.vector_store %arg12[%swap3A_349, %swap3A_350], %broadcast_in_dim3A_284 {strides = array<i32>} : memref<64x384xf32, #tpu.memory_space<vmem>>, vector<16xf32>,
            %swap3A_352 = arith.index_cast %while3A_297 : i32 to index
            %swap3A_353 = arith.constant 288 : index
            %swap3A_354 = tpu.vector_load %arg12[%swap3A_352, %swap3A_353] {strides = array<i32>} : memref<64x384xf32, #tpu.memory_space<vmem>>, vector<16xf32>,
            tpu.vector_store %arg12[%swap3A_352, %swap3A_353], %broadcast_in_dim3A_284 {strides = array<i32>} : memref<64x384xf32, #tpu.memory_space<vmem>>, vector<16xf32>,
            %swap3A_355 = arith.index_cast %while3A_297 : i32 to index
            %swap3A_356 = arith.constant 304 : index
            %swap3A_357 = tpu.vector_load %arg12[%swap3A_355, %swap3A_356] {strides = array<i32>} : memref<64x384xf32, #tpu.memory_space<vmem>>, vector<16xf32>,
            tpu.vector_store %arg12[%swap3A_355, %swap3A_356], %broadcast_in_dim3A_284 {strides = array<i32>} : memref<64x384xf32, #tpu.memory_space<vmem>>, vector<16xf32>,
            %swap3A_358 = arith.index_cast %while3A_297 : i32 to index
            %swap3A_359 = arith.constant 320 : index
            %swap3A_360 = tpu.vector_load %arg12[%swap3A_358, %swap3A_359] {strides = array<i32>} : memref<64x384xf32, #tpu.memory_space<vmem>>, vector<16xf32>,
            tpu.vector_store %arg12[%swap3A_358, %swap3A_359], %broadcast_in_dim3A_284 {strides = array<i32>} : memref<64x384xf32, #tpu.memory_space<vmem>>, vector<16xf32>,
            %swap3A_361 = arith.index_cast %while3A_297 : i32 to index
            %swap3A_362 = arith.constant 336 : index
            %swap3A_363 = tpu.vector_load %arg12[%swap3A_361, %swap3A_362] {strides = array<i32>} : memref<64x384xf32, #tpu.memory_space<vmem>>, vector<16xf32>,
            tpu.vector_store %arg12[%swap3A_361, %swap3A_362], %broadcast_in_dim3A_284 {strides = array<i32>} : memref<64x384xf32, #tpu.memory_space<vmem>>, vector<16xf32>,
            %swap3A_364 = arith.index_cast %while3A_297 : i32 to index
            %swap3A_365 = arith.constant 352 : index
            %swap3A_366 = tpu.vector_load %arg12[%swap3A_364, %swap3A_365] {strides = array<i32>} : memref<64x384xf32, #tpu.memory_space<vmem>>, vector<16xf32>,
            tpu.vector_store %arg12[%swap3A_364, %swap3A_365], %broadcast_in_dim3A_284 {strides = array<i32>} : memref<64x384xf32, #tpu.memory_space<vmem>>, vector<16xf32>,
            %swap3A_367 = arith.index_cast %while3A_297 : i32 to index
            %swap3A_368 = arith.constant 368 : index
            %swap3A_369 = tpu.vector_load %arg12[%swap3A_367, %swap3A_368] {strides = array<i32>} : memref<64x384xf32, #tpu.memory_space<vmem>>, vector<16xf32>,
            tpu.vector_store %arg12[%swap3A_367, %swap3A_368], %broadcast_in_dim3A_284 {strides = array<i32>} : memref<64x384xf32, #tpu.memory_space<vmem>>, vector<16xf32>,
            %while3A_370 = arith.constant 0 : i32
            scf.yield %while3A_370 : i32
          }
        } else {
        }
        %dma_start3A = arith.constant 0 : i32
        %dma_start3A_278 = tpu.memref_slice %arg6[%add3A, %mul3A_196, %dma_start3A] : memref<16x4096x384xf32, #tpu.memory_space<hbm>> -> memref<1x64x384xf32, #tpu.memory_space<hbm>>
        %dma_start3A_279 = tpu.memref_squeeze %dma_start3A_278 : memref<1x64x384xf32, #tpu.memory_space<hbm>> -> memref<64x384xf32, #tpu.memory_space<hbm>>
        %dma_start3A_280 = arith.constant 0 : i32
        %dma_start3A_281 = tpu.memref_slice %arg6[%add3A, %mul3A_196, %dma_start3A_280] : memref<16x4096x384xf32, #tpu.memory_space<hbm>> -> memref<1x64x384xf32, #tpu.memory_space<hbm>>
        %dma_start3A_282 = tpu.memref_squeeze %dma_start3A_281 : memref<1x64x384xf32, #tpu.memory_space<hbm>> -> memref<64x384xf32, #tpu.memory_space<hbm>>
        tpu.enqueue_dma source(%arg12 : memref<64x384xf32, #tpu.memory_space<vmem>>) target(%dma_start3A_282 : memref<64x384xf32, #tpu.memory_space<hbm>>) target_semaphore(%arg19 : memref<!tpu.dma_semaphore, #tpu.memory_space<semaphore_mem>>)
      } else {
      }
      %while3A_261 = arith.constant 0 : i32
      scf.yield %while3A_261 : i32
    }
    %min3A = arith.constant 3 : i32
    %min3A_159 = arith.minsi %max3A_104, %min3A : i32
    %gt3A = arith.constant 0 : i32
    %gt3A_160 = arith.cmpi sgt, %min3A_159, %gt3A : i32
    %convert_element_type3A_161 = arith.extui %gt3A_160 : i1 to i32
    %cond3A_162 = arith.constant 0 : i32
    %cond3A_163 = arith.cmpi ne, %convert_element_type3A_161, %cond3A_162 : i32
    scf.if %cond3A_163 {
      %dma_wait3A = arith.constant 0 : i32
      %dma_wait3A_190 = arith.constant 0 : i32
      %dma_wait3A_191 = tpu.memref_slice %arg2[%dma_wait3A, %dma_wait3A_190] : memref<8192x384xf32, #tpu.memory_space<hbm>> -> memref<64x384xf32, #tpu.memory_space<hbm>>
      %dma_wait3A_192 = arith.constant 0 : i32
      %dma_wait3A_193 = arith.constant 0 : i32
      %dma_wait3A_194 = tpu.memref_slice %arg2[%dma_wait3A_192, %dma_wait3A_193] : memref<8192x384xf32, #tpu.memory_space<hbm>> -> memref<64x384xf32, #tpu.memory_space<hbm>>
      tpu.wait_dma2 semaphore(%arg17 : memref<!tpu.dma_semaphore, #tpu.memory_space<semaphore_mem>>) src(%dma_wait3A_194 : memref<64x384xf32, #tpu.memory_space<hbm>>) dst(%arg10 : memref<64x384xf32, #tpu.memory_space<vmem>>)
    } else {
    }
    %min3A_164 = arith.constant 3 : i32
    %min3A_165 = arith.minsi %max3A_104, %min3A_164 : i32
    %gt3A_166 = arith.constant 1 : i32
    %gt3A_167 = arith.cmpi sgt, %min3A_165, %gt3A_166 : i32
    %convert_element_type3A_168 = arith.extui %gt3A_167 : i1 to i32
    %cond3A_169 = arith.constant 0 : i32
    %cond3A_170 = arith.cmpi ne, %convert_element_type3A_168, %cond3A_169 : i32
    scf.if %cond3A_170 {
      %dma_wait3A = arith.constant 0 : i32
      %dma_wait3A_190 = arith.constant 0 : i32
      %dma_wait3A_191 = tpu.memref_slice %arg2[%dma_wait3A, %dma_wait3A_190] : memref<8192x384xf32, #tpu.memory_space<hbm>> -> memref<64x384xf32, #tpu.memory_space<hbm>>
      %dma_wait3A_192 = arith.constant 0 : i32
      %dma_wait3A_193 = arith.constant 0 : i32
      %dma_wait3A_194 = tpu.memref_slice %arg2[%dma_wait3A_192, %dma_wait3A_193] : memref<8192x384xf32, #tpu.memory_space<hbm>> -> memref<64x384xf32, #tpu.memory_space<hbm>>
      tpu.wait_dma2 semaphore(%arg18 : memref<!tpu.dma_semaphore, #tpu.memory_space<semaphore_mem>>) src(%dma_wait3A_194 : memref<64x384xf32, #tpu.memory_space<hbm>>) dst(%arg11 : memref<64x384xf32, #tpu.memory_space<vmem>>)
    } else {
    }
    %min3A_171 = arith.constant 3 : i32
    %min3A_172 = arith.minsi %max3A_104, %min3A_171 : i32
    %gt3A_173 = arith.constant 2 : i32
    %gt3A_174 = arith.cmpi sgt, %min3A_172, %gt3A_173 : i32
    %convert_element_type3A_175 = arith.extui %gt3A_174 : i1 to i32
    %cond3A_176 = arith.constant 0 : i32
    %cond3A_177 = arith.cmpi ne, %convert_element_type3A_175, %cond3A_176 : i32
    scf.if %cond3A_177 {
      %dma_wait3A = arith.constant 0 : i32
      %dma_wait3A_190 = arith.constant 0 : i32
      %dma_wait3A_191 = tpu.memref_slice %arg2[%dma_wait3A, %dma_wait3A_190] : memref<8192x384xf32, #tpu.memory_space<hbm>> -> memref<64x384xf32, #tpu.memory_space<hbm>>
      %dma_wait3A_192 = arith.constant 0 : i32
      %dma_wait3A_193 = arith.constant 0 : i32
      %dma_wait3A_194 = tpu.memref_slice %arg2[%dma_wait3A_192, %dma_wait3A_193] : memref<8192x384xf32, #tpu.memory_space<hbm>> -> memref<64x384xf32, #tpu.memory_space<hbm>>
      tpu.wait_dma2 semaphore(%arg19 : memref<!tpu.dma_semaphore, #tpu.memory_space<semaphore_mem>>) src(%dma_wait3A_194 : memref<64x384xf32, #tpu.memory_space<hbm>>) dst(%arg12 : memref<64x384xf32, #tpu.memory_space<vmem>>)
    } else {
    }
    %while3A_178 = arith.constant 32 : i32
    %while3A_179 = arith.constant 0 : i32
    %while3A_180 = arith.subi %while3A_178, %max3A_104 : i32
    %while3A_181 = arith.addi %max3A_104, %while3A_180 : i32
    %while3A_182 = arith.constant 1 : i32
    %while3A_183 = arith.divsi %while3A_180, %while3A_182 : i32
    %while3A_184 = arith.muli %while3A_183, %while3A_182 : i32
    %while3A_185 = arith.addi %max3A_104, %while3A_184 : i32
    %while3A_186 = arith.constant 1 : i32
    %while3A_187 = scf.for %while3A_190 = %max3A_104 to %while3A_185 step %while3A_186 iter_args(%while3A_191 = %while3A_179) -> (i32)  : i32 {
      %dma_wait3A = arith.constant 0 : i32
      %dma_wait3A_192 = arith.constant 0 : i32
      %dma_wait3A_193 = tpu.memref_slice %arg2[%dma_wait3A, %dma_wait3A_192] : memref<8192x384xf32, #tpu.memory_space<hbm>> -> memref<64x384xf32, #tpu.memory_space<hbm>>
      tpu.wait_dma2 semaphore(%arg20 : memref<!tpu.dma_semaphore, #tpu.memory_space<semaphore_mem>>) src(%dma_wait3A_193 : memref<64x384xf32, #tpu.memory_space<hbm>>) dst(%arg13 : memref<64x384xf32, #tpu.memory_space<vmem_shared>>)
      %while3A_194 = arith.constant 0 : i32
      scf.yield %while3A_194 : i32
    }
    %while3A_188 = arith.constant 1 : i32
    %while3A_189 = scf.for %while3A_190 = %while3A_185 to %while3A_181 step %while3A_188 iter_args(%while3A_191 = %while3A_187) -> (i32)  : i32 {
      %dma_wait3A = arith.constant 0 : i32
      %dma_wait3A_192 = arith.constant 0 : i32
      %dma_wait3A_193 = tpu.memref_slice %arg2[%dma_wait3A, %dma_wait3A_192] : memref<8192x384xf32, #tpu.memory_space<hbm>> -> memref<64x384xf32, #tpu.memory_space<hbm>>
      tpu.wait_dma2 semaphore(%arg20 : memref<!tpu.dma_semaphore, #tpu.memory_space<semaphore_mem>>) src(%dma_wait3A_193 : memref<64x384xf32, #tpu.memory_space<hbm>>) dst(%arg13 : memref<64x384xf32, #tpu.memory_space<vmem_shared>>)
      %while3A_194 = arith.constant 0 : i32
      scf.yield %while3A_194 : i32
    }
    return
  }
}

module attributes {stable_mosaic.version = 14 : i64} {
  func.func @_predictor_body(%arg0: i32, %arg1: memref<2x512x384xf32, #tpu.memory_space<vmem>>, %arg2: memref<3x384x384xbf16, #tpu.memory_space<vmem>>, %arg3: memref<1x384xf32, #tpu.memory_space<vmem>>, %arg4: memref<1x384xf32, #tpu.memory_space<vmem>>, %arg5: memref<1x384xf32, #tpu.memory_space<vmem>>, %arg6: memref<3x384x384xbf16, #tpu.memory_space<vmem>>, %arg7: memref<1x384xf32, #tpu.memory_space<vmem>>, %arg8: memref<1x384xf32, #tpu.memory_space<vmem>>, %arg9: memref<1x384xf32, #tpu.memory_space<vmem>>, %arg10: memref<384x1xf32, #tpu.memory_space<vmem>>, %arg11: memref<1x1xf32, #tpu.memory_space<vmem>>, %arg12: memref<2x1x512xf32, #tpu.memory_space<vmem>>) attributes {dimension_semantics = [#tpu.dimension_semantics<arbitrary>], iteration_bounds = array<i64: 8>, scalar_prefetch = 0 : i64, scratch_operands = 0 : i64, tpu.core_type = #tpu.core_type<tc>, window_params = [{transform_indices = @transform_0, window_bounds = array<i64: 2, 512, 384>}, {pipeline_mode = #tpu.pipeline_mode<synchronous>, transform_indices = @transform_1, window_bounds = array<i64: 3, 384, 384>}, {pipeline_mode = #tpu.pipeline_mode<synchronous>, transform_indices = @transform_2, window_bounds = array<i64: 1, 384>}, {pipeline_mode = #tpu.pipeline_mode<synchronous>, transform_indices = @transform_3, window_bounds = array<i64: 1, 384>}, {pipeline_mode = #tpu.pipeline_mode<synchronous>, transform_indices = @transform_4, window_bounds = array<i64: 1, 384>}, {pipeline_mode = #tpu.pipeline_mode<synchronous>, transform_indices = @transform_5, window_bounds = array<i64: 3, 384, 384>}, {pipeline_mode = #tpu.pipeline_mode<synchronous>, transform_indices = @transform_6, window_bounds = array<i64: 1, 384>}, {pipeline_mode = #tpu.pipeline_mode<synchronous>, transform_indices = @transform_7, window_bounds = array<i64: 1, 384>}, {pipeline_mode = #tpu.pipeline_mode<synchronous>, transform_indices = @transform_8, window_bounds = array<i64: 1, 384>}, {pipeline_mode = #tpu.pipeline_mode<synchronous>, transform_indices = @transform_9, window_bounds = array<i64: 384, 1>}, {pipeline_mode = #tpu.pipeline_mode<synchronous>, transform_indices = @transform_10, window_bounds = array<i64: 1, 1>}, {transform_indices = @transform_11, window_bounds = array<i64: 2, 1, 512>}]} {
    %get3A = arith.constant 0 : index
    %get3A_0 = arith.constant 0 : index
    %get3A_1 = arith.constant 0 : index
    %get3A_2 = vector.load %arg1[%get3A, %get3A_0, %get3A_1] : memref<2x512x384xf32, #tpu.memory_space<vmem>>, vector<1x512x384xf32>
    %get3A_3 = vector.shape_cast %get3A_2 : vector<1x512x384xf32> to vector<512x384xf32>
    %get3A_4 = arith.constant 0 : index
    %get3A_5 = arith.constant 0 : index
    %get3A_6 = vector.load %arg3[%get3A_4, %get3A_5] : memref<1x384xf32, #tpu.memory_space<vmem>>, vector<1x384xf32>
    %get3A_7 = vector.shape_cast %get3A_6 : vector<1x384xf32> to vector<384xf32>
    %convert_element_type3A = arith.truncf %get3A_3 : vector<512x384xf32> to vector<512x384xbf16>
    %broadcast_in_dim3A = arith.constant 0.000000e+00 : bf16
    %broadcast_in_dim3A_8 = vector.broadcast %broadcast_in_dim3A : bf16 to vector<1x384xbf16>
    %slice3A = vector.extract_strided_slice %convert_element_type3A {offsets = [0, 0], sizes = [511, 384], strides = [1, 1]} : vector<512x384xbf16> to vector<511x384xbf16>
    %concatenate3A = tpu.concatenate %broadcast_in_dim3A_8, %slice3A in 0 : vector<1x384xbf16>, vector<511x384xbf16> -> vector<512x384xbf16>
    %slice3A_9 = vector.extract_strided_slice %convert_element_type3A {offsets = [1, 0], sizes = [511, 384], strides = [1, 1]} : vector<512x384xbf16> to vector<511x384xbf16>
    %concatenate3A_10 = tpu.concatenate %slice3A_9, %broadcast_in_dim3A_8 in 0 : vector<511x384xbf16>, vector<1x384xbf16> -> vector<512x384xbf16>
    %get3A_11 = arith.constant 0 : index
    %get3A_12 = arith.constant 0 : index
    %get3A_13 = arith.constant 0 : index
    %get3A_14 = vector.load %arg2[%get3A_11, %get3A_12, %get3A_13] : memref<3x384x384xbf16, #tpu.memory_space<vmem>>, vector<1x384x384xbf16>
    %get3A_15 = vector.shape_cast %get3A_14 : vector<1x384x384xbf16> to vector<384x384xbf16>
    %dot_general3A = arith.constant dense<0.000000e+00> : vector<512x384xf32>
    %dot_general3A_16 = tpu.matmul %concatenate3A, %get3A_15, %dot_general3A {dimension_numbers = #tpu.dot_dimension_numbers<[1], [0], [0], [1], [0, 0, 1, 1], [], []>, transpose_lhs_hint = false} : vector<512x384xbf16>, vector<384x384xbf16>, vector<512x384xf32> -> vector<512x384xf32>
    %get3A_17 = arith.constant 1 : index
    %get3A_18 = arith.constant 0 : index
    %get3A_19 = arith.constant 0 : index
    %get3A_20 = vector.load %arg2[%get3A_17, %get3A_18, %get3A_19] : memref<3x384x384xbf16, #tpu.memory_space<vmem>>, vector<1x384x384xbf16>
    %get3A_21 = vector.shape_cast %get3A_20 : vector<1x384x384xbf16> to vector<384x384xbf16>
    %dot_general3A_22 = arith.constant dense<0.000000e+00> : vector<512x384xf32>
    %dot_general3A_23 = tpu.matmul %convert_element_type3A, %get3A_21, %dot_general3A_22 {dimension_numbers = #tpu.dot_dimension_numbers<[1], [0], [0], [1], [0, 0, 1, 1], [], []>, transpose_lhs_hint = false} : vector<512x384xbf16>, vector<384x384xbf16>, vector<512x384xf32> -> vector<512x384xf32>
    %add3A = arith.addf %dot_general3A_16, %dot_general3A_23 : vector<512x384xf32>
    %get3A_24 = arith.constant 2 : index
    %get3A_25 = arith.constant 0 : index
    %get3A_26 = arith.constant 0 : index
    %get3A_27 = vector.load %arg2[%get3A_24, %get3A_25, %get3A_26] : memref<3x384x384xbf16, #tpu.memory_space<vmem>>, vector<1x384x384xbf16>
    %get3A_28 = vector.shape_cast %get3A_27 : vector<1x384x384xbf16> to vector<384x384xbf16>
    %dot_general3A_29 = arith.constant dense<0.000000e+00> : vector<512x384xf32>
    %dot_general3A_30 = tpu.matmul %concatenate3A_10, %get3A_28, %dot_general3A_29 {dimension_numbers = #tpu.dot_dimension_numbers<[1], [0], [0], [1], [0, 0, 1, 1], [], []>, transpose_lhs_hint = false} : vector<512x384xbf16>, vector<384x384xbf16>, vector<512x384xf32> -> vector<512x384xf32>
    %add3A_31 = arith.addf %add3A, %dot_general3A_30 : vector<512x384xf32>
    %broadcast_in_dim3A_32 = vector.shape_cast %get3A_7 : vector<384xf32> to vector<1x384xf32>
    %add3A_33 = vector.broadcast %broadcast_in_dim3A_32 : vector<1x384xf32> to vector<512x384xf32>
    %add3A_34 = arith.addf %add3A_31, %add3A_33 : vector<512x384xf32>
    %max3A = arith.constant 0.000000e+00 : f32
    %max3A_35 = vector.broadcast %max3A : f32 to vector<512x384xf32>
    %max3A_36 = arith.maximumf %add3A_34, %max3A_35 : vector<512x384xf32>
    %get3A_37 = arith.constant 0 : index
    %get3A_38 = arith.constant 0 : index
    %get3A_39 = vector.load %arg4[%get3A_37, %get3A_38] : memref<1x384xf32, #tpu.memory_space<vmem>>, vector<1x384xf32>
    %get3A_40 = vector.shape_cast %get3A_39 : vector<1x384xf32> to vector<384xf32>
    %get3A_41 = arith.constant 0 : index
    %get3A_42 = arith.constant 0 : index
    %get3A_43 = vector.load %arg5[%get3A_41, %get3A_42] : memref<1x384xf32, #tpu.memory_space<vmem>>, vector<1x384xf32>
    %get3A_44 = vector.shape_cast %get3A_43 : vector<1x384xf32> to vector<384xf32>
    %reduce_sum3A = arith.constant dense<0.000000e+00> : vector<512xf32>
    %reduce_sum3A_45 = vector.multi_reduction <add>, %max3A_36, %reduce_sum3A [1] : vector<512x384xf32> to vector<512xf32>
    %broadcast_in_dim3A_46 = vector.shape_cast %reduce_sum3A_45 : vector<512xf32> to vector<512x1xf32>
    %div3A = arith.constant 3.840000e+02 : f32
    %div3A_47 = vector.broadcast %div3A : f32 to vector<512x1xf32>
    %div3A_48 = arith.divf %broadcast_in_dim3A_46, %div3A_47 : vector<512x1xf32>
    %sub3A = vector.broadcast %div3A_48 : vector<512x1xf32> to vector<512x384xf32>
    %sub3A_49 = arith.subf %max3A_36, %sub3A : vector<512x384xf32>
    %mul3A = arith.mulf %sub3A_49, %sub3A_49 : vector<512x384xf32>
    %reduce_sum3A_50 = arith.constant dense<0.000000e+00> : vector<512xf32>
    %reduce_sum3A_51 = vector.multi_reduction <add>, %mul3A, %reduce_sum3A_50 [1] : vector<512x384xf32> to vector<512xf32>
    %broadcast_in_dim3A_52 = vector.shape_cast %reduce_sum3A_51 : vector<512xf32> to vector<512x1xf32>
    %div3A_53 = arith.constant 3.840000e+02 : f32
    %div3A_54 = vector.broadcast %div3A_53 : f32 to vector<512x1xf32>
    %div3A_55 = arith.divf %broadcast_in_dim3A_52, %div3A_54 : vector<512x1xf32>
    %add3A_56 = arith.constant 9.99999974E-6 : f32
    %add3A_57 = vector.broadcast %add3A_56 : f32 to vector<512x1xf32>
    %add3A_58 = arith.addf %div3A_55, %add3A_57 : vector<512x1xf32>
    %rsqrt3A = math.rsqrt %add3A_58 : vector<512x1xf32>
    %mul3A_59 = vector.broadcast %rsqrt3A : vector<512x1xf32> to vector<512x384xf32>
    %mul3A_60 = arith.mulf %sub3A_49, %mul3A_59 : vector<512x384xf32>
    %broadcast_in_dim3A_61 = vector.shape_cast %get3A_40 : vector<384xf32> to vector<1x384xf32>
    %mul3A_62 = vector.broadcast %broadcast_in_dim3A_61 : vector<1x384xf32> to vector<512x384xf32>
    %mul3A_63 = arith.mulf %mul3A_60, %mul3A_62 : vector<512x384xf32>
    %broadcast_in_dim3A_64 = vector.shape_cast %get3A_44 : vector<384xf32> to vector<1x384xf32>
    %add3A_65 = vector.broadcast %broadcast_in_dim3A_64 : vector<1x384xf32> to vector<512x384xf32>
    %add3A_66 = arith.addf %mul3A_63, %add3A_65 : vector<512x384xf32>
    %get3A_67 = arith.constant 0 : index
    %get3A_68 = arith.constant 0 : index
    %get3A_69 = vector.load %arg7[%get3A_67, %get3A_68] : memref<1x384xf32, #tpu.memory_space<vmem>>, vector<1x384xf32>
    %get3A_70 = vector.shape_cast %get3A_69 : vector<1x384xf32> to vector<384xf32>
    %convert_element_type3A_71 = arith.truncf %add3A_66 : vector<512x384xf32> to vector<512x384xbf16>
    %broadcast_in_dim3A_72 = arith.constant 0.000000e+00 : bf16
    %broadcast_in_dim3A_73 = vector.broadcast %broadcast_in_dim3A_72 : bf16 to vector<1x384xbf16>
    %slice3A_74 = vector.extract_strided_slice %convert_element_type3A_71 {offsets = [0, 0], sizes = [511, 384], strides = [1, 1]} : vector<512x384xbf16> to vector<511x384xbf16>
    %concatenate3A_75 = tpu.concatenate %broadcast_in_dim3A_73, %slice3A_74 in 0 : vector<1x384xbf16>, vector<511x384xbf16> -> vector<512x384xbf16>
    %slice3A_76 = vector.extract_strided_slice %convert_element_type3A_71 {offsets = [1, 0], sizes = [511, 384], strides = [1, 1]} : vector<512x384xbf16> to vector<511x384xbf16>
    %concatenate3A_77 = tpu.concatenate %slice3A_76, %broadcast_in_dim3A_73 in 0 : vector<511x384xbf16>, vector<1x384xbf16> -> vector<512x384xbf16>
    %get3A_78 = arith.constant 0 : index
    %get3A_79 = arith.constant 0 : index
    %get3A_80 = arith.constant 0 : index
    %get3A_81 = vector.load %arg6[%get3A_78, %get3A_79, %get3A_80] : memref<3x384x384xbf16, #tpu.memory_space<vmem>>, vector<1x384x384xbf16>
    %get3A_82 = vector.shape_cast %get3A_81 : vector<1x384x384xbf16> to vector<384x384xbf16>
    %dot_general3A_83 = arith.constant dense<0.000000e+00> : vector<512x384xf32>
    %dot_general3A_84 = tpu.matmul %concatenate3A_75, %get3A_82, %dot_general3A_83 {dimension_numbers = #tpu.dot_dimension_numbers<[1], [0], [0], [1], [0, 0, 1, 1], [], []>, transpose_lhs_hint = false} : vector<512x384xbf16>, vector<384x384xbf16>, vector<512x384xf32> -> vector<512x384xf32>
    %get3A_85 = arith.constant 1 : index
    %get3A_86 = arith.constant 0 : index
    %get3A_87 = arith.constant 0 : index
    %get3A_88 = vector.load %arg6[%get3A_85, %get3A_86, %get3A_87] : memref<3x384x384xbf16, #tpu.memory_space<vmem>>, vector<1x384x384xbf16>
    %get3A_89 = vector.shape_cast %get3A_88 : vector<1x384x384xbf16> to vector<384x384xbf16>
    %dot_general3A_90 = arith.constant dense<0.000000e+00> : vector<512x384xf32>
    %dot_general3A_91 = tpu.matmul %convert_element_type3A_71, %get3A_89, %dot_general3A_90 {dimension_numbers = #tpu.dot_dimension_numbers<[1], [0], [0], [1], [0, 0, 1, 1], [], []>, transpose_lhs_hint = false} : vector<512x384xbf16>, vector<384x384xbf16>, vector<512x384xf32> -> vector<512x384xf32>
    %add3A_92 = arith.addf %dot_general3A_84, %dot_general3A_91 : vector<512x384xf32>
    %get3A_93 = arith.constant 2 : index
    %get3A_94 = arith.constant 0 : index
    %get3A_95 = arith.constant 0 : index
    %get3A_96 = vector.load %arg6[%get3A_93, %get3A_94, %get3A_95] : memref<3x384x384xbf16, #tpu.memory_space<vmem>>, vector<1x384x384xbf16>
    %get3A_97 = vector.shape_cast %get3A_96 : vector<1x384x384xbf16> to vector<384x384xbf16>
    %dot_general3A_98 = arith.constant dense<0.000000e+00> : vector<512x384xf32>
    %dot_general3A_99 = tpu.matmul %concatenate3A_77, %get3A_97, %dot_general3A_98 {dimension_numbers = #tpu.dot_dimension_numbers<[1], [0], [0], [1], [0, 0, 1, 1], [], []>, transpose_lhs_hint = false} : vector<512x384xbf16>, vector<384x384xbf16>, vector<512x384xf32> -> vector<512x384xf32>
    %add3A_100 = arith.addf %add3A_92, %dot_general3A_99 : vector<512x384xf32>
    %broadcast_in_dim3A_101 = vector.shape_cast %get3A_70 : vector<384xf32> to vector<1x384xf32>
    %add3A_102 = vector.broadcast %broadcast_in_dim3A_101 : vector<1x384xf32> to vector<512x384xf32>
    %add3A_103 = arith.addf %add3A_100, %add3A_102 : vector<512x384xf32>
    %max3A_104 = arith.constant 0.000000e+00 : f32
    %max3A_105 = vector.broadcast %max3A_104 : f32 to vector<512x384xf32>
    %max3A_106 = arith.maximumf %add3A_103, %max3A_105 : vector<512x384xf32>
    %get3A_107 = arith.constant 0 : index
    %get3A_108 = arith.constant 0 : index
    %get3A_109 = vector.load %arg8[%get3A_107, %get3A_108] : memref<1x384xf32, #tpu.memory_space<vmem>>, vector<1x384xf32>
    %get3A_110 = vector.shape_cast %get3A_109 : vector<1x384xf32> to vector<384xf32>
    %get3A_111 = arith.constant 0 : index
    %get3A_112 = arith.constant 0 : index
    %get3A_113 = vector.load %arg9[%get3A_111, %get3A_112] : memref<1x384xf32, #tpu.memory_space<vmem>>, vector<1x384xf32>
    %get3A_114 = vector.shape_cast %get3A_113 : vector<1x384xf32> to vector<384xf32>
    %reduce_sum3A_115 = arith.constant dense<0.000000e+00> : vector<512xf32>
    %reduce_sum3A_116 = vector.multi_reduction <add>, %max3A_106, %reduce_sum3A_115 [1] : vector<512x384xf32> to vector<512xf32>
    %broadcast_in_dim3A_117 = vector.shape_cast %reduce_sum3A_116 : vector<512xf32> to vector<512x1xf32>
    %div3A_118 = arith.constant 3.840000e+02 : f32
    %div3A_119 = vector.broadcast %div3A_118 : f32 to vector<512x1xf32>
    %div3A_120 = arith.divf %broadcast_in_dim3A_117, %div3A_119 : vector<512x1xf32>
    %sub3A_121 = vector.broadcast %div3A_120 : vector<512x1xf32> to vector<512x384xf32>
    %sub3A_122 = arith.subf %max3A_106, %sub3A_121 : vector<512x384xf32>
    %mul3A_123 = arith.mulf %sub3A_122, %sub3A_122 : vector<512x384xf32>
    %reduce_sum3A_124 = arith.constant dense<0.000000e+00> : vector<512xf32>
    %reduce_sum3A_125 = vector.multi_reduction <add>, %mul3A_123, %reduce_sum3A_124 [1] : vector<512x384xf32> to vector<512xf32>
    %broadcast_in_dim3A_126 = vector.shape_cast %reduce_sum3A_125 : vector<512xf32> to vector<512x1xf32>
    %div3A_127 = arith.constant 3.840000e+02 : f32
    %div3A_128 = vector.broadcast %div3A_127 : f32 to vector<512x1xf32>
    %div3A_129 = arith.divf %broadcast_in_dim3A_126, %div3A_128 : vector<512x1xf32>
    %add3A_130 = arith.constant 9.99999974E-6 : f32
    %add3A_131 = vector.broadcast %add3A_130 : f32 to vector<512x1xf32>
    %add3A_132 = arith.addf %div3A_129, %add3A_131 : vector<512x1xf32>
    %rsqrt3A_133 = math.rsqrt %add3A_132 : vector<512x1xf32>
    %mul3A_134 = vector.broadcast %rsqrt3A_133 : vector<512x1xf32> to vector<512x384xf32>
    %mul3A_135 = arith.mulf %sub3A_122, %mul3A_134 : vector<512x384xf32>
    %broadcast_in_dim3A_136 = vector.shape_cast %get3A_110 : vector<384xf32> to vector<1x384xf32>
    %mul3A_137 = vector.broadcast %broadcast_in_dim3A_136 : vector<1x384xf32> to vector<512x384xf32>
    %mul3A_138 = arith.mulf %mul3A_135, %mul3A_137 : vector<512x384xf32>
    %broadcast_in_dim3A_139 = vector.shape_cast %get3A_114 : vector<384xf32> to vector<1x384xf32>
    %add3A_140 = vector.broadcast %broadcast_in_dim3A_139 : vector<1x384xf32> to vector<512x384xf32>
    %add3A_141 = arith.addf %mul3A_138, %add3A_140 : vector<512x384xf32>
    %get3A_142 = arith.constant 0 : index
    %get3A_143 = arith.constant 0 : index
    %get3A_144 = vector.load %arg10[%get3A_142, %get3A_143] : memref<384x1xf32, #tpu.memory_space<vmem>>, vector<384x1xf32>
    %dot_general3A_145 = arith.constant dense<0.000000e+00> : vector<512x1xf32>
    %dot_general3A_146 = tpu.matmul %add3A_141, %get3A_144, %dot_general3A_145 {dimension_numbers = #tpu.dot_dimension_numbers<[1], [0], [0], [1], [0, 0, 1, 1], [], []>, transpose_lhs_hint = false} : vector<512x384xf32>, vector<384x1xf32>, vector<512x1xf32> -> vector<512x1xf32>
    %get3A_147 = arith.constant 0 : index
    %get3A_148 = arith.constant 0 : index
    %get3A_149 = vector.load %arg11[%get3A_147, %get3A_148] : memref<1x1xf32, #tpu.memory_space<vmem>>, vector<1x1xf32>
    %get3A_150 = vector.extract %get3A_149[0, 0] : f32 from vector<1x1xf32>
    %add3A_151 = vector.broadcast %get3A_150 : f32 to vector<512x1xf32>
    %add3A_152 = arith.addf %dot_general3A_146, %add3A_151 : vector<512x1xf32>
    %squeeze3A = vector.shape_cast %add3A_152 : vector<512x1xf32> to vector<512xf32>
    %swap3A = arith.constant 0 : index
    %swap3A_153 = arith.constant 0 : index
    %swap3A_154 = arith.constant 0 : index
    %swap3A_155 = vector.load %arg12[%swap3A, %swap3A_153, %swap3A_154] : memref<2x1x512xf32, #tpu.memory_space<vmem>>, vector<1x1x512xf32>
    %swap3A_156 = vector.shape_cast %swap3A_155 : vector<1x1x512xf32> to vector<512xf32>
    %swap3A_157 = vector.shape_cast %squeeze3A : vector<512xf32> to vector<1x1x512xf32>
    tpu.vector_store %arg12[%swap3A, %swap3A_153, %swap3A_154], %swap3A_157 {strides = array<i32>} : memref<2x1x512xf32, #tpu.memory_space<vmem>>, vector<1x1x512xf32>,
    %get3A_158 = arith.constant 1 : index
    %get3A_159 = arith.constant 0 : index
    %get3A_160 = arith.constant 0 : index
    %get3A_161 = vector.load %arg1[%get3A_158, %get3A_159, %get3A_160] : memref<2x512x384xf32, #tpu.memory_space<vmem>>, vector<1x512x384xf32>
    %get3A_162 = vector.shape_cast %get3A_161 : vector<1x512x384xf32> to vector<512x384xf32>
    %get3A_163 = arith.constant 0 : index
    %get3A_164 = arith.constant 0 : index
    %get3A_165 = vector.load %arg3[%get3A_163, %get3A_164] : memref<1x384xf32, #tpu.memory_space<vmem>>, vector<1x384xf32>
    %get3A_166 = vector.shape_cast %get3A_165 : vector<1x384xf32> to vector<384xf32>
    %convert_element_type3A_167 = arith.truncf %get3A_162 : vector<512x384xf32> to vector<512x384xbf16>
    %broadcast_in_dim3A_168 = arith.constant 0.000000e+00 : bf16
    %broadcast_in_dim3A_169 = vector.broadcast %broadcast_in_dim3A_168 : bf16 to vector<1x384xbf16>
    %slice3A_170 = vector.extract_strided_slice %convert_element_type3A_167 {offsets = [0, 0], sizes = [511, 384], strides = [1, 1]} : vector<512x384xbf16> to vector<511x384xbf16>
    %concatenate3A_171 = tpu.concatenate %broadcast_in_dim3A_169, %slice3A_170 in 0 : vector<1x384xbf16>, vector<511x384xbf16> -> vector<512x384xbf16>
    %slice3A_172 = vector.extract_strided_slice %convert_element_type3A_167 {offsets = [1, 0], sizes = [511, 384], strides = [1, 1]} : vector<512x384xbf16> to vector<511x384xbf16>
    %concatenate3A_173 = tpu.concatenate %slice3A_172, %broadcast_in_dim3A_169 in 0 : vector<511x384xbf16>, vector<1x384xbf16> -> vector<512x384xbf16>
    %get3A_174 = arith.constant 0 : index
    %get3A_175 = arith.constant 0 : index
    %get3A_176 = arith.constant 0 : index
    %get3A_177 = vector.load %arg2[%get3A_174, %get3A_175, %get3A_176] : memref<3x384x384xbf16, #tpu.memory_space<vmem>>, vector<1x384x384xbf16>
    %get3A_178 = vector.shape_cast %get3A_177 : vector<1x384x384xbf16> to vector<384x384xbf16>
    %dot_general3A_179 = arith.constant dense<0.000000e+00> : vector<512x384xf32>
    %dot_general3A_180 = tpu.matmul %concatenate3A_171, %get3A_178, %dot_general3A_179 {dimension_numbers = #tpu.dot_dimension_numbers<[1], [0], [0], [1], [0, 0, 1, 1], [], []>, transpose_lhs_hint = false} : vector<512x384xbf16>, vector<384x384xbf16>, vector<512x384xf32> -> vector<512x384xf32>
    %get3A_181 = arith.constant 1 : index
    %get3A_182 = arith.constant 0 : index
    %get3A_183 = arith.constant 0 : index
    %get3A_184 = vector.load %arg2[%get3A_181, %get3A_182, %get3A_183] : memref<3x384x384xbf16, #tpu.memory_space<vmem>>, vector<1x384x384xbf16>
    %get3A_185 = vector.shape_cast %get3A_184 : vector<1x384x384xbf16> to vector<384x384xbf16>
    %dot_general3A_186 = arith.constant dense<0.000000e+00> : vector<512x384xf32>
    %dot_general3A_187 = tpu.matmul %convert_element_type3A_167, %get3A_185, %dot_general3A_186 {dimension_numbers = #tpu.dot_dimension_numbers<[1], [0], [0], [1], [0, 0, 1, 1], [], []>, transpose_lhs_hint = false} : vector<512x384xbf16>, vector<384x384xbf16>, vector<512x384xf32> -> vector<512x384xf32>
    %add3A_188 = arith.addf %dot_general3A_180, %dot_general3A_187 : vector<512x384xf32>
    %get3A_189 = arith.constant 2 : index
    %get3A_190 = arith.constant 0 : index
    %get3A_191 = arith.constant 0 : index
    %get3A_192 = vector.load %arg2[%get3A_189, %get3A_190, %get3A_191] : memref<3x384x384xbf16, #tpu.memory_space<vmem>>, vector<1x384x384xbf16>
    %get3A_193 = vector.shape_cast %get3A_192 : vector<1x384x384xbf16> to vector<384x384xbf16>
    %dot_general3A_194 = arith.constant dense<0.000000e+00> : vector<512x384xf32>
    %dot_general3A_195 = tpu.matmul %concatenate3A_173, %get3A_193, %dot_general3A_194 {dimension_numbers = #tpu.dot_dimension_numbers<[1], [0], [0], [1], [0, 0, 1, 1], [], []>, transpose_lhs_hint = false} : vector<512x384xbf16>, vector<384x384xbf16>, vector<512x384xf32> -> vector<512x384xf32>
    %add3A_196 = arith.addf %add3A_188, %dot_general3A_195 : vector<512x384xf32>
    %broadcast_in_dim3A_197 = vector.shape_cast %get3A_166 : vector<384xf32> to vector<1x384xf32>
    %add3A_198 = vector.broadcast %broadcast_in_dim3A_197 : vector<1x384xf32> to vector<512x384xf32>
    %add3A_199 = arith.addf %add3A_196, %add3A_198 : vector<512x384xf32>
    %max3A_200 = arith.constant 0.000000e+00 : f32
    %max3A_201 = vector.broadcast %max3A_200 : f32 to vector<512x384xf32>
    %max3A_202 = arith.maximumf %add3A_199, %max3A_201 : vector<512x384xf32>
    %get3A_203 = arith.constant 0 : index
    %get3A_204 = arith.constant 0 : index
    %get3A_205 = vector.load %arg4[%get3A_203, %get3A_204] : memref<1x384xf32, #tpu.memory_space<vmem>>, vector<1x384xf32>
    %get3A_206 = vector.shape_cast %get3A_205 : vector<1x384xf32> to vector<384xf32>
    %get3A_207 = arith.constant 0 : index
    %get3A_208 = arith.constant 0 : index
    %get3A_209 = vector.load %arg5[%get3A_207, %get3A_208] : memref<1x384xf32, #tpu.memory_space<vmem>>, vector<1x384xf32>
    %get3A_210 = vector.shape_cast %get3A_209 : vector<1x384xf32> to vector<384xf32>
    %reduce_sum3A_211 = arith.constant dense<0.000000e+00> : vector<512xf32>
    %reduce_sum3A_212 = vector.multi_reduction <add>, %max3A_202, %reduce_sum3A_211 [1] : vector<512x384xf32> to vector<512xf32>
    %broadcast_in_dim3A_213 = vector.shape_cast %reduce_sum3A_212 : vector<512xf32> to vector<512x1xf32>
    %div3A_214 = arith.constant 3.840000e+02 : f32
    %div3A_215 = vector.broadcast %div3A_214 : f32 to vector<512x1xf32>
    %div3A_216 = arith.divf %broadcast_in_dim3A_213, %div3A_215 : vector<512x1xf32>
    %sub3A_217 = vector.broadcast %div3A_216 : vector<512x1xf32> to vector<512x384xf32>
    %sub3A_218 = arith.subf %max3A_202, %sub3A_217 : vector<512x384xf32>
    %mul3A_219 = arith.mulf %sub3A_218, %sub3A_218 : vector<512x384xf32>
    %reduce_sum3A_220 = arith.constant dense<0.000000e+00> : vector<512xf32>
    %reduce_sum3A_221 = vector.multi_reduction <add>, %mul3A_219, %reduce_sum3A_220 [1] : vector<512x384xf32> to vector<512xf32>
    %broadcast_in_dim3A_222 = vector.shape_cast %reduce_sum3A_221 : vector<512xf32> to vector<512x1xf32>
    %div3A_223 = arith.constant 3.840000e+02 : f32
    %div3A_224 = vector.broadcast %div3A_223 : f32 to vector<512x1xf32>
    %div3A_225 = arith.divf %broadcast_in_dim3A_222, %div3A_224 : vector<512x1xf32>
    %add3A_226 = arith.constant 9.99999974E-6 : f32
    %add3A_227 = vector.broadcast %add3A_226 : f32 to vector<512x1xf32>
    %add3A_228 = arith.addf %div3A_225, %add3A_227 : vector<512x1xf32>
    %rsqrt3A_229 = math.rsqrt %add3A_228 : vector<512x1xf32>
    %mul3A_230 = vector.broadcast %rsqrt3A_229 : vector<512x1xf32> to vector<512x384xf32>
    %mul3A_231 = arith.mulf %sub3A_218, %mul3A_230 : vector<512x384xf32>
    %broadcast_in_dim3A_232 = vector.shape_cast %get3A_206 : vector<384xf32> to vector<1x384xf32>
    %mul3A_233 = vector.broadcast %broadcast_in_dim3A_232 : vector<1x384xf32> to vector<512x384xf32>
    %mul3A_234 = arith.mulf %mul3A_231, %mul3A_233 : vector<512x384xf32>
    %broadcast_in_dim3A_235 = vector.shape_cast %get3A_210 : vector<384xf32> to vector<1x384xf32>
    %add3A_236 = vector.broadcast %broadcast_in_dim3A_235 : vector<1x384xf32> to vector<512x384xf32>
    %add3A_237 = arith.addf %mul3A_234, %add3A_236 : vector<512x384xf32>
    %get3A_238 = arith.constant 0 : index
    %get3A_239 = arith.constant 0 : index
    %get3A_240 = vector.load %arg7[%get3A_238, %get3A_239] : memref<1x384xf32, #tpu.memory_space<vmem>>, vector<1x384xf32>
    %get3A_241 = vector.shape_cast %get3A_240 : vector<1x384xf32> to vector<384xf32>
    %convert_element_type3A_242 = arith.truncf %add3A_237 : vector<512x384xf32> to vector<512x384xbf16>
    %broadcast_in_dim3A_243 = arith.constant 0.000000e+00 : bf16
    %broadcast_in_dim3A_244 = vector.broadcast %broadcast_in_dim3A_243 : bf16 to vector<1x384xbf16>
    %slice3A_245 = vector.extract_strided_slice %convert_element_type3A_242 {offsets = [0, 0], sizes = [511, 384], strides = [1, 1]} : vector<512x384xbf16> to vector<511x384xbf16>
    %concatenate3A_246 = tpu.concatenate %broadcast_in_dim3A_244, %slice3A_245 in 0 : vector<1x384xbf16>, vector<511x384xbf16> -> vector<512x384xbf16>
    %slice3A_247 = vector.extract_strided_slice %convert_element_type3A_242 {offsets = [1, 0], sizes = [511, 384], strides = [1, 1]} : vector<512x384xbf16> to vector<511x384xbf16>
    %concatenate3A_248 = tpu.concatenate %slice3A_247, %broadcast_in_dim3A_244 in 0 : vector<511x384xbf16>, vector<1x384xbf16> -> vector<512x384xbf16>
    %get3A_249 = arith.constant 0 : index
    %get3A_250 = arith.constant 0 : index
    %get3A_251 = arith.constant 0 : index
    %get3A_252 = vector.load %arg6[%get3A_249, %get3A_250, %get3A_251] : memref<3x384x384xbf16, #tpu.memory_space<vmem>>, vector<1x384x384xbf16>
    %get3A_253 = vector.shape_cast %get3A_252 : vector<1x384x384xbf16> to vector<384x384xbf16>
    %dot_general3A_254 = arith.constant dense<0.000000e+00> : vector<512x384xf32>
    %dot_general3A_255 = tpu.matmul %concatenate3A_246, %get3A_253, %dot_general3A_254 {dimension_numbers = #tpu.dot_dimension_numbers<[1], [0], [0], [1], [0, 0, 1, 1], [], []>, transpose_lhs_hint = false} : vector<512x384xbf16>, vector<384x384xbf16>, vector<512x384xf32> -> vector<512x384xf32>
    %get3A_256 = arith.constant 1 : index
    %get3A_257 = arith.constant 0 : index
    %get3A_258 = arith.constant 0 : index
    %get3A_259 = vector.load %arg6[%get3A_256, %get3A_257, %get3A_258] : memref<3x384x384xbf16, #tpu.memory_space<vmem>>, vector<1x384x384xbf16>
    %get3A_260 = vector.shape_cast %get3A_259 : vector<1x384x384xbf16> to vector<384x384xbf16>
    %dot_general3A_261 = arith.constant dense<0.000000e+00> : vector<512x384xf32>
    %dot_general3A_262 = tpu.matmul %convert_element_type3A_242, %get3A_260, %dot_general3A_261 {dimension_numbers = #tpu.dot_dimension_numbers<[1], [0], [0], [1], [0, 0, 1, 1], [], []>, transpose_lhs_hint = false} : vector<512x384xbf16>, vector<384x384xbf16>, vector<512x384xf32> -> vector<512x384xf32>
    %add3A_263 = arith.addf %dot_general3A_255, %dot_general3A_262 : vector<512x384xf32>
    %get3A_264 = arith.constant 2 : index
    %get3A_265 = arith.constant 0 : index
    %get3A_266 = arith.constant 0 : index
    %get3A_267 = vector.load %arg6[%get3A_264, %get3A_265, %get3A_266] : memref<3x384x384xbf16, #tpu.memory_space<vmem>>, vector<1x384x384xbf16>
    %get3A_268 = vector.shape_cast %get3A_267 : vector<1x384x384xbf16> to vector<384x384xbf16>
    %dot_general3A_269 = arith.constant dense<0.000000e+00> : vector<512x384xf32>
    %dot_general3A_270 = tpu.matmul %concatenate3A_248, %get3A_268, %dot_general3A_269 {dimension_numbers = #tpu.dot_dimension_numbers<[1], [0], [0], [1], [0, 0, 1, 1], [], []>, transpose_lhs_hint = false} : vector<512x384xbf16>, vector<384x384xbf16>, vector<512x384xf32> -> vector<512x384xf32>
    %add3A_271 = arith.addf %add3A_263, %dot_general3A_270 : vector<512x384xf32>
    %broadcast_in_dim3A_272 = vector.shape_cast %get3A_241 : vector<384xf32> to vector<1x384xf32>
    %add3A_273 = vector.broadcast %broadcast_in_dim3A_272 : vector<1x384xf32> to vector<512x384xf32>
    %add3A_274 = arith.addf %add3A_271, %add3A_273 : vector<512x384xf32>
    %max3A_275 = arith.constant 0.000000e+00 : f32
    %max3A_276 = vector.broadcast %max3A_275 : f32 to vector<512x384xf32>
    %max3A_277 = arith.maximumf %add3A_274, %max3A_276 : vector<512x384xf32>
    %get3A_278 = arith.constant 0 : index
    %get3A_279 = arith.constant 0 : index
    %get3A_280 = vector.load %arg8[%get3A_278, %get3A_279] : memref<1x384xf32, #tpu.memory_space<vmem>>, vector<1x384xf32>
    %get3A_281 = vector.shape_cast %get3A_280 : vector<1x384xf32> to vector<384xf32>
    %get3A_282 = arith.constant 0 : index
    %get3A_283 = arith.constant 0 : index
    %get3A_284 = vector.load %arg9[%get3A_282, %get3A_283] : memref<1x384xf32, #tpu.memory_space<vmem>>, vector<1x384xf32>
    %get3A_285 = vector.shape_cast %get3A_284 : vector<1x384xf32> to vector<384xf32>
    %reduce_sum3A_286 = arith.constant dense<0.000000e+00> : vector<512xf32>
    %reduce_sum3A_287 = vector.multi_reduction <add>, %max3A_277, %reduce_sum3A_286 [1] : vector<512x384xf32> to vector<512xf32>
    %broadcast_in_dim3A_288 = vector.shape_cast %reduce_sum3A_287 : vector<512xf32> to vector<512x1xf32>
    %div3A_289 = arith.constant 3.840000e+02 : f32
    %div3A_290 = vector.broadcast %div3A_289 : f32 to vector<512x1xf32>
    %div3A_291 = arith.divf %broadcast_in_dim3A_288, %div3A_290 : vector<512x1xf32>
    %sub3A_292 = vector.broadcast %div3A_291 : vector<512x1xf32> to vector<512x384xf32>
    %sub3A_293 = arith.subf %max3A_277, %sub3A_292 : vector<512x384xf32>
    %mul3A_294 = arith.mulf %sub3A_293, %sub3A_293 : vector<512x384xf32>
    %reduce_sum3A_295 = arith.constant dense<0.000000e+00> : vector<512xf32>
    %reduce_sum3A_296 = vector.multi_reduction <add>, %mul3A_294, %reduce_sum3A_295 [1] : vector<512x384xf32> to vector<512xf32>
    %broadcast_in_dim3A_297 = vector.shape_cast %reduce_sum3A_296 : vector<512xf32> to vector<512x1xf32>
    %div3A_298 = arith.constant 3.840000e+02 : f32
    %div3A_299 = vector.broadcast %div3A_298 : f32 to vector<512x1xf32>
    %div3A_300 = arith.divf %broadcast_in_dim3A_297, %div3A_299 : vector<512x1xf32>
    %add3A_301 = arith.constant 9.99999974E-6 : f32
    %add3A_302 = vector.broadcast %add3A_301 : f32 to vector<512x1xf32>
    %add3A_303 = arith.addf %div3A_300, %add3A_302 : vector<512x1xf32>
    %rsqrt3A_304 = math.rsqrt %add3A_303 : vector<512x1xf32>
    %mul3A_305 = vector.broadcast %rsqrt3A_304 : vector<512x1xf32> to vector<512x384xf32>
    %mul3A_306 = arith.mulf %sub3A_293, %mul3A_305 : vector<512x384xf32>
    %broadcast_in_dim3A_307 = vector.shape_cast %get3A_281 : vector<384xf32> to vector<1x384xf32>
    %mul3A_308 = vector.broadcast %broadcast_in_dim3A_307 : vector<1x384xf32> to vector<512x384xf32>
    %mul3A_309 = arith.mulf %mul3A_306, %mul3A_308 : vector<512x384xf32>
    %broadcast_in_dim3A_310 = vector.shape_cast %get3A_285 : vector<384xf32> to vector<1x384xf32>
    %add3A_311 = vector.broadcast %broadcast_in_dim3A_310 : vector<1x384xf32> to vector<512x384xf32>
    %add3A_312 = arith.addf %mul3A_309, %add3A_311 : vector<512x384xf32>
    %get3A_313 = arith.constant 0 : index
    %get3A_314 = arith.constant 0 : index
    %get3A_315 = vector.load %arg10[%get3A_313, %get3A_314] : memref<384x1xf32, #tpu.memory_space<vmem>>, vector<384x1xf32>
    %dot_general3A_316 = arith.constant dense<0.000000e+00> : vector<512x1xf32>
    %dot_general3A_317 = tpu.matmul %add3A_312, %get3A_315, %dot_general3A_316 {dimension_numbers = #tpu.dot_dimension_numbers<[1], [0], [0], [1], [0, 0, 1, 1], [], []>, transpose_lhs_hint = false} : vector<512x384xf32>, vector<384x1xf32>, vector<512x1xf32> -> vector<512x1xf32>
    %get3A_318 = arith.constant 0 : index
    %get3A_319 = arith.constant 0 : index
    %get3A_320 = vector.load %arg11[%get3A_318, %get3A_319] : memref<1x1xf32, #tpu.memory_space<vmem>>, vector<1x1xf32>
    %get3A_321 = vector.extract %get3A_320[0, 0] : f32 from vector<1x1xf32>
    %add3A_322 = vector.broadcast %get3A_321 : f32 to vector<512x1xf32>
    %add3A_323 = arith.addf %dot_general3A_317, %add3A_322 : vector<512x1xf32>
    %squeeze3A_324 = vector.shape_cast %add3A_323 : vector<512x1xf32> to vector<512xf32>
    %swap3A_325 = arith.constant 1 : index
    %swap3A_326 = arith.constant 0 : index
    %swap3A_327 = arith.constant 0 : index
    %swap3A_328 = vector.load %arg12[%swap3A_325, %swap3A_326, %swap3A_327] : memref<2x1x512xf32, #tpu.memory_space<vmem>>, vector<1x1x512xf32>
    %swap3A_329 = vector.shape_cast %swap3A_328 : vector<1x1x512xf32> to vector<512xf32>
    %swap3A_330 = vector.shape_cast %squeeze3A_324 : vector<512xf32> to vector<1x1x512xf32>
    tpu.vector_store %arg12[%swap3A_325, %swap3A_326, %swap3A_327], %swap3A_330 {strides = array<i32>} : memref<2x1x512xf32, #tpu.memory_space<vmem>>, vector<1x1x512xf32>,
    return
  }
  func.func @transform_0(%arg0: i32) -> (i32, i32, i32) {
    %c0_i32 = arith.constant 0 : i32
    %c0_i32_0 = arith.constant 0 : i32
    %c0_i32_1 = arith.constant 0 : i32
    return %arg0, %c0_i32, %c0_i32_0 : i32, i32, i32
  }
  func.func @transform_1(%arg0: i32) -> (i32, i32, i32) {
    %c0_i32 = arith.constant 0 : i32
    %c0_i32_0 = arith.constant 0 : i32
    %c0_i32_1 = arith.constant 0 : i32
    %c0_i32_2 = arith.constant 0 : i32
    return %c0_i32, %c0_i32_0, %c0_i32_1 : i32, i32, i32
  }
  func.func @transform_2(%arg0: i32) -> (i32, i32) {
    %c0_i32 = arith.constant 0 : i32
    %c0_i32_0 = arith.constant 0 : i32
    %c0_i32_1 = arith.constant 0 : i32
    return %c0_i32, %c0_i32_0 : i32, i32
  }
  func.func @transform_3(%arg0: i32) -> (i32, i32) {
    %c0_i32 = arith.constant 0 : i32
    %c0_i32_0 = arith.constant 0 : i32
    %c0_i32_1 = arith.constant 0 : i32
    return %c0_i32, %c0_i32_0 : i32, i32
  }
  func.func @transform_4(%arg0: i32) -> (i32, i32) {
    %c0_i32 = arith.constant 0 : i32
    %c0_i32_0 = arith.constant 0 : i32
    %c0_i32_1 = arith.constant 0 : i32
    return %c0_i32, %c0_i32_0 : i32, i32
  }
  func.func @transform_5(%arg0: i32) -> (i32, i32, i32) {
    %c0_i32 = arith.constant 0 : i32
    %c0_i32_0 = arith.constant 0 : i32
    %c0_i32_1 = arith.constant 0 : i32
    %c0_i32_2 = arith.constant 0 : i32
    return %c0_i32, %c0_i32_0, %c0_i32_1 : i32, i32, i32
  }
  func.func @transform_6(%arg0: i32) -> (i32, i32) {
    %c0_i32 = arith.constant 0 : i32
    %c0_i32_0 = arith.constant 0 : i32
    %c0_i32_1 = arith.constant 0 : i32
    return %c0_i32, %c0_i32_0 : i32, i32
  }
  func.func @transform_7(%arg0: i32) -> (i32, i32) {
    %c0_i32 = arith.constant 0 : i32
    %c0_i32_0 = arith.constant 0 : i32
    %c0_i32_1 = arith.constant 0 : i32
    return %c0_i32, %c0_i32_0 : i32, i32
  }
  func.func @transform_8(%arg0: i32) -> (i32, i32) {
    %c0_i32 = arith.constant 0 : i32
    %c0_i32_0 = arith.constant 0 : i32
    %c0_i32_1 = arith.constant 0 : i32
    return %c0_i32, %c0_i32_0 : i32, i32
  }
  func.func @transform_9(%arg0: i32) -> (i32, i32) {
    %c0_i32 = arith.constant 0 : i32
    %c0_i32_0 = arith.constant 0 : i32
    %c0_i32_1 = arith.constant 0 : i32
    return %c0_i32, %c0_i32_0 : i32, i32
  }
  func.func @transform_10(%arg0: i32) -> (i32, i32) {
    %c0_i32 = arith.constant 0 : i32
    %c0_i32_0 = arith.constant 0 : i32
    %c0_i32_1 = arith.constant 0 : i32
    return %c0_i32, %c0_i32_0 : i32, i32
  }
  func.func @transform_11(%arg0: i32) -> (i32, i32, i32) {
    %c0_i32 = arith.constant 0 : i32
    %c0_i32_0 = arith.constant 0 : i32
    %c0_i32_1 = arith.constant 0 : i32
    return %arg0, %c0_i32, %c0_i32_0 : i32, i32, i32
  }
}

</mosaic_0001>

<sc_bundles>
// kernel: kernel.4.cloned.1.call-start
scs
__scs_entry_jumppad:
0x0: {  	(pc) =	sbr.rel $0x88, $3  }
0x1: {  	(tag) =	ssettag $0x0;
	lr =	simm.s32 $0x1  }
0x2: {  	[smem:$0x3F95] =	sst lr;
	_ =	strace $0xD0000000  }
0x3: {  	_ = 	snop  }
0x4: {  	_ = 	snop  }
0x5: {  	_ = 	snop  }
0x6: {  	_ = 	snop  }
0x7: {  	_ = 	snop  }
__scs_overlays_trampoline_lowered:
0x8: {  	[smem:$0x3FA4] =	sst s0  }
0x9: {  	[smem:$0x3FA5] =	sst s1  }
0xa: {  	[smem:$0x3FA6] =	sst s2  }
0xb: {  	[smem:$0x3FA7] =	sst s3  }
0xc: {  	[smem:$0x3FA8] =	sst s4  }
0xd: {  	[smem:$0x3FA9] =	sst s5  }
0xe: {  	[smem:$0x3FAA] =	sst s6  }
0xf: {  	[smem:$0x3FAB] =	sst s7  }
0x10: {  	[smem:$0x3FAC] =	sst s8  }
0x11: {  	[smem:$0x3FAD] =	sst s9;
	s0 =	simm.s32 @!p0 $0x0  }
0x12: {  	s1 =	sld [smem:$0x3F93];
	s0 =	simm.s32 @p0 $0x1  }
0x13: {  	[smem:$0x3FAE] =	sst s0;
	s0 =	simm.s32 @!p1 $0x0  }
0x14: {  	s2 =	sld [smem:$0x3F92];
	s0 =	simm.s32 @p1 $0x1  }
0x15: {  	[smem:$0x3FAF] =	sst s0;
	s0 =	simm.s32 @!p2 $0x0  }
0x16: {  	s3 =	sld [smem:$0x3FDB];
	s0 =	simm.s32 @p2 $0x1  }
0x17: {  	s4 =	simm.s32 $0x1BF5;
	[smem:$0x3FB1] =	sst s0  }
0x18: {  	s0 =	sld [smem:$0x3F94];
	_ =	swait.ge [sflag:s4], $0x0  }
0x19: {  	s7 =	sld [smem:$0x3F95]  }
0x1a: {  	s8 =	sadd.s32 $0xFFFFE003, lr  }
0x1b: {  	s9 =	sadd.s32 $0xFFFFFEF7, lr;
	s5 =	simm.s32 $0xFFFFFFFF;
	p2 =	slt.u32 s8, $0xFFFFF086  }
0x1c: {  	p1 =	slt.u32 s9, $0xF7A;
	s5 =	simm.s32 @!p2 $0x0  }
0x1d: {  	s5 =	simm.s32 @p1 $0x1;
	p0 =	seq.s32 s7, s2  }
0x1e: {  	s7 =	smul.u32 @!p0 $0xF7A, s2;
	p2 =	seq.s32 @!p0 s5, $0x0  }
0x1f: {  	s9 =	smul.u32 $0xF7A, s1;
	s8 =	simm.s32 @!p0 $0x1BF5;
	p2 =	por !p2, p0  }
0x20: {  	[sflag:s8] =	ssyncset.s32 @!p0 $0xFFFFF086;
	s6 =	sadd.s32 @!p0 s3, s7;
	s7 =	simm.s32 @!p0 $0x108  }
0x21: {  	s3 =	sadd.s32 s3, s9;
	s6 =	sadd.s32 @!p0 $0x88, s6;
	s7 =	simm.s32 @p2 $0x1082  }
0x22: {  	[simem:s7], [sflag:s8] =	dma.local @!p0 [hbm:s6], $0xF7A  }
0x23: {  	s9 =	sor.u32 $0xD0000000, s2;
	s6 =	simm.s32 $0x108;
	_ =	swait.ge @!p0 [sflag:s8], $0x0  }
0x24: {  	s3 =	sadd.s32 $0x88, s3;
	s6 =	simm.s32 @!p1 $0x1082;
	[sflag:s4] =	ssyncset.s32 $0xFFFFF086  }
0x25: {  	[simem:s6], [sflag:s4] =	dma.local [hbm:s3], $0xF7A  }
0x26: {  	[smem:$0x3F95] =	sst s1;
	(tag) =	ssettag s2;
	_ =	strace s9  }
0x27: {  	s1 =	sld [smem:$0x3FA5]  }
0x28: {  	s2 =	sld [smem:$0x3FA6]  }
0x29: {  	s4 =	sld [smem:$0x3FA8]  }
0x2a: {  	p0 =	seq.s32 s5, $0x0;
	s5 =	sld [smem:$0x3FA9]  }
0x2b: {  	s6 =	sld [smem:$0x3FAA]  }
0x2c: {  	s7 =	sld [smem:$0x3FAB]  }
0x2d: {  	s3 =	simm.s32 $0x108;
	s8 =	sld [smem:$0x3FAC]  }
0x2e: {  	s3 =	simm.s32 @!p0 $0x1082;
	s9 =	sld [smem:$0x3FAD]  }
0x2f: {  	lr =	sadd.s32 s0, s3;
	s0 =	sld [smem:$0x3FA4]  }
0x30: {  	s3 =	sld [smem:$0x3FA7]  }
0x31: {  	[smem:$0x3FB0] =	sst s10  }
0x32: {  	s10 =	sld [smem:$0x3FAE];
	_ =	sdelay $0x3  }
0x33: {  	p0 =	seq.s32 s10, $0x1;
	s10 =	sld [smem:$0x3FB0];
	_ =	sdelay $0x3  }
0x34: {  	[smem:$0x3FB0] =	sst s10  }
0x35: {  	s10 =	sld [smem:$0x3FAF];
	_ =	sdelay $0x3  }
0x36: {  	p1 =	seq.s32 s10, $0x1;
	s10 =	sld [smem:$0x3FB0];
	_ =	sdelay $0x3  }
0x37: {  	[smem:$0x3FB0] =	sst s10  }
0x38: {  	s10 =	sld [smem:$0x3FB1]  }
0x39: {  	_ = 	snop;
	(pc) =	sbr.ind lr, $3  }
0x3a: {  	_ = 	snop  }
0x3b: {  	_ = 	snop  }
0x3c: {  	p2 =	seq.s32 s10, $0x1;
	s10 =	sld [smem:$0x3FB0]  }
0x3d: {  	_ =	shalt  }
0x3e: {  	_ =	shalt  }
0x3f: {  	_ =	shalt  }
0x40: {  	_ =	shalt  }
0x41: {  	_ =	shalt  }
0x42: {  	_ =	shalt  }
0x43: {  	_ =	shalt  }
0x44: {  	_ =	shalt  }
0x45: {  	_ =	shalt  }
0x46: {  	_ =	shalt  }
0x47: {  	_ =	shalt  }
0x48: {  	_ =	shalt  }
0x49: {  	_ =	shalt  }
0x4a: {  	_ =	shalt  }
0x4b: {  	_ =	shalt  }
0x4c: {  	_ =	shalt  }
0x4d: {  	_ =	shalt  }
0x4e: {  	_ =	shalt  }
0x4f: {  	_ =	shalt  }
0x50: {  	_ =	shalt  }
0x51: {  	_ =	shalt  }
0x52: {  	_ =	shalt  }
0x53: {  	_ =	shalt  }
0x54: {  	_ =	shalt  }
0x55: {  	_ =	shalt  }
0x56: {  	_ =	shalt  }
0x57: {  	_ =	shalt  }
0x58: {  	_ =	shalt  }
0x59: {  	_ =	shalt  }
0x5a: {  	_ =	shalt  }
0x5b: {  	_ =	shalt  }
0x5c: {  	_ =	shalt  }
0x5d: {  	_ =	shalt  }
0x5e: {  	_ =	shalt  }
0x5f: {  	_ =	shalt  }
0x60: {  	_ =	shalt  }
0x61: {  	_ =	shalt  }
0x62: {  	_ =	shalt  }
0x63: {  	_ =	shalt  }
0x64: {  	_ =	shalt  }
0x65: {  	_ =	shalt  }
0x66: {  	_ =	shalt  }
0x67: {  	_ =	shalt  }
0x68: {  	_ =	shalt  }
0x69: {  	_ =	shalt  }
0x6a: {  	_ =	shalt  }
0x6b: {  	_ =	shalt  }
0x6c: {  	_ =	shalt  }
0x6d: {  	_ =	shalt  }
0x6e: {  	_ =	shalt  }
0x6f: {  	_ =	shalt  }
0x70: {  	_ =	shalt  }
0x71: {  	_ =	shalt  }
0x72: {  	_ =	shalt  }
0x73: {  	_ =	shalt  }
0x74: {  	_ =	shalt  }
0x75: {  	_ =	shalt  }
0x76: {  	_ =	shalt  }
0x77: {  	_ =	shalt  }
0x78: {  	_ =	shalt  }
0x79: {  	_ =	shalt  }
0x7a: {  	_ =	shalt  }
0x7b: {  	_ =	shalt  }
0x7c: {  	_ =	shalt  }
0x7d: {  	_ =	shalt  }
0x7e: {  	_ =	shalt  }
0x7f: {  	_ =	shalt  }
0x80: {  	_ =	shalt  }
0x81: {  	_ =	shalt  }
0x82: {  	_ =	shalt  }
0x83: {  	_ =	shalt  }
0x84: {  	_ =	shalt  }
0x85: {  	_ =	shalt  }
0x86: {  	_ =	shalt  }
0x87: {  	_ =	shalt  }
.Lfunc_end0:
.L_simem_size_0:
called_computation_lowered:
.L_overlay_start_0:
0x88: {  	s2 =	sld [smem:$0x3FD9]  }
0x89: {  	s3 =	sld [smem:$0x3FFE];
	_ =	sdelay $0x1  }
0x8a: {  	s1 =	srdreg.scid  }
0x8b: {  	s0 =	sand.u32 $0x1, s1  }
0x8c: {  	s14 =	sshll.u32 s0, $0xA;
	s2 =	sadd.s32 s3, s2  }
0x8d: {  	s2 =	sadd.s32 s2, s14  }
0x8e: {  	[smem:$0x3FBC] =	sst s2  }
0x8f: {  	_ = 	snop  }
0x90: {  	s2 =	sld [smem:$0x3FD0];
	_ =	sdelay $0x1  }
0x91: {  	s15 =	sld [smem:$0x3FC9]  }
0x92: {  	s5 =	simm.s32 $0xA;
	s6 =	simm.s32 $0x10;
	s4 =	sld [smem:$0x3FC8]  }
0x93: {  	[smem:s6], [sflag:s5] =	dma.local [hbm:s2], $0x1  }
0x94: {  	_ =	swait.eq [sflag:s5], $0x1  }
0x95: {  	[sflag:s5] =	ssyncset.done $0x0  }
0x96: {  	[sflag:s5] =	ssyncadd.s32 $0xFFFFFFFF  }
0x97: {  	s16 =	sld [smem:$0x10];
	(tm) =	ssettm $0x1  }
0x98: {  	s17 =	sld [smem:$0x3FFB];
	_ =	sdelay $0x3  }
0x99: {  	_ =	strace s17  }
0x9a: {  	s5 =	sld [smem:$0x3FFC];
	_ =	sdelay $0x3  }
0x9b: {  	_ =	strace s5  }
0x9c: {  	s5 =	sld [smem:$0x3FFD];
	_ =	sdelay $0x3  }
0x9d: {  	_ =	strace s5  }
0x9e: {  	_ =	strace $0x8FFFFFFF  }
0x9f: {  	s18 =	sld [smem:$0x3FDB];
	_ =	sdelay $0x1  }
0xa0: {  	s19 =	simm.s32 $_scs_section_size  }
0xa1: {  	s7 =	simm.s32 $_size__tile_overlayer_lowered;
	s8 =	simm.s32 $_tile_overlayer_lowered  }
0xa2: {  	s22 =	simm.s32 $0x1BFF;
	s21 =	sshll.u32 s8, $0x1;
	s5 =	sadd.s32 s19, s18  }
0xa3: {  	s9 =	simm.s32 $0x0;
	s20 =	sshll.u32 s7, $0x1;
	s7 =	sadd.s32 s21, s5  }
0xa4: {  	[timem:s9], [sflag:s22] =	dma.local [hbm:s7], s20  }
0xa5: {  	_ =	swait.ge [sflag:s22], s20  }
0xa6: {  	s6 =	ssub.s32 $0x0, s20;
	[sflag:s22] =	ssyncset.done $0x0  }
0xa7: {  	[sflag:s22] =	ssyncadd.s32 s6;
	_ =	sdelay $0x1  }
0xa8: {  	s23 =	simm.s32 $0x1B8B  }
0xa9: {  	_ =	swait.ge [sflag:s23], $0x1  }
0xaa: {  	[sflag:s23] =	ssyncset.done $0x0  }
0xab: {  	s25 =	simm.s32 $0x1B8E;
	s24 =	sld [smem:$0x3FFE];
	[sflag:s23] =	ssyncadd.s32 $0xFFFFFFFF  }
0xac: {  	s26 =	simm.s32 $execute0_lowered;
	[smem:$0x3FD2] =	sst s25  }
0xad: {  	s7 =	sshll.u32 s26, $0x1;
	_ =	strace $0x80000046;
	[dreg:$0x1] =	wrdreg $0xFFFFFFFF  }
0xae: {  	s28 =	simm.s32 $_size_execute0_lowered;
	s5 =	sadd.s32 s5, s7;
	[dreg:$0x0] =	wrdreg $0x0  }
0xaf: {  	s7 =	sshll.u32 s28, $0x1;
	[dreg:$0x2] =	wrdreg s5  }
0xb0: {  	[dreg:$0x3] =	wrdreg s7  }
0xb1: {  	[dreg:$0x4] =	wrdreg $0xC0  }
0xb2: {  	_ =	task [dreg:s9], $0x5FFFF  }
0xb3: {  	[dreg:$0x1] =	wrdreg $0xFFFFFFFF  }
0xb4: {  	[dreg:$0x0] =	wrdreg $0x60  }
0xb5: {  	[dreg:$0x2] =	wrdreg s15  }
0xb6: {  	[dreg:$0x3] =	wrdreg s4  }
0xb7: {  	[dreg:$0x4] =	wrdreg s24  }
0xb8: {  	[dreg:$0x5] =	wrdreg s16  }
0xb9: {  	[dreg:$0x6] =	wrdreg $0x134000  }
0xba: {  	[dreg:$0x7] =	wrdreg $0x9  }
0xbb: {  	_ =	task.clear_ibuf [dreg:s9], $0x8FFFF;
	_ =	strace $0x90000046  }
0xbc: {  	s29 =	simm.s32 $0x9;
	_ =	strace $0x80000048  }
0xbd: {  	_ =	swait.ge [sflag:s29], $0x1  }
0xbe: {  	[sflag:s29] =	ssyncadd.s32 $0xFFFFFFFF  }
0xbf: {  	_ =	strace $0x90000048  }
0xc0: {  	_ =	sfence  }
0xc1: {  	s30 =	sld [smem:$0x0];
	_ =	sdelay $0x2  }
0xc2: {  	s31 =	sshll.u32 s1, $0xD;
	s1 =	sshrl.u32 s1, $0x2  }
0xc3: {  	s3 =	sand.u32 $0x4000, s31;
	s1 =	sadd.s32 s1, s30  }
0xc4: {  	s0 =	sor.u32 s3, s0;
	s1 =	sshll.u32 s1, $0x11  }
0xc5: {  	s0 =	sor.u32 s1, s0  }
0xc6: {  	s0 =	sadd.s32 $0x8F2B, s0  }
0xc7: {  	[sflag:s0] =	ssyncadd.remote.s32 $0x1  }
0xc8: {  	_ =	sfence.sel $0xFFFF  }
0xc9: {  	[dreg:$0x0] =	wrdreg $0xFFFFFFFF;
	(pc) =	sbr.abs _section_cstart, $3  }
0xca: {  	[dreg:$0x1] =	wrdreg $0xFFFFFFFF  }
0xcb: {  	_ =	task.clear_ibuf [dreg:s9], $0x2FFFF;
	_ =	strace $0x9FFFFFFF  }
0xcc: {  	(tm) =	ssettm $0x7FFFFFFF  }
0xcd: {  	_ =	shalt  }
tec
execute0_lowered:
.L_overlay_start_1:
0x0: {  	(tag) =	ssettag $0x1  }
0x1: {  	s1 =	rddreg [dreg:$0x0]  }
0x2: {  	s0 =	rddreg [dreg:$0x1]  }
0x3: {  	s3 =	rddreg [dreg:$0x2]  }
0x4: {  	s2 =	rddreg [dreg:$0x3]  }
0x5: {  	s13 =	rddreg [dreg:$0x4]  }
0x6: {  	s4 =	simm.s32 $0x0;
	s5 =	srdreg.scid;
	s14 =	stileid.u32  }
0x7: {  	s18 =	simm.s32 $0x400;
	s19 =	simm.s32 $0x8;
	s21 =	simm.s32 $0x1  }
0x8: {  	s22 =	simm.s32 $0x7;
	s16 =	simm.s32 $0x6800;
	s20 =	simm.s32 $0x2  }
0x9: {  	[smem:$0x7FF] =	sst s4;
	s6 =	sadd.s32 $0x2400, s3;
	s5 =	sand.u32 $0x1, s5  }
0xa: {  	s9 =	sshrl.u32 s14, $0x1;
	s3 =	sadd.s32 $0x2200, s3;
	s12 =	sand.u32 $0x1, s14  }
0xb: {  	p0 =	sne.s32 s14, $0x0;
	_ =	strace $0x80000047;
	[dreg:$0x6] =	wrdreg s6  }
0xc: {  	s23 =	ssub.s32 $0x2, s5;
	s7 =	sshll.u32 s5, $0x3;
	[dreg:$0x7] =	wrdreg s3  }
0xd: {  	s25 =	sshll.u32 s5, $0x9;
	s10 =	sshll.u32 s9, $0x4;
	s5 =	smul.u32 $0xC00000, s5  }
0xe: {  	s26 =	smul.u32 $0x180000, s9;
	s11 =	sshll.u32 s12, $0x6;
	[dreg:$0x8] =	wrdreg s12  }
0xf: {  	s29 =	smul.u32 $0x6000, s12;
	s12 =	sadd.s32 $0x100, s1;
	s24 =	sshrl.u32 s23, $0x1  }
0x10: {  	s7 =	sor.u32 s9, s7;
	s0 =	sadd.s32 s0, s25;
	s17 =	sor.u32 $0x400, s11  }
0x11: {  	s30 =	sxor.u32 $0x7FFFFFFF, s11;
	s31 =	ssub.s32 $0x80000000, s11;
	s9 =	simm.s32 $0x3  }
0x12: {  	s3 =	ssub.s32 s23, s24;
	s8 =	smul.u32 $0x180000, s7;
	[dreg:$0xc] =	wrdreg s30  }
0x13: {  	s0 =	sadd.s32 s10, s0;
	s28 =	sshll.u32 s7, $0x9;
	[dreg:$0xd] =	wrdreg s31  }
.Ltmp0:
0x14: {  	v6 =	vlaneseq.u32;
	v2 =	vimm.s32 $0xF;
	s23 =	simm.s32 $0x1400;
	s7 =	simm.s32 $0x7400;
	(pc) =	sbr.rel .LBB2_1-.Ltmp0, $4  }
0x15: {  	vm0 =	vmmov $0xffff;
	vm1 =	vmmov $0xff;
	v7 =	vimm.f32 $0.0e+00;
	[dreg:$0x9] =	wrdreg s0;
	s0 =	sadd.s32 s26, s5;
	s3 =	smax.u32 s3, $0x1  }
0x16: {  	v3 =	vadd.s32 $0x1, v6;
	v5 =	vshrl.u32 v6, $0x3;
	s10 =	simm.s32 $0xD400;
	v0 =	vmov s28;
	[dreg:$0xa] =	wrdreg s3;
	s0 =	sor.u32 s29, s0  }
0x17: {  	v4 =	vand.u32 $0x7, v6;
	v6 =	vor.u32 $0x8, v6;
	s24 =	simm.s32 $0x0;
	v1 =	vadd.s32 $0xFFFFFFFF, v0;
	[dreg:$0xb] =	wrdreg s0;
	s0 =	sshrl.u32 @!p0 s13, $0x3  }
0x18: {  	v5 =	vmul.u32 $0x8, v5;
	s5 =	simm.s32 $0x7000;
	v0 =	vmov s17;
	s13 =	simm.s32 $0x4;
	v1 =	vbroadcast v1, $0x0;
	[dreg:$0xe] =	wrdreg s0  }
.LBB2_44:
0x19: {  	[sflag:s22] =	ssyncadd.s32 $0xFFFFF400  }
.LBB2_45:
0x1a: {  	s24 =	sadd.s32 $0x1, s24;
	s0 =	rddreg [dreg:$0xa]  }
0x1b: {  	p1 =	sne.s32 s24, s0  }
.Ltmp1:
0x1c: {  	_ = 	snop;
	(pc) =	sbr.rel @!p1 .LBB2_46-.Ltmp1, $1  }
0x1d: {  	_ =	sdelay $0x3  }
.LBB2_1:
0x1e: {  	s0 =	rddreg [dreg:$0x9];
	s3 =	simm.s32 $0x80  }
0x1f: {  	[tilespmem:s4], [sflag:$0x8] =	stream.strided.gather [hbm4b:s0+s3], $0x200, s18, s3, $0x38;
	[tilespmem:$0x13A00] =	vst v63  }
0x20: {  	_ =	swait.ge [sflag:s19], $0x200  }
0x21: {  	[sflag:s19] =	ssyncset.done $0x0;
	s3 =	rddreg [dreg:$0x6]  }
0x22: {  	s0 =	simm.s32 @!p0 $0x1C08;
	s6 =	rddreg [dreg:$0xe];
	[sflag:s19] =	ssyncadd.s32 $0xFFFFFE00  }
0x23: {  	[spmem:s6], [sflag:s0] =	dma.local @!p0 [hbm:s3], $0xC00  }
0x24: {  	s0 =	simm.s32 @!p0 $0x8  }
0x25: {  	_ =	swait.ge @!p0 [sflag:s0], $0xC00  }
0x26: {  	[sflag:s0] =	ssyncset.done @!p0 $0x0  }
0x27: {  	s25 =	simm.s32 $0x0;
	[sflag:s0] =	ssyncadd.s32 @!p0 $0xFFFFF400  }
0x28: {  	v9 =	vld [tilespmem:s25+$0x0];
	_ =	sdelay $0x4  }
0x29: {  	s6 =	simm.s32 $0x10;
	(xrf0) =	vadd.scan.msk.s32 $0xffff, v9  }
0x2a: {  	v9 =	vld [tilespmem:s6+$0x0]  }
0x2b: {  	v8 =	vimm.s32 $0x0;
	s0 =	simm.s32 $0x80  }
.LBB2_2:
0x2c: {  	p1 =	sne.s32 s0, $0x7C0  }
.Ltmp2:
0x2d: {  	_ = 	snop;
	(pc) =	sbr.rel @p1 .LBB2_2-.Ltmp2, $4  }
0x2e: {  	_ = 	snop  }
0x2f: {  	s3 =	sshra.s32 s0, $0x2;
	s0 =	sadd.s32 $0x40, s0;
	(xrf0) =	vadd.scan.msk.s32 $0xffff, v9;
	v10, _, _ =	vpop (xrf0)  }
0x30: {  	v9 =	vld [tilespmem:s3+$0x0];
	v8 =	vadd.s32 v8, v10  }
0x31: {  	[tilespmem:s25+$0x200] =	vst v8;
	v8 =	vperm.xlane v8, v2;
	s25 =	smov.u32 s6;
	s6 =	smov.u32 s3  }
0x32: {  	_ =	sdelay $0x2  }
0x33: {  	(xrf0) =	vadd.scan.msk.s32 $0xffff, v9;
	_ =	sdelay $0x2  }
0x34: {  	v63, _, _ =	vpop (xrf0)  }
0x35: {  	v8 =	vadd.s32 v8, v63  }
0x36: {  	v9 =	vperm.xlane v8, v2  }
0x37: {  	v10, _, _ =	vpop (xrf0)  }
0x38: {  	v9 =	vadd.s32 v9, v10  }
0x39: {  	v10 =	vperm.xlane v9, v2;
	_ =	sdelay $0x1  }
0x3a: {  	v10 =	vxor.u32 $0x80000000, v10  }
0x3b: {  	(xrf0) =	vmax.scan.msk.u32 $0xffff, v10;
	_ =	sdelay $0x5  }
0x3c: {  	v10, _, _ =	vpop (xrf0)  }
0x3d: {  	(v2sf) =	vpush v10, $0xF;
	_ =	sdelay $0xe  }
0x3e: {  	s0 =	spop (v2sf)  }
0x3f: {  	s3 =	sadd.s32 $0x8000003F, s0  }
0x40: {  	s17 =	sand.u32 $0x3F, s3  }
0x41: {  	s26 =	sshra.s32 s3, $0x1F;
	p1 =	slt.s32 s3, $0x1;
	p2 =	sne.s32 s17, $0x0  }
0x42: {  	s29 =	sshrl.u32 s26, $0x1A;
	p1 =	por !p1, !p2  }
0x43: {  	s17 =	simm.s32 $0x1;
	s3 =	sadd.s32 s29, s3;
	p1 =	por !p1, !p1  }
0x44: {  	s3 =	sshra.s32 s3, $0x6;
	s17 =	simm.s32 @!p1 $0x0  }
0x45: {  	s14 =	rddreg [dreg:$0x8];
	s3 =	ssub.s32 s3, s17  }
0x46: {  	s17 =	ssub.s32 s3, s14  }
0x47: {  	s30 =	sadd.s32 $0x1, s17  }
0x48: {  	s28 =	sand.u32 $0x1, s30  }
0x49: {  	p5 =	slt.s32 s17, $0x0;
	p6 =	seq.s32 s28, $0x1  }
0x4a: {  	s31 =	sshrl.u32 s30, $0x1F;
	p1 =	por !p5, !p6  }
0x4b: {  	s26 =	simm.s32 $0x1;
	s17 =	sadd.s32 s31, s30;
	p1 =	por !p1, !p1  }
0x4c: {  	s17 =	sshra.s32 s17, $0x1;
	s26 =	simm.s32 @!p1 $0x0  }
0x4d: {  	s26 =	ssub.s32 s17, s26  }
0x4e: {  	p2 =	sgt.s32 s26, $0x1F  }
.Ltmp3:
0x4f: {  	_ = 	snop;
	(pc) =	sbr.rel @p2 .LBB2_7-.Ltmp3, $4  }
0x50: {  	[tilespmem:s25+$0x200] =	vst v8;
	s28 =	simm.s32 $0xFFFFFFFF  }
0x51: {  	[tilespmem:s6+$0x200] =	vst v9;
	s28 =	simm.s32 @!p1 $0x0  }
0x52: {  	[bflag:$0x0] =	sbarrier.arrive $0xFFFF;
	s25 =	sadd.s32 s28, s17  }
0x53: {  	p1 =	sgt.s32 s25, $0x0  }
0x54: {  	s6 =	smov.u32 s25  }
0x55: {  	s6 =	simm.s32 @!p1 $0x0  }
0x56: {  	s17 =	sadd.s32 $0xFFFFFFFF, s6  }
0x57: {  	s28 =	smul.u32 $0xC000, s6;
	s6 =	sadd.s32 $0x1, s17  }
0x58: {  	p2 =	slt.u32 s6, $0x1F  }
.Ltmp4:
0x59: {  	s14 =	rddreg [dreg:$0xb];
	(pc) =	sbr.rel @!p2 .LBB2_6-.Ltmp4, $4  }
0x5a: {  	s15 =	stileid.u32;
	s17 =	sadd.s32 s28, s14  }
0x5b: {  	s31 =	sshll.u32 s15, $0x6;
	s28 =	sshrl.u32 s17, $0x3  }
0x5c: {  	s29 =	sadd.s32 $0xC000, s17;
	s17 =	sor.u32 $0x1C07, s31;
	s31 =	rddreg [dreg:$0x4]  }
0x5d: {  	s30 =	sadd.s32 s2, s28;
	s28 =	sshrl.u32 s31, $0x3  }
.LBB2_5:
0x5e: {  	[hbm:s30], [sflag:s17] =	dma.local [spmem:s28], $0xC00  }
0x5f: {  	s6 =	sadd.s32 $0x1, s6  }
0x60: {  	p2 =	slt.u32 s6, $0x1F  }
.Ltmp5:
0x61: {  	(pc) =	sbr.rel @p2 .LBB2_5-.Ltmp5, $3  }
0x62: {  	_ =	sdelay $0x1  }
0x63: {  	s30 =	sshrl.u32 s29, $0x3;
	s29 =	sadd.s32 $0xC000, s29  }
0x64: {  	s30 =	sadd.s32 s2, s30  }
.LBB2_6:
0x65: {  	[hbm:s30], [sflag:s17] =	dma.local [spmem:s28], $0xC00  }
.LBB2_7:
0x66: {  	s6 =	simm.s32 $0x0;
	s14 =	rddreg [dreg:$0x7]  }
0x67: {  	[tilespmem:s18], [sflag:$0x8] =	stream.linear.gather [hbm4b:s14+s6], $0x1000, $0x38;
	[tilespmem:$0x13A00] =	vst v63  }
0x68: {  	_ =	swait.ge [sflag:s19], $0x1000  }
0x69: {  	[sflag:s19] =	ssyncset.done $0x0  }
0x6a: {  	s17 =	simm.s32 $0x200;
	[sflag:s19] =	ssyncadd.s32 $0xFFFFF000  }
0x6b: {  	v9 =	vld [tilespmem:s17+$0x0]  }
0x6c: {  	s28 =	sxor.u32 $0x80000000, s0;
	s29 =	simm.s32 $0x10;
	s30 =	simm.s32 $0x0;
	v8 =	vld [tilespmem:s6+$0x0]  }
.LBB2_8:
0x6d: {  	p2 =	sne.s32 s29, $0x1F0;
	_ =	sdelay $0x3  }
0x6e: {  	v9 =	vsub.s32 v9, v8  }
0x6f: {  	vm2 =	vgt.s32 v9, $0x0  }
0x70: {  	v9 =	vnsel vm2, $0x0, v9;
	vm2 =	vgt.s32 v8, $0x0  }
0x71: {  	v8 =	vmin.u32 v9, $0xFFF;
	_ =	sdelay $0x2  }
.Ltmp6:
0x72: {  	(pc) =	sbr.rel @p2 .LBB2_8-.Ltmp6, $4  }
0x73: {  	v9 =	vadd.s32 s6, v3;
	s6 =	smov.u32 s29  }
0x74: {  	s17 =	sadd.s32 $0x10, s17;
	[tilespmem:v8+s18+$0x0] =	vst.idx.msk vm2, v9  }
0x75: {  	s30 =	sadd.s32 $0x10, s30;
	v9 =	vld [tilespmem:s17+$0x0]  }
0x76: {  	s29 =	sadd.s32 $0x10, s29;
	v8 =	vld [tilespmem:s30+$0x0]  }
0x77: {  	_ =	sdelay $0x3  }
0x78: {  	v9 =	vsub.s32 v9, v8  }
0x79: {  	vm2 =	vgt.s32 v9, $0x0  }
0x7a: {  	v9 =	vnsel vm2, $0x0, v9;
	vm2 =	vgt.s32 v8, $0x0  }
0x7b: {  	p2 =	slt.s32 s3, $0x1;
	v8 =	vmin.u32 v9, $0xFFF  }
.Ltmp7:
0x7c: {  	_ = 	snop;
	(pc) =	sbr.rel @p2 .LBB2_13-.Ltmp7, $3  }
0x7d: {  	_ =	sdelay $0x1  }
0x7e: {  	v63 =	vadd.s32 s6, v3  }
0x7f: {  	[tilespmem:v8+s18+$0x0] =	vst.idx.msk vm2, v63  }
0x80: {  	s6 =	sshll.u32 s3, $0x2  }
0x81: {  	p2 =	sne.s32 s6, $0x1  }
.Ltmp8:
0x82: {  	_ = 	snop;
	(pc) =	sbr.rel @!p2 .LBB2_12-.Ltmp8, $3  }
0x83: {  	_ =	sdelay $0x1  }
0x84: {  	s3 =	simm.s32 $0x400  }
0x85: {  	v8 =	vimm.s32 $0x0;
	v9 =	vld [tilespmem:s3+$0x0];
	s6 =	sadd.s32 $0xFFFFFFFF, s6  }
.LBB2_11:
0x86: {  	p2 =	sne.s32 s6, $0x1;
	_ =	sdelay $0x3  }
0x87: {  	v9 =	vxor.u32 $0x80000000, v9  }
0x88: {  	(xrf0) =	vmax.scan.msk.u32 $0xffff, v9;
	_ =	sdelay $0x5  }
0x89: {  	v9, _, _ =	vpop (xrf0)  }
0x8a: {  	v9 =	vxor.u32 $0x80000000, v9  }
.Ltmp9:
0x8b: {  	vm2 =	vgt.s32 v9, v8;
	(pc) =	sbr.rel @p2 .LBB2_11-.Ltmp9, $4  }
0x8c: {  	v8 =	vsel vm2, v9, v8  }
0x8d: {  	v9 =	vadd.s32 v1, v8;
	v8 =	vperm.xlane v8, v2  }
0x8e: {  	[tilespmem:s3+$0x0] =	vst v9;
	s3 =	sadd.s32 $0x10, s3  }
0x8f: {  	s6 =	sadd.s32 $0xFFFFFFFF, s6;
	v9 =	vld [tilespmem:s3+$0x0]  }
.LBB2_12:
0x90: {  	_ =	sdelay $0x3  }
0x91: {  	v9 =	vxor.u32 $0x80000000, v9  }
0x92: {  	(xrf0) =	vmax.scan.msk.u32 $0xffff, v9;
	_ =	sdelay $0x5  }
0x93: {  	v9, _, _ =	vpop (xrf0)  }
0x94: {  	v9 =	vxor.u32 $0x80000000, v9  }
0x95: {  	vm2 =	vgt.s32 v9, v8  }
0x96: {  	v8 =	vsel vm2, v9, v8  }
0x97: {  	v8 =	vadd.s32 v1, v8  }
0x98: {  	[tilespmem:s3+$0x0] =	vst v8  }
.LBB2_13:
0x99: {  	p2 =	slt.s32 s26, $0x1  }
.Ltmp10:
0x9a: {  	_ = 	snop;
	(pc) =	sbr.rel @p2 .LBB2_42-.Ltmp10, $1  }
0x9b: {  	_ =	sdelay $0x3  }
0x9c: {  	v8 =	vld [tilespmem:s11+$0x400];
	_ =	sdelay $0x4  }
0x9d: {  	v9 =	vshrl.u32 v8, $0x3  }
0x9e: {  	v9 =	vmul.u32 $0x18, v9  }
0x9f: {  	v8 =	vand.u32 $0x7, v8  }
0xa0: {  	v8 =	vor.u32 v8, v9  }
0xa1: {  	v9 =	vperm.xlane v8, v4;
	_ =	sdelay $0x1  }
0xa2: {  	v9 =	vadd.s32 v5, v9;
	_ =	sdelay $0x1  }
0xa3: {  	v8 =	vperm.xlane v8, v6;
	_ =	sdelay $0x1  }
0xa4: {  	v8 =	vadd.s32 v5, v8  }
0xa5: {  	[tilespmem:s23], [sflag:$0x1] =	stream.indirect_vreg.gather [hbm4b:s1+s4], $0x80, v9, vm0, $0xb8;
	[tilespmem:$0x13A00] =	vst v63  }
0xa6: {  	s3 =	simm.s32 $0x1C00  }
0xa7: {  	[tilespmem:s3], [sflag:$0x1] =	stream.indirect_vreg.gather [hbm4b:s12+s4], $0x80, v9, vm1, $0xb8;
	[tilespmem:$0x13A00] =	vst v63  }
0xa8: {  	s15 =	simm.s32 $0x2000  }
0xa9: {  	[tilespmem:s15], [sflag:$0x1] =	stream.indirect_vreg.gather [hbm4b:s1+s4], $0x80, v8, vm0, $0xb8;
	[tilespmem:$0x13A00] =	vst v63  }
0xaa: {  	s17 =	simm.s32 $0x2800  }
0xab: {  	[tilespmem:s17], [sflag:$0x1] =	stream.indirect_vreg.gather [hbm4b:s12+s4], $0x80, v8, vm1, $0xb8;
	[tilespmem:$0x13A00] =	vst v63  }
0xac: {  	v8 =	vld [tilespmem:s11+$0x410];
	_ =	sdelay $0x4  }
0xad: {  	v61 =	vshrl.u32 v8, $0x3  }
0xae: {  	v9 =	vmul.u32 $0x18, v61  }
0xaf: {  	v8 =	vand.u32 $0x7, v8  }
0xb0: {  	v8 =	vor.u32 v8, v9  }
0xb1: {  	v9 =	vperm.xlane v8, v4;
	_ =	sdelay $0x1  }
0xb2: {  	v9 =	vadd.s32 v5, v9;
	_ =	sdelay $0x1  }
0xb3: {  	v8 =	vperm.xlane v8, v6;
	_ =	sdelay $0x1  }
0xb4: {  	s29 =	simm.s32 $0x2C00;
	v8 =	vadd.s32 v5, v8  }
0xb5: {  	[tilespmem:s29], [sflag:$0x1] =	stream.indirect_vreg.gather [hbm4b:s1+s4], $0x80, v9, vm0, $0xb8;
	[tilespmem:$0x13A00] =	vst v63  }
0xb6: {  	s30 =	simm.s32 $0x3400  }
0xb7: {  	[tilespmem:s30], [sflag:$0x1] =	stream.indirect_vreg.gather [hbm4b:s12+s4], $0x80, v9, vm1, $0xb8;
	[tilespmem:$0x13A00] =	vst v63  }
0xb8: {  	s31 =	simm.s32 $0x3800  }
0xb9: {  	[tilespmem:s31], [sflag:$0x1] =	stream.indirect_vreg.gather [hbm4b:s1+s4], $0x80, v8, vm0, $0xb8;
	[tilespmem:$0x13A00] =	vst v63  }
0xba: {  	s6 =	simm.s32 $0x4000  }
0xbb: {  	[tilespmem:s6], [sflag:$0x1] =	stream.indirect_vreg.gather [hbm4b:s12+s4], $0x80, v8, vm1, $0xb8;
	[tilespmem:$0x13A00] =	vst v63  }
0xbc: {  	v8 =	vld [tilespmem:s11+$0x420];
	_ =	sdelay $0x4  }
0xbd: {  	v62 =	vshrl.u32 v8, $0x3  }
0xbe: {  	v9 =	vmul.u32 $0x18, v62  }
0xbf: {  	v8 =	vand.u32 $0x7, v8  }
0xc0: {  	v8 =	vor.u32 v8, v9  }
0xc1: {  	v9 =	vperm.xlane v8, v4;
	_ =	sdelay $0x1  }
0xc2: {  	v9 =	vadd.s32 v5, v9;
	_ =	sdelay $0x1  }
0xc3: {  	v8 =	vperm.xlane v8, v6;
	_ =	sdelay $0x1  }
0xc4: {  	s14 =	simm.s32 $0x4400;
	v8 =	vadd.s32 v5, v8  }
0xc5: {  	[tilespmem:s14], [sflag:$0x1] =	stream.indirect_vreg.gather [hbm4b:s1+s4], $0x80, v9, vm0, $0xb8;
	[tilespmem:$0x13A00] =	vst v63  }
0xc6: {  	s15 =	simm.s32 $0x4C00  }
0xc7: {  	[tilespmem:s15], [sflag:$0x1] =	stream.indirect_vreg.gather [hbm4b:s12+s4], $0x80, v9, vm1, $0xb8;
	[tilespmem:$0x13A00] =	vst v63  }
0xc8: {  	s17 =	simm.s32 $0x5000  }
0xc9: {  	[tilespmem:s17], [sflag:$0x1] =	stream.indirect_vreg.gather [hbm4b:s1+s4], $0x80, v8, vm0, $0xb8;
	[tilespmem:$0x13A00] =	vst v63  }
0xca: {  	s29 =	simm.s32 $0x5800  }
0xcb: {  	[tilespmem:s29], [sflag:$0x1] =	stream.indirect_vreg.gather [hbm4b:s12+s4], $0x80, v8, vm1, $0xb8;
	[tilespmem:$0x13A00] =	vst v63  }
0xcc: {  	v8 =	vld [tilespmem:s11+$0x430];
	_ =	sdelay $0x4  }
0xcd: {  	v63 =	vshrl.u32 v8, $0x3  }
0xce: {  	v9 =	vmul.u32 $0x18, v63  }
0xcf: {  	v8 =	vand.u32 $0x7, v8  }
0xd0: {  	v8 =	vor.u32 v8, v9  }
0xd1: {  	v9 =	vperm.xlane v8, v4;
	_ =	sdelay $0x1  }
0xd2: {  	v9 =	vadd.s32 v5, v9;
	_ =	sdelay $0x2  }
0xd3: {  	v8 =	vperm.xlane v8, v6  }
0xd4: {  	s30 =	simm.s32 $0x5C00  }
0xd5: {  	v8 =	vadd.s32 v5, v8;
	[tilespmem:s30], [sflag:$0x1] =	stream.indirect_vreg.gather [hbm4b:s1+s4], $0x80, v9, vm0, $0xb8;
	[tilespmem:$0x13A00] =	vst v63  }
0xd6: {  	p2 =	seq.s32 s26, $0x1;
	s31 =	simm.s32 $0x6400  }
0xd7: {  	[tilespmem:s31], [sflag:$0x1] =	stream.indirect_vreg.gather [hbm4b:s12+s4], $0x80, v9, vm1, $0xb8;
	[tilespmem:$0x13A00] =	vst v63  }
.Ltmp11:
0xd8: {  	_ = 	snop;
	(pc) =	sbr.rel @p2 .LBB2_16-.Ltmp11, $4  }
0xd9: {  	_ = 	snop  }
0xda: {  	[tilespmem:s16], [sflag:$0x1] =	stream.indirect_vreg.gather [hbm4b:s1+s4], $0x80, v8, vm0, $0xb8;
	[tilespmem:$0x13A00] =	vst v63  }
0xdb: {  	_ = 	snop  }
0xdc: {  	[tilespmem:s5], [sflag:$0x1] =	stream.indirect_vreg.gather [hbm4b:s12+s4], $0x80, v8, vm1, $0xb8;
	[tilespmem:$0x13A00] =	vst v63  }
0xdd: {  	v8 =	vld [tilespmem:s11+$0x480];
	_ =	sdelay $0x4  }
0xde: {  	v9 =	vshrl.u32 v8, $0x3  }
0xdf: {  	v9 =	vmul.u32 $0x18, v9  }
0xe0: {  	v8 =	vand.u32 $0x7, v8  }
0xe1: {  	v8 =	vor.u32 v8, v9  }
0xe2: {  	v9 =	vperm.xlane v8, v4;
	_ =	sdelay $0x1  }
0xe3: {  	v9 =	vadd.s32 v5, v9;
	_ =	sdelay $0x1  }
0xe4: {  	v8 =	vperm.xlane v8, v6;
	_ =	sdelay $0x1  }
0xe5: {  	v8 =	vadd.s32 v5, v8  }
0xe6: {  	[tilespmem:s7], [sflag:$0x2] =	stream.indirect_vreg.gather [hbm4b:s1+s4], $0x80, v9, vm0, $0xb8;
	[tilespmem:$0x13A00] =	vst v63  }
0xe7: {  	s3 =	simm.s32 $0x7C00  }
0xe8: {  	[tilespmem:s3], [sflag:$0x2] =	stream.indirect_vreg.gather [hbm4b:s12+s4], $0x80, v9, vm1, $0xb8;
	[tilespmem:$0x13A00] =	vst v63  }
0xe9: {  	s6 =	simm.s32 $0x8000  }
0xea: {  	[tilespmem:s6], [sflag:$0x2] =	stream.indirect_vreg.gather [hbm4b:s1+s4], $0x80, v8, vm0, $0xb8;
	[tilespmem:$0x13A00] =	vst v63  }
0xeb: {  	s14 =	simm.s32 $0x8800  }
0xec: {  	[tilespmem:s14], [sflag:$0x2] =	stream.indirect_vreg.gather [hbm4b:s12+s4], $0x80, v8, vm1, $0xb8;
	[tilespmem:$0x13A00] =	vst v63  }
0xed: {  	v8 =	vld [tilespmem:s11+$0x490];
	_ =	sdelay $0x4  }
0xee: {  	v61 =	vshrl.u32 v8, $0x3  }
0xef: {  	v9 =	vmul.u32 $0x18, v61  }
0xf0: {  	v8 =	vand.u32 $0x7, v8  }
0xf1: {  	v8 =	vor.u32 v8, v9  }
0xf2: {  	v9 =	vperm.xlane v8, v4;
	_ =	sdelay $0x1  }
0xf3: {  	v9 =	vadd.s32 v5, v9;
	_ =	sdelay $0x1  }
0xf4: {  	v8 =	vperm.xlane v8, v6;
	_ =	sdelay $0x1  }
0xf5: {  	s15 =	simm.s32 $0x8C00;
	v8 =	vadd.s32 v5, v8  }
0xf6: {  	[tilespmem:s15], [sflag:$0x2] =	stream.indirect_vreg.gather [hbm4b:s1+s4], $0x80, v9, vm0, $0xb8;
	[tilespmem:$0x13A00] =	vst v63  }
0xf7: {  	s17 =	simm.s32 $0x9400  }
0xf8: {  	[tilespmem:s17], [sflag:$0x2] =	stream.indirect_vreg.gather [hbm4b:s12+s4], $0x80, v9, vm1, $0xb8;
	[tilespmem:$0x13A00] =	vst v63  }
0xf9: {  	s29 =	simm.s32 $0x9800  }
0xfa: {  	[tilespmem:s29], [sflag:$0x2] =	stream.indirect_vreg.gather [hbm4b:s1+s4], $0x80, v8, vm0, $0xb8;
	[tilespmem:$0x13A00] =	vst v63  }
0xfb: {  	s30 =	simm.s32 $0xA000  }
0xfc: {  	[tilespmem:s30], [sflag:$0x2] =	stream.indirect_vreg.gather [hbm4b:s12+s4], $0x80, v8, vm1, $0xb8;
	[tilespmem:$0x13A00] =	vst v63  }
0xfd: {  	v8 =	vld [tilespmem:s11+$0x4A0];
	_ =	sdelay $0x4  }
0xfe: {  	v62 =	vshrl.u32 v8, $0x3  }
0xff: {  	v9 =	vmul.u32 $0x18, v62  }
0x100: {  	v8 =	vand.u32 $0x7, v8  }
0x101: {  	v8 =	vor.u32 v8, v9  }
0x102: {  	v9 =	vperm.xlane v8, v4;
	_ =	sdelay $0x1  }
0x103: {  	v9 =	vadd.s32 v5, v9;
	_ =	sdelay $0x1  }
0x104: {  	v8 =	vperm.xlane v8, v6;
	_ =	sdelay $0x1  }
0x105: {  	s31 =	simm.s32 $0xA400;
	v8 =	vadd.s32 v5, v8  }
0x106: {  	[tilespmem:s31], [sflag:$0x2] =	stream.indirect_vreg.gather [hbm4b:s1+s4], $0x80, v9, vm0, $0xb8;
	[tilespmem:$0x13A00] =	vst v63  }
0x107: {  	s6 =	simm.s32 $0xAC00  }
0x108: {  	[tilespmem:s6], [sflag:$0x2] =	stream.indirect_vreg.gather [hbm4b:s12+s4], $0x80, v9, vm1, $0xb8;
	[tilespmem:$0x13A00] =	vst v63  }
0x109: {  	s14 =	simm.s32 $0xB000  }
0x10a: {  	[tilespmem:s14], [sflag:$0x2] =	stream.indirect_vreg.gather [hbm4b:s1+s4], $0x80, v8, vm0, $0xb8;
	[tilespmem:$0x13A00] =	vst v63  }
0x10b: {  	s15 =	simm.s32 $0xB800  }
0x10c: {  	[tilespmem:s15], [sflag:$0x2] =	stream.indirect_vreg.gather [hbm4b:s12+s4], $0x80, v8, vm1, $0xb8;
	[tilespmem:$0x13A00] =	vst v63  }
0x10d: {  	v8 =	vld [tilespmem:s11+$0x4B0];
	_ =	sdelay $0x4  }
0x10e: {  	v63 =	vshrl.u32 v8, $0x3  }
0x10f: {  	v9 =	vmul.u32 $0x18, v63  }
0x110: {  	v8 =	vand.u32 $0x7, v8  }
0x111: {  	v8 =	vor.u32 v8, v9  }
0x112: {  	v9 =	vperm.xlane v8, v4;
	_ =	sdelay $0x1  }
0x113: {  	v9 =	vadd.s32 v5, v9;
	_ =	sdelay $0x1  }
0x114: {  	v8 =	vperm.xlane v8, v6;
	_ =	sdelay $0x1  }
0x115: {  	s17 =	simm.s32 $0xBC00;
	v8 =	vadd.s32 v5, v8  }
0x116: {  	[tilespmem:s17], [sflag:$0x2] =	stream.indirect_vreg.gather [hbm4b:s1+s4], $0x80, v9, vm0, $0xb8;
	[tilespmem:$0x13A00] =	vst v63  }
0x117: {  	s29 =	simm.s32 $0xC400  }
0x118: {  	[tilespmem:s29], [sflag:$0x2] =	stream.indirect_vreg.gather [hbm4b:s12+s4], $0x80, v9, vm1, $0xb8;
	[tilespmem:$0x13A00] =	vst v63  }
0x119: {  	s30 =	simm.s32 $0xC800  }
0x11a: {  	[tilespmem:s30], [sflag:$0x2] =	stream.indirect_vreg.gather [hbm4b:s1+s4], $0x80, v8, vm0, $0xb8;
	[tilespmem:$0x13A00] =	vst v63  }
0x11b: {  	s31 =	simm.s32 $0xD000  }
0x11c: {  	[tilespmem:s31], [sflag:$0x2] =	stream.indirect_vreg.gather [hbm4b:s12+s4], $0x80, v8, vm1, $0xb8;
	[tilespmem:$0x13A00] =	vst v63  }
.LBB2_16:
.Ltmp12:
0x11d: {  	(pc) =	sbr.rel .LBB2_17-.Ltmp12, $4  }
0x11e: {  	_ = 	snop  }
0x11f: {  	s3 =	rddreg [dreg:$0xd]  }
0x120: {  	s6 =	rddreg [dreg:$0xc];
	s3 =	sadd.s32 s0, s3  }
0x121: {  	s31 =	simm.s32 $0x0;
	s29 =	sadd.s32 s0, s6;
	s17 =	sshll.u32 s3, $0x7  }
.LBB2_31:
0x122: {  	[tilespmem:s3+$0x7C10] =	vst v7  }
0x123: {  	[tilespmem:s3+$0x7C20] =	vst v7  }
0x124: {  	[tilespmem:s3+$0x7C30] =	vst v7  }
0x125: {  	[tilespmem:s3+$0x7C40] =	vst v7  }
0x126: {  	[tilespmem:s3+$0x7C50] =	vst v7  }
0x127: {  	[tilespmem:s3+$0x7C60] =	vst v7  }
.LBB2_32:
0x128: {  	s0 =	sshrl.u32 s0, $0x3  }
0x129: {  	s0 =	smul.u32 $0xC00, s0;
	_ =	sdelay $0x1  }
0x12a: {  	s0 =	sadd.s32 s8, s0  }
0x12b: {  	s0 =	sshrl.u32 s0, $0x3  }
0x12c: {  	s0 =	sadd.s32 s2, s0  }
0x12d: {  	[hbm4b:s0+s4] =	stream.linear.scatter [tilespmem:s7], [sflag:$0x5], $0x6000, $0x38;
	[tilespmem:$0x13A00] =	vst v63  }
.LBB2_40:
0x12e: {  	s31 =	sadd.s32 $0x1, s31  }
0x12f: {  	p3 =	sne.s32 s31, s26  }
.Ltmp13:
0x130: {  	_ = 	snop;
	(pc) =	sbr.rel @!p3 .LBB2_41-.Ltmp13, $2  }
0x131: {  	_ =	sdelay $0x2  }
0x132: {  	s29 =	sadd.s32 $0xFFFFFF80, s29;
	s17 =	sadd.s32 $0xFFFFC000, s17  }
.LBB2_17:
0x133: {  	s0 =	smulhi.u32 $0xAAAAAAAB, s31;
	_ =	sdelay $0x1  }
0x134: {  	s0 =	sshrl.u32 s0, $0x1  }
0x135: {  	s0 =	smul.u32 $0x3, s0;
	_ =	sdelay $0x1  }
0x136: {  	s30 =	ssub.s32 s31, s0  }
0x137: {  	p4 =	seq.s32 s30, $0x2  }
.Ltmp14:
0x138: {  	_ = 	snop;
	(pc) =	sbr.rel @p4 .LBB2_33-.Ltmp14, $4  }
0x139: {  	_ = 	snop  }
0x13a: {  	s3 =	sshll.u32 s31, $0x7  }
0x13b: {  	s6 =	sadd.s32 $0x2, s31;
	s0 =	sor.u32 s11, s3  }
0x13c: {  	p3 =	sle.s32 s26, s6;
	s3 =	ssub.s32 s28, s0  }
0x13d: {  	p4 =	seq.s32 s30, $0x1  }
.Ltmp15:
0x13e: {  	_ = 	snop;
	(pc) =	sbr.rel @!p4 .LBB2_19-.Ltmp15, $1  }
0x13f: {  	_ =	sdelay $0x3  }
.Ltmp16:
0x140: {  	(pc) =	sbr.rel @p3 .LBB2_28-.Ltmp16, $1  }
0x141: {  	_ =	sdelay $0x3  }
0x142: {  	_ = 	snop  }
0x143: {  	_ =	swait.ge [sflag:s13], $0x6000  }
0x144: {  	s6 =	sshll.u32 s6, $0x9;
	[sflag:s13] =	ssyncset.done $0x0  }
0x145: {  	s6 =	sshra.s32 s6, $0x2;
	[sflag:s13] =	ssyncadd.s32 $0xFFFFA000  }
0x146: {  	v8 =	vld.idx.msk [tilespmem:v0+s6+$0x0 ss:$0x1], $0xffff;
	_ =	sdelay $0x4  }
0x147: {  	v9 =	vshrl.u32 v8, $0x3  }
0x148: {  	v9 =	vmul.u32 $0x18, v9  }
0x149: {  	v8 =	vand.u32 $0x7, v8  }
0x14a: {  	v8 =	vor.u32 v8, v9  }
0x14b: {  	v9 =	vperm.xlane v8, v4;
	_ =	sdelay $0x1  }
0x14c: {  	v9 =	vadd.s32 v5, v9;
	_ =	sdelay $0x1  }
0x14d: {  	v8 =	vperm.xlane v8, v6;
	_ =	sdelay $0x1  }
0x14e: {  	v8 =	vadd.s32 v5, v8  }
0x14f: {  	[tilespmem:s23], [sflag:$0x1] =	stream.indirect_vreg.gather [hbm4b:s1+s4], $0x80, v9, vm0, $0xb8;
	[tilespmem:$0x13A00] =	vst v63  }
0x150: {  	s14 =	simm.s32 $0x1C00  }
0x151: {  	[tilespmem:s14], [sflag:$0x1] =	stream.indirect_vreg.gather [hbm4b:s12+s4], $0x80, v9, vm1, $0xb8;
	[tilespmem:$0x13A00] =	vst v63  }
0x152: {  	s15 =	simm.s32 $0x2000  }
0x153: {  	[tilespmem:s15], [sflag:$0x1] =	stream.indirect_vreg.gather [hbm4b:s1+s4], $0x80, v8, vm0, $0xb8;
	[tilespmem:$0x13A00] =	vst v63  }
0x154: {  	s30 =	simm.s32 $0x2800  }
0x155: {  	[tilespmem:s30], [sflag:$0x1] =	stream.indirect_vreg.gather [hbm4b:s12+s4], $0x80, v8, vm1, $0xb8;
	[tilespmem:$0x13A00] =	vst v63  }
0x156: {  	v8 =	vld.idx.msk [tilespmem:v0+s6+$0x10 ss:$0x1], $0xffff;
	_ =	sdelay $0x4  }
0x157: {  	v61 =	vshrl.u32 v8, $0x3  }
0x158: {  	v9 =	vmul.u32 $0x18, v61  }
0x159: {  	v8 =	vand.u32 $0x7, v8  }
0x15a: {  	v8 =	vor.u32 v8, v9  }
0x15b: {  	v9 =	vperm.xlane v8, v4;
	_ =	sdelay $0x1  }
0x15c: {  	v9 =	vadd.s32 v5, v9;
	_ =	sdelay $0x1  }
0x15d: {  	v8 =	vperm.xlane v8, v6;
	_ =	sdelay $0x1  }
0x15e: {  	s15 =	simm.s32 $0x2C00;
	v8 =	vadd.s32 v5, v8  }
0x15f: {  	[tilespmem:s15], [sflag:$0x1] =	stream.indirect_vreg.gather [hbm4b:s1+s4], $0x80, v9, vm0, $0xb8;
	[tilespmem:$0x13A00] =	vst v63  }
0x160: {  	s30 =	simm.s32 $0x3400  }
0x161: {  	[tilespmem:s30], [sflag:$0x1] =	stream.indirect_vreg.gather [hbm4b:s12+s4], $0x80, v9, vm1, $0xb8;
	[tilespmem:$0x13A00] =	vst v63  }
0x162: {  	s15 =	simm.s32 $0x3800  }
0x163: {  	[tilespmem:s15], [sflag:$0x1] =	stream.indirect_vreg.gather [hbm4b:s1+s4], $0x80, v8, vm0, $0xb8;
	[tilespmem:$0x13A00] =	vst v63  }
0x164: {  	s30 =	simm.s32 $0x4000  }
0x165: {  	[tilespmem:s30], [sflag:$0x1] =	stream.indirect_vreg.gather [hbm4b:s12+s4], $0x80, v8, vm1, $0xb8;
	[tilespmem:$0x13A00] =	vst v63  }
0x166: {  	v8 =	vld.idx.msk [tilespmem:v0+s6+$0x20 ss:$0x1], $0xffff;
	_ =	sdelay $0x4  }
0x167: {  	v62 =	vshrl.u32 v8, $0x3  }
0x168: {  	v9 =	vmul.u32 $0x18, v62  }
0x169: {  	v8 =	vand.u32 $0x7, v8  }
0x16a: {  	v8 =	vor.u32 v8, v9  }
0x16b: {  	v9 =	vperm.xlane v8, v4;
	_ =	sdelay $0x1  }
0x16c: {  	v9 =	vadd.s32 v5, v9;
	_ =	sdelay $0x1  }
0x16d: {  	v8 =	vperm.xlane v8, v6;
	_ =	sdelay $0x1  }
0x16e: {  	s15 =	simm.s32 $0x4400;
	v8 =	vadd.s32 v5, v8  }
0x16f: {  	[tilespmem:s15], [sflag:$0x1] =	stream.indirect_vreg.gather [hbm4b:s1+s4], $0x80, v9, vm0, $0xb8;
	[tilespmem:$0x13A00] =	vst v63  }
0x170: {  	s30 =	simm.s32 $0x4C00  }
0x171: {  	[tilespmem:s30], [sflag:$0x1] =	stream.indirect_vreg.gather [hbm4b:s12+s4], $0x80, v9, vm1, $0xb8;
	[tilespmem:$0x13A00] =	vst v63  }
0x172: {  	s15 =	simm.s32 $0x5000  }
0x173: {  	[tilespmem:s15], [sflag:$0x1] =	stream.indirect_vreg.gather [hbm4b:s1+s4], $0x80, v8, vm0, $0xb8;
	[tilespmem:$0x13A00] =	vst v63  }
0x174: {  	s30 =	simm.s32 $0x5800  }
0x175: {  	[tilespmem:s30], [sflag:$0x1] =	stream.indirect_vreg.gather [hbm4b:s12+s4], $0x80, v8, vm1, $0xb8;
	[tilespmem:$0x13A00] =	vst v63  }
0x176: {  	v8 =	vld.idx.msk [tilespmem:v0+s6+$0x30 ss:$0x1], $0xffff;
	_ =	sdelay $0x4  }
0x177: {  	v63 =	vshrl.u32 v8, $0x3  }
0x178: {  	v9 =	vmul.u32 $0x18, v63  }
0x179: {  	v8 =	vand.u32 $0x7, v8  }
0x17a: {  	v8 =	vor.u32 v8, v9  }
0x17b: {  	v9 =	vperm.xlane v8, v4;
	_ =	sdelay $0x1  }
0x17c: {  	v9 =	vadd.s32 v5, v9;
	_ =	sdelay $0x1  }
0x17d: {  	v8 =	vperm.xlane v8, v6;
	_ =	sdelay $0x1  }
0x17e: {  	s15 =	simm.s32 $0x5C00;
	v8 =	vadd.s32 v5, v8  }
0x17f: {  	[tilespmem:s15], [sflag:$0x1] =	stream.indirect_vreg.gather [hbm4b:s1+s4], $0x80, v9, vm0, $0xb8;
	[tilespmem:$0x13A00] =	vst v63  }
0x180: {  	s30 =	simm.s32 $0x6400  }
0x181: {  	[tilespmem:s30], [sflag:$0x1] =	stream.indirect_vreg.gather [hbm4b:s12+s4], $0x80, v9, vm1, $0xb8;
	[tilespmem:$0x13A00] =	vst v63  }
0x182: {  	_ = 	snop  }
0x183: {  	[tilespmem:s16], [sflag:$0x1] =	stream.indirect_vreg.gather [hbm4b:s1+s4], $0x80, v8, vm0, $0xb8;
	[tilespmem:$0x13A00] =	vst v63  }
0x184: {  	_ = 	snop  }
0x185: {  	[tilespmem:s5], [sflag:$0x1] =	stream.indirect_vreg.gather [hbm4b:s12+s4], $0x80, v8, vm1, $0xb8;
	[tilespmem:$0x13A00] =	vst v63  }
.LBB2_28:
0x186: {  	p3 =	sgt.s32 s3, $0x3F  }
.Ltmp17:
0x187: {  	_ = 	snop;
	(pc) =	sbr.rel @p3 .LBB2_32-.Ltmp17, $4  }
0x188: {  	_ = 	snop  }
0x189: {  	_ =	swait.ge [sflag:s20], $0x6000  }
0x18a: {  	[sflag:s20] =	ssyncset.done $0x0  }
0x18b: {  	[sflag:s20] =	ssyncadd.s32 $0xFFFFA000  }
0x18c: {  	s6 =	sadd.s32 $0x1, s29  }
0x18d: {  	s3 =	sshrl.u32 s6, $0x3  }
0x18e: {  	s3 =	smul.u32 $0x3000, s3;
	_ =	sdelay $0x1  }
0x18f: {  	s14 =	sand.u32 $0x380, s17;
	s3 =	sshra.s32 s3, $0x2  }
0x190: {  	s3 =	sor.u32 s14, s3  }
0x191: {  	[tilespmem:s3+$0x7C70] =	vst v7  }
0x192: {  	[tilespmem:s3+$0x7400] =	vst v7  }
0x193: {  	[tilespmem:s3+$0x7410] =	vst v7  }
0x194: {  	[tilespmem:s3+$0x7420] =	vst v7  }
0x195: {  	[tilespmem:s3+$0x7430] =	vst v7  }
0x196: {  	[tilespmem:s3+$0x7440] =	vst v7  }
0x197: {  	[tilespmem:s3+$0x7450] =	vst v7  }
0x198: {  	[tilespmem:s3+$0x7460] =	vst v7  }
0x199: {  	[tilespmem:s3+$0x7470] =	vst v7  }
0x19a: {  	[tilespmem:s3+$0x7800] =	vst v7  }
0x19b: {  	[tilespmem:s3+$0x7810] =	vst v7  }
0x19c: {  	[tilespmem:s3+$0x7820] =	vst v7  }
0x19d: {  	p3 =	slt.s32 s6, $0x3F;
	[tilespmem:s3+$0x7830] =	vst v7  }
.Ltmp18:
0x19e: {  	[tilespmem:s3+$0x7840] =	vst v7;
	(pc) =	sbr.rel @!p3 .LBB2_31-.Ltmp18, $4  }
0x19f: {  	[tilespmem:s3+$0x7850] =	vst v7  }
0x1a0: {  	[tilespmem:s3+$0x7860] =	vst v7  }
0x1a1: {  	[tilespmem:s3+$0x7870] =	vst v7  }
0x1a2: {  	s30 =	smov.u32 s17;
	[tilespmem:s3+$0x7C00] =	vst v7  }
.LBB2_30:
0x1a3: {  	s6 =	sadd.s32 $0x1, s6;
	[tilespmem:s3+$0x7C10] =	vst v7  }
0x1a4: {  	s14 =	sshrl.u32 s6, $0x3;
	p3 =	slt.s32 s6, $0x3F;
	[tilespmem:s3+$0x7C20] =	vst v7  }
0x1a5: {  	s14 =	smul.u32 $0x3000, s14;
	[tilespmem:s3+$0x7C30] =	vst v7  }
0x1a6: {  	s30 =	sadd.s32 $0x80, s30;
	[tilespmem:s3+$0x7C40] =	vst v7  }
0x1a7: {  	s15 =	sand.u32 $0x380, s30;
	s14 =	sshra.s32 s14, $0x2;
	[tilespmem:s3+$0x7C50] =	vst v7  }
0x1a8: {  	[tilespmem:s3+$0x7C60] =	vst v7;
	s3 =	sor.u32 s15, s14  }
0x1a9: {  	[tilespmem:s3+$0x7C70] =	vst v7  }
0x1aa: {  	[tilespmem:s3+$0x7400] =	vst v7  }
0x1ab: {  	[tilespmem:s3+$0x7410] =	vst v7  }
0x1ac: {  	[tilespmem:s3+$0x7420] =	vst v7  }
0x1ad: {  	[tilespmem:s3+$0x7430] =	vst v7  }
0x1ae: {  	[tilespmem:s3+$0x7440] =	vst v7  }
0x1af: {  	[tilespmem:s3+$0x7450] =	vst v7  }
0x1b0: {  	[tilespmem:s3+$0x7460] =	vst v7  }
0x1b1: {  	[tilespmem:s3+$0x7470] =	vst v7  }
0x1b2: {  	[tilespmem:s3+$0x7800] =	vst v7  }
0x1b3: {  	[tilespmem:s3+$0x7810] =	vst v7  }
0x1b4: {  	[tilespmem:s3+$0x7820] =	vst v7  }
0x1b5: {  	[tilespmem:s3+$0x7830] =	vst v7  }
.Ltmp19:
0x1b6: {  	[tilespmem:s3+$0x7840] =	vst v7;
	(pc) =	sbr.rel @p3 .LBB2_30-.Ltmp19, $4  }
0x1b7: {  	[tilespmem:s3+$0x7850] =	vst v7  }
0x1b8: {  	[tilespmem:s3+$0x7860] =	vst v7  }
0x1b9: {  	[tilespmem:s3+$0x7870] =	vst v7  }
0x1ba: {  	[tilespmem:s3+$0x7C00] =	vst v7  }
.Ltmp20:
0x1bb: {  	_ = 	snop;
	(pc) =	sbr.rel .LBB2_31-.Ltmp20, $1  }
0x1bc: {  	_ =	sdelay $0x3  }
.LBB2_33:
.Ltmp21:
0x1bd: {  	(pc) =	sbr.rel @p3 .LBB2_35-.Ltmp21, $1  }
0x1be: {  	_ =	sdelay $0x3  }
0x1bf: {  	p3 =	seq.s32 s31, $0x0  }
0x1c0: {  	s14 =	simm.s32 @!p3 $0x5  }
0x1c1: {  	_ =	swait.ge @!p3 [sflag:s14], $0x6000  }
0x1c2: {  	s6 =	sshll.u32 s6, $0x9;
	[sflag:s14] =	ssyncset.done @!p3 $0x0  }
0x1c3: {  	s6 =	sshra.s32 s6, $0x2;
	[sflag:s14] =	ssyncadd.s32 @!p3 $0xFFFFA000  }
0x1c4: {  	v8 =	vld.idx.msk [tilespmem:v0+s6+$0x0 ss:$0x1], $0xffff;
	_ =	sdelay $0x4  }
0x1c5: {  	v9 =	vshrl.u32 v8, $0x3  }
0x1c6: {  	v9 =	vmul.u32 $0x18, v9  }
0x1c7: {  	v8 =	vand.u32 $0x7, v8  }
0x1c8: {  	v8 =	vor.u32 v8, v9  }
0x1c9: {  	v9 =	vperm.xlane v8, v4;
	_ =	sdelay $0x1  }
0x1ca: {  	v9 =	vadd.s32 v5, v9;
	_ =	sdelay $0x1  }
0x1cb: {  	v8 =	vperm.xlane v8, v6;
	_ =	sdelay $0x1  }
0x1cc: {  	v8 =	vadd.s32 v5, v8  }
0x1cd: {  	[tilespmem:s7], [sflag:$0x2] =	stream.indirect_vreg.gather [hbm4b:s1+s4], $0x80, v9, vm0, $0xb8;
	[tilespmem:$0x13A00] =	vst v63  }
0x1ce: {  	s15 =	simm.s32 $0x7C00  }
0x1cf: {  	[tilespmem:s15], [sflag:$0x2] =	stream.indirect_vreg.gather [hbm4b:s12+s4], $0x80, v9, vm1, $0xb8;
	[tilespmem:$0x13A00] =	vst v63  }
0x1d0: {  	s30 =	simm.s32 $0x8000  }
0x1d1: {  	[tilespmem:s30], [sflag:$0x2] =	stream.indirect_vreg.gather [hbm4b:s1+s4], $0x80, v8, vm0, $0xb8;
	[tilespmem:$0x13A00] =	vst v63  }
0x1d2: {  	s15 =	simm.s32 $0x8800  }
0x1d3: {  	[tilespmem:s15], [sflag:$0x2] =	stream.indirect_vreg.gather [hbm4b:s12+s4], $0x80, v8, vm1, $0xb8;
	[tilespmem:$0x13A00] =	vst v63  }
0x1d4: {  	v8 =	vld.idx.msk [tilespmem:v0+s6+$0x10 ss:$0x1], $0xffff;
	_ =	sdelay $0x4  }
0x1d5: {  	v61 =	vshrl.u32 v8, $0x3  }
0x1d6: {  	v9 =	vmul.u32 $0x18, v61  }
0x1d7: {  	v8 =	vand.u32 $0x7, v8  }
0x1d8: {  	v8 =	vor.u32 v8, v9  }
0x1d9: {  	v9 =	vperm.xlane v8, v4;
	_ =	sdelay $0x1  }
0x1da: {  	v9 =	vadd.s32 v5, v9;
	_ =	sdelay $0x1  }
0x1db: {  	v8 =	vperm.xlane v8, v6;
	_ =	sdelay $0x1  }
0x1dc: {  	s30 =	simm.s32 $0x8C00;
	v8 =	vadd.s32 v5, v8  }
0x1dd: {  	[tilespmem:s30], [sflag:$0x2] =	stream.indirect_vreg.gather [hbm4b:s1+s4], $0x80, v9, vm0, $0xb8;
	[tilespmem:$0x13A00] =	vst v63  }
0x1de: {  	s15 =	simm.s32 $0x9400  }
0x1df: {  	[tilespmem:s15], [sflag:$0x2] =	stream.indirect_vreg.gather [hbm4b:s12+s4], $0x80, v9, vm1, $0xb8;
	[tilespmem:$0x13A00] =	vst v63  }
0x1e0: {  	s30 =	simm.s32 $0x9800  }
0x1e1: {  	[tilespmem:s30], [sflag:$0x2] =	stream.indirect_vreg.gather [hbm4b:s1+s4], $0x80, v8, vm0, $0xb8;
	[tilespmem:$0x13A00] =	vst v63  }
0x1e2: {  	s15 =	simm.s32 $0xA000  }
0x1e3: {  	[tilespmem:s15], [sflag:$0x2] =	stream.indirect_vreg.gather [hbm4b:s12+s4], $0x80, v8, vm1, $0xb8;
	[tilespmem:$0x13A00] =	vst v63  }
0x1e4: {  	v8 =	vld.idx.msk [tilespmem:v0+s6+$0x20 ss:$0x1], $0xffff;
	_ =	sdelay $0x4  }
0x1e5: {  	v62 =	vshrl.u32 v8, $0x3  }
0x1e6: {  	v9 =	vmul.u32 $0x18, v62  }
0x1e7: {  	v8 =	vand.u32 $0x7, v8  }
0x1e8: {  	v8 =	vor.u32 v8, v9  }
0x1e9: {  	v9 =	vperm.xlane v8, v4;
	_ =	sdelay $0x1  }
0x1ea: {  	v9 =	vadd.s32 v5, v9;
	_ =	sdelay $0x1  }
0x1eb: {  	v8 =	vperm.xlane v8, v6;
	_ =	sdelay $0x1  }
0x1ec: {  	s30 =	simm.s32 $0xA400;
	v8 =	vadd.s32 v5, v8  }
0x1ed: {  	[tilespmem:s30], [sflag:$0x2] =	stream.indirect_vreg.gather [hbm4b:s1+s4], $0x80, v9, vm0, $0xb8;
	[tilespmem:$0x13A00] =	vst v63  }
0x1ee: {  	s15 =	simm.s32 $0xAC00  }
0x1ef: {  	[tilespmem:s15], [sflag:$0x2] =	stream.indirect_vreg.gather [hbm4b:s12+s4], $0x80, v9, vm1, $0xb8;
	[tilespmem:$0x13A00] =	vst v63  }
0x1f0: {  	s30 =	simm.s32 $0xB000  }
0x1f1: {  	[tilespmem:s30], [sflag:$0x2] =	stream.indirect_vreg.gather [hbm4b:s1+s4], $0x80, v8, vm0, $0xb8;
	[tilespmem:$0x13A00] =	vst v63  }
0x1f2: {  	s15 =	simm.s32 $0xB800  }
0x1f3: {  	[tilespmem:s15], [sflag:$0x2] =	stream.indirect_vreg.gather [hbm4b:s12+s4], $0x80, v8, vm1, $0xb8;
	[tilespmem:$0x13A00] =	vst v63  }
0x1f4: {  	v8 =	vld.idx.msk [tilespmem:v0+s6+$0x30 ss:$0x1], $0xffff;
	_ =	sdelay $0x4  }
0x1f5: {  	v63 =	vshrl.u32 v8, $0x3  }
0x1f6: {  	v9 =	vmul.u32 $0x18, v63  }
0x1f7: {  	v8 =	vand.u32 $0x7, v8  }
0x1f8: {  	v8 =	vor.u32 v8, v9  }
0x1f9: {  	v9 =	vperm.xlane v8, v4;
	_ =	sdelay $0x1  }
0x1fa: {  	v9 =	vadd.s32 v5, v9;
	_ =	sdelay $0x1  }
0x1fb: {  	v8 =	vperm.xlane v8, v6;
	_ =	sdelay $0x1  }
0x1fc: {  	s30 =	simm.s32 $0xBC00;
	v8 =	vadd.s32 v5, v8  }
0x1fd: {  	[tilespmem:s30], [sflag:$0x2] =	stream.indirect_vreg.gather [hbm4b:s1+s4], $0x80, v9, vm0, $0xb8;
	[tilespmem:$0x13A00] =	vst v63  }
0x1fe: {  	s14 =	simm.s32 $0xC400  }
0x1ff: {  	[tilespmem:s14], [sflag:$0x2] =	stream.indirect_vreg.gather [hbm4b:s12+s4], $0x80, v9, vm1, $0xb8;
	[tilespmem:$0x13A00] =	vst v63  }
0x200: {  	s15 =	simm.s32 $0xC800  }
0x201: {  	[tilespmem:s15], [sflag:$0x2] =	stream.indirect_vreg.gather [hbm4b:s1+s4], $0x80, v8, vm0, $0xb8;
	[tilespmem:$0x13A00] =	vst v63  }
0x202: {  	s30 =	simm.s32 $0xD000  }
0x203: {  	[tilespmem:s30], [sflag:$0x2] =	stream.indirect_vreg.gather [hbm4b:s12+s4], $0x80, v8, vm1, $0xb8;
	[tilespmem:$0x13A00] =	vst v63  }
.LBB2_35:
0x204: {  	p3 =	sgt.s32 s3, $0x3F  }
.Ltmp22:
0x205: {  	_ = 	snop;
	(pc) =	sbr.rel @p3 .LBB2_39-.Ltmp22, $4  }
0x206: {  	_ = 	snop  }
0x207: {  	_ =	swait.ge [sflag:s9], $0x6000  }
0x208: {  	[sflag:s9] =	ssyncset.done $0x0  }
0x209: {  	[sflag:s9] =	ssyncadd.s32 $0xFFFFA000  }
0x20a: {  	s6 =	sadd.s32 $0x1, s29  }
0x20b: {  	s3 =	sshrl.u32 s6, $0x3  }
0x20c: {  	s3 =	smul.u32 $0x3000, s3;
	_ =	sdelay $0x1  }
0x20d: {  	s14 =	sand.u32 $0x380, s17;
	s3 =	sshra.s32 s3, $0x2  }
0x20e: {  	s3 =	sor.u32 s14, s3  }
0x20f: {  	[tilespmem:s3+$0xDC70] =	vst v7  }
0x210: {  	[tilespmem:s3+$0xD400] =	vst v7  }
0x211: {  	[tilespmem:s3+$0xD410] =	vst v7  }
0x212: {  	[tilespmem:s3+$0xD420] =	vst v7  }
0x213: {  	[tilespmem:s3+$0xD430] =	vst v7  }
0x214: {  	[tilespmem:s3+$0xD440] =	vst v7  }
0x215: {  	[tilespmem:s3+$0xD450] =	vst v7  }
0x216: {  	[tilespmem:s3+$0xD460] =	vst v7  }
0x217: {  	[tilespmem:s3+$0xD470] =	vst v7  }
0x218: {  	[tilespmem:s3+$0xD800] =	vst v7  }
0x219: {  	[tilespmem:s3+$0xD810] =	vst v7  }
0x21a: {  	[tilespmem:s3+$0xD820] =	vst v7  }
0x21b: {  	p3 =	slt.s32 s6, $0x3F;
	[tilespmem:s3+$0xD830] =	vst v7  }
.Ltmp23:
0x21c: {  	[tilespmem:s3+$0xD840] =	vst v7;
	(pc) =	sbr.rel @!p3 .LBB2_38-.Ltmp23, $4  }
0x21d: {  	[tilespmem:s3+$0xD850] =	vst v7  }
0x21e: {  	[tilespmem:s3+$0xD860] =	vst v7  }
0x21f: {  	[tilespmem:s3+$0xD870] =	vst v7  }
0x220: {  	s30 =	smov.u32 s17;
	[tilespmem:s3+$0xDC00] =	vst v7  }
.LBB2_37:
0x221: {  	s6 =	sadd.s32 $0x1, s6;
	[tilespmem:s3+$0xDC10] =	vst v7  }
0x222: {  	s14 =	sshrl.u32 s6, $0x3;
	p3 =	slt.s32 s6, $0x3F;
	[tilespmem:s3+$0xDC20] =	vst v7  }
0x223: {  	s14 =	smul.u32 $0x3000, s14;
	[tilespmem:s3+$0xDC30] =	vst v7  }
0x224: {  	s30 =	sadd.s32 $0x80, s30;
	[tilespmem:s3+$0xDC40] =	vst v7  }
0x225: {  	s15 =	sand.u32 $0x380, s30;
	s14 =	sshra.s32 s14, $0x2;
	[tilespmem:s3+$0xDC50] =	vst v7  }
0x226: {  	[tilespmem:s3+$0xDC60] =	vst v7;
	s3 =	sor.u32 s15, s14  }
0x227: {  	[tilespmem:s3+$0xDC70] =	vst v7  }
0x228: {  	[tilespmem:s3+$0xD400] =	vst v7  }
0x229: {  	[tilespmem:s3+$0xD410] =	vst v7  }
0x22a: {  	[tilespmem:s3+$0xD420] =	vst v7  }
0x22b: {  	[tilespmem:s3+$0xD430] =	vst v7  }
0x22c: {  	[tilespmem:s3+$0xD440] =	vst v7  }
0x22d: {  	[tilespmem:s3+$0xD450] =	vst v7  }
0x22e: {  	[tilespmem:s3+$0xD460] =	vst v7  }
0x22f: {  	[tilespmem:s3+$0xD470] =	vst v7  }
0x230: {  	[tilespmem:s3+$0xD800] =	vst v7  }
0x231: {  	[tilespmem:s3+$0xD810] =	vst v7  }
0x232: {  	[tilespmem:s3+$0xD820] =	vst v7  }
0x233: {  	[tilespmem:s3+$0xD830] =	vst v7  }
.Ltmp24:
0x234: {  	[tilespmem:s3+$0xD840] =	vst v7;
	(pc) =	sbr.rel @p3 .LBB2_37-.Ltmp24, $4  }
0x235: {  	[tilespmem:s3+$0xD850] =	vst v7  }
0x236: {  	[tilespmem:s3+$0xD860] =	vst v7  }
0x237: {  	[tilespmem:s3+$0xD870] =	vst v7  }
0x238: {  	[tilespmem:s3+$0xDC00] =	vst v7  }
.LBB2_38:
0x239: {  	[tilespmem:s3+$0xDC10] =	vst v7  }
0x23a: {  	[tilespmem:s3+$0xDC20] =	vst v7  }
0x23b: {  	[tilespmem:s3+$0xDC30] =	vst v7  }
0x23c: {  	[tilespmem:s3+$0xDC40] =	vst v7  }
0x23d: {  	[tilespmem:s3+$0xDC50] =	vst v7  }
0x23e: {  	[tilespmem:s3+$0xDC60] =	vst v7  }
.LBB2_39:
0x23f: {  	s0 =	sshrl.u32 s0, $0x3  }
0x240: {  	s0 =	smul.u32 $0xC00, s0  }
.Ltmp25:
0x241: {  	_ = 	snop;
	(pc) =	sbr.rel .LBB2_40-.Ltmp25, $4  }
0x242: {  	s0 =	sadd.s32 s8, s0  }
0x243: {  	s0 =	sshrl.u32 s0, $0x3  }
0x244: {  	s0 =	sadd.s32 s2, s0  }
0x245: {  	[hbm4b:s0+s4] =	stream.linear.scatter [tilespmem:s10], [sflag:$0x6], $0x6000, $0x38;
	[tilespmem:$0x13A00] =	vst v63  }
.LBB2_19:
.Ltmp26:
0x246: {  	(pc) =	sbr.rel @p3 .LBB2_21-.Ltmp26, $1  }
0x247: {  	_ =	sdelay $0x3  }
0x248: {  	p3 =	seq.s32 s31, $0x0  }
0x249: {  	s30 =	simm.s32 @!p3 $0x6  }
0x24a: {  	_ =	swait.ge @!p3 [sflag:s30], $0x6000  }
0x24b: {  	s6 =	sshll.u32 s6, $0x9;
	[sflag:s30] =	ssyncset.done @!p3 $0x0  }
0x24c: {  	s6 =	sshra.s32 s6, $0x2;
	[sflag:s30] =	ssyncadd.s32 @!p3 $0xFFFFA000  }
0x24d: {  	v8 =	vld.idx.msk [tilespmem:v0+s6+$0x0 ss:$0x1], $0xffff;
	_ =	sdelay $0x4  }
0x24e: {  	v9 =	vshrl.u32 v8, $0x3  }
0x24f: {  	v9 =	vmul.u32 $0x18, v9  }
0x250: {  	v8 =	vand.u32 $0x7, v8  }
0x251: {  	v8 =	vor.u32 v8, v9  }
0x252: {  	v9 =	vperm.xlane v8, v4;
	_ =	sdelay $0x1  }
0x253: {  	v9 =	vadd.s32 v5, v9;
	_ =	sdelay $0x1  }
0x254: {  	v8 =	vperm.xlane v8, v6;
	_ =	sdelay $0x1  }
0x255: {  	v8 =	vadd.s32 v5, v8  }
0x256: {  	[tilespmem:s10], [sflag:$0x3] =	stream.indirect_vreg.gather [hbm4b:s1+s4], $0x80, v9, vm0, $0xb8;
	[tilespmem:$0x13A00] =	vst v63  }
0x257: {  	s14 =	simm.s32 $0xDC00  }
0x258: {  	[tilespmem:s14], [sflag:$0x3] =	stream.indirect_vreg.gather [hbm4b:s12+s4], $0x80, v9, vm1, $0xb8;
	[tilespmem:$0x13A00] =	vst v63  }
0x259: {  	s30 =	simm.s32 $0xE000  }
0x25a: {  	[tilespmem:s30], [sflag:$0x3] =	stream.indirect_vreg.gather [hbm4b:s1+s4], $0x80, v8, vm0, $0xb8;
	[tilespmem:$0x13A00] =	vst v63  }
0x25b: {  	s15 =	simm.s32 $0xE800  }
0x25c: {  	[tilespmem:s15], [sflag:$0x3] =	stream.indirect_vreg.gather [hbm4b:s12+s4], $0x80, v8, vm1, $0xb8;
	[tilespmem:$0x13A00] =	vst v63  }
0x25d: {  	v8 =	vld.idx.msk [tilespmem:v0+s6+$0x10 ss:$0x1], $0xffff;
	_ =	sdelay $0x4  }
0x25e: {  	v61 =	vshrl.u32 v8, $0x3  }
0x25f: {  	v9 =	vmul.u32 $0x18, v61  }
0x260: {  	v8 =	vand.u32 $0x7, v8  }
0x261: {  	v8 =	vor.u32 v8, v9  }
0x262: {  	v9 =	vperm.xlane v8, v4;
	_ =	sdelay $0x1  }
0x263: {  	v9 =	vadd.s32 v5, v9;
	_ =	sdelay $0x1  }
0x264: {  	v8 =	vperm.xlane v8, v6;
	_ =	sdelay $0x1  }
0x265: {  	s30 =	simm.s32 $0xEC00;
	v8 =	vadd.s32 v5, v8  }
0x266: {  	[tilespmem:s30], [sflag:$0x3] =	stream.indirect_vreg.gather [hbm4b:s1+s4], $0x80, v9, vm0, $0xb8;
	[tilespmem:$0x13A00] =	vst v63  }
0x267: {  	s15 =	simm.s32 $0xF400  }
0x268: {  	[tilespmem:s15], [sflag:$0x3] =	stream.indirect_vreg.gather [hbm4b:s12+s4], $0x80, v9, vm1, $0xb8;
	[tilespmem:$0x13A00] =	vst v63  }
0x269: {  	s30 =	simm.s32 $0xF800  }
0x26a: {  	[tilespmem:s30], [sflag:$0x3] =	stream.indirect_vreg.gather [hbm4b:s1+s4], $0x80, v8, vm0, $0xb8;
	[tilespmem:$0x13A00] =	vst v63  }
0x26b: {  	s15 =	simm.s32 $0x10000  }
0x26c: {  	[tilespmem:s15], [sflag:$0x3] =	stream.indirect_vreg.gather [hbm4b:s12+s4], $0x80, v8, vm1, $0xb8;
	[tilespmem:$0x13A00] =	vst v63  }
0x26d: {  	v8 =	vld.idx.msk [tilespmem:v0+s6+$0x20 ss:$0x1], $0xffff;
	_ =	sdelay $0x4  }
0x26e: {  	v62 =	vshrl.u32 v8, $0x3  }
0x26f: {  	v9 =	vmul.u32 $0x18, v62  }
0x270: {  	v8 =	vand.u32 $0x7, v8  }
0x271: {  	v8 =	vor.u32 v8, v9  }
0x272: {  	v9 =	vperm.xlane v8, v4;
	_ =	sdelay $0x1  }
0x273: {  	v9 =	vadd.s32 v5, v9;
	_ =	sdelay $0x1  }
0x274: {  	v8 =	vperm.xlane v8, v6;
	_ =	sdelay $0x1  }
0x275: {  	s30 =	simm.s32 $0x10400;
	v8 =	vadd.s32 v5, v8  }
0x276: {  	[tilespmem:s30], [sflag:$0x3] =	stream.indirect_vreg.gather [hbm4b:s1+s4], $0x80, v9, vm0, $0xb8;
	[tilespmem:$0x13A00] =	vst v63  }
0x277: {  	s15 =	simm.s32 $0x10C00  }
0x278: {  	[tilespmem:s15], [sflag:$0x3] =	stream.indirect_vreg.gather [hbm4b:s12+s4], $0x80, v9, vm1, $0xb8;
	[tilespmem:$0x13A00] =	vst v63  }
0x279: {  	s30 =	simm.s32 $0x11000  }
0x27a: {  	[tilespmem:s30], [sflag:$0x3] =	stream.indirect_vreg.gather [hbm4b:s1+s4], $0x80, v8, vm0, $0xb8;
	[tilespmem:$0x13A00] =	vst v63  }
0x27b: {  	s15 =	simm.s32 $0x11800  }
0x27c: {  	[tilespmem:s15], [sflag:$0x3] =	stream.indirect_vreg.gather [hbm4b:s12+s4], $0x80, v8, vm1, $0xb8;
	[tilespmem:$0x13A00] =	vst v63  }
0x27d: {  	v8 =	vld.idx.msk [tilespmem:v0+s6+$0x30 ss:$0x1], $0xffff;
	_ =	sdelay $0x4  }
0x27e: {  	v63 =	vshrl.u32 v8, $0x3  }
0x27f: {  	v9 =	vmul.u32 $0x18, v63  }
0x280: {  	v8 =	vand.u32 $0x7, v8  }
0x281: {  	v8 =	vor.u32 v8, v9  }
0x282: {  	v9 =	vperm.xlane v8, v4;
	_ =	sdelay $0x1  }
0x283: {  	v9 =	vadd.s32 v5, v9;
	_ =	sdelay $0x1  }
0x284: {  	v8 =	vperm.xlane v8, v6;
	_ =	sdelay $0x1  }
0x285: {  	s30 =	simm.s32 $0x11C00;
	v8 =	vadd.s32 v5, v8  }
0x286: {  	[tilespmem:s30], [sflag:$0x3] =	stream.indirect_vreg.gather [hbm4b:s1+s4], $0x80, v9, vm0, $0xb8;
	[tilespmem:$0x13A00] =	vst v63  }
0x287: {  	s14 =	simm.s32 $0x12400  }
0x288: {  	[tilespmem:s14], [sflag:$0x3] =	stream.indirect_vreg.gather [hbm4b:s12+s4], $0x80, v9, vm1, $0xb8;
	[tilespmem:$0x13A00] =	vst v63  }
0x289: {  	s15 =	simm.s32 $0x12800  }
0x28a: {  	[tilespmem:s15], [sflag:$0x3] =	stream.indirect_vreg.gather [hbm4b:s1+s4], $0x80, v8, vm0, $0xb8;
	[tilespmem:$0x13A00] =	vst v63  }
0x28b: {  	s30 =	simm.s32 $0x13000  }
0x28c: {  	[tilespmem:s30], [sflag:$0x3] =	stream.indirect_vreg.gather [hbm4b:s12+s4], $0x80, v8, vm1, $0xb8;
	[tilespmem:$0x13A00] =	vst v63  }
.LBB2_21:
0x28d: {  	p3 =	sgt.s32 s3, $0x3F  }
.Ltmp27:
0x28e: {  	_ = 	snop;
	(pc) =	sbr.rel @p3 .LBB2_25-.Ltmp27, $4  }
0x28f: {  	_ = 	snop  }
0x290: {  	_ =	swait.ge [sflag:s21], $0x6000  }
0x291: {  	[sflag:s21] =	ssyncset.done $0x0  }
0x292: {  	[sflag:s21] =	ssyncadd.s32 $0xFFFFA000  }
0x293: {  	s6 =	sadd.s32 $0x1, s29  }
0x294: {  	s3 =	sshrl.u32 s6, $0x3  }
0x295: {  	s3 =	smul.u32 $0x3000, s3;
	_ =	sdelay $0x1  }
0x296: {  	s30 =	sand.u32 $0x380, s17;
	s3 =	sshra.s32 s3, $0x2  }
0x297: {  	s3 =	sor.u32 s30, s3  }
0x298: {  	[tilespmem:s3+$0x1C70] =	vst v7  }
0x299: {  	[tilespmem:s3+$0x1400] =	vst v7  }
0x29a: {  	[tilespmem:s3+$0x1410] =	vst v7  }
0x29b: {  	[tilespmem:s3+$0x1420] =	vst v7  }
0x29c: {  	[tilespmem:s3+$0x1430] =	vst v7  }
0x29d: {  	[tilespmem:s3+$0x1440] =	vst v7  }
0x29e: {  	[tilespmem:s3+$0x1450] =	vst v7  }
0x29f: {  	[tilespmem:s3+$0x1460] =	vst v7  }
0x2a0: {  	[tilespmem:s3+$0x1470] =	vst v7  }
0x2a1: {  	[tilespmem:s3+$0x1800] =	vst v7  }
0x2a2: {  	[tilespmem:s3+$0x1810] =	vst v7  }
0x2a3: {  	[tilespmem:s3+$0x1820] =	vst v7  }
0x2a4: {  	p3 =	slt.s32 s6, $0x3F;
	[tilespmem:s3+$0x1830] =	vst v7  }
.Ltmp28:
0x2a5: {  	[tilespmem:s3+$0x1840] =	vst v7;
	(pc) =	sbr.rel @!p3 .LBB2_24-.Ltmp28, $4  }
0x2a6: {  	[tilespmem:s3+$0x1850] =	vst v7  }
0x2a7: {  	[tilespmem:s3+$0x1860] =	vst v7  }
0x2a8: {  	[tilespmem:s3+$0x1870] =	vst v7  }
0x2a9: {  	s30 =	smov.u32 s17;
	[tilespmem:s3+$0x1C00] =	vst v7  }
.LBB2_23:
0x2aa: {  	s6 =	sadd.s32 $0x1, s6;
	[tilespmem:s3+$0x1C10] =	vst v7  }
0x2ab: {  	s14 =	sshrl.u32 s6, $0x3;
	p3 =	slt.s32 s6, $0x3F;
	[tilespmem:s3+$0x1C20] =	vst v7  }
0x2ac: {  	s14 =	smul.u32 $0x3000, s14;
	[tilespmem:s3+$0x1C30] =	vst v7  }
0x2ad: {  	s30 =	sadd.s32 $0x80, s30;
	[tilespmem:s3+$0x1C40] =	vst v7  }
0x2ae: {  	s15 =	sand.u32 $0x380, s30;
	s14 =	sshra.s32 s14, $0x2;
	[tilespmem:s3+$0x1C50] =	vst v7  }
0x2af: {  	[tilespmem:s3+$0x1C60] =	vst v7;
	s3 =	sor.u32 s15, s14  }
0x2b0: {  	[tilespmem:s3+$0x1C70] =	vst v7  }
0x2b1: {  	[tilespmem:s3+$0x1400] =	vst v7  }
0x2b2: {  	[tilespmem:s3+$0x1410] =	vst v7  }
0x2b3: {  	[tilespmem:s3+$0x1420] =	vst v7  }
0x2b4: {  	[tilespmem:s3+$0x1430] =	vst v7  }
0x2b5: {  	[tilespmem:s3+$0x1440] =	vst v7  }
0x2b6: {  	[tilespmem:s3+$0x1450] =	vst v7  }
0x2b7: {  	[tilespmem:s3+$0x1460] =	vst v7  }
0x2b8: {  	[tilespmem:s3+$0x1470] =	vst v7  }
0x2b9: {  	[tilespmem:s3+$0x1800] =	vst v7  }
0x2ba: {  	[tilespmem:s3+$0x1810] =	vst v7  }
0x2bb: {  	[tilespmem:s3+$0x1820] =	vst v7  }
0x2bc: {  	[tilespmem:s3+$0x1830] =	vst v7  }
.Ltmp29:
0x2bd: {  	[tilespmem:s3+$0x1840] =	vst v7;
	(pc) =	sbr.rel @p3 .LBB2_23-.Ltmp29, $4  }
0x2be: {  	[tilespmem:s3+$0x1850] =	vst v7  }
0x2bf: {  	[tilespmem:s3+$0x1860] =	vst v7  }
0x2c0: {  	[tilespmem:s3+$0x1870] =	vst v7  }
0x2c1: {  	[tilespmem:s3+$0x1C00] =	vst v7  }
.LBB2_24:
0x2c2: {  	[tilespmem:s3+$0x1C10] =	vst v7  }
0x2c3: {  	[tilespmem:s3+$0x1C20] =	vst v7  }
0x2c4: {  	[tilespmem:s3+$0x1C30] =	vst v7  }
0x2c5: {  	[tilespmem:s3+$0x1C40] =	vst v7  }
0x2c6: {  	[tilespmem:s3+$0x1C50] =	vst v7  }
0x2c7: {  	[tilespmem:s3+$0x1C60] =	vst v7  }
.LBB2_25:
0x2c8: {  	s0 =	sshrl.u32 s0, $0x3  }
0x2c9: {  	s0 =	smul.u32 $0xC00, s0  }
.Ltmp30:
0x2ca: {  	_ = 	snop;
	(pc) =	sbr.rel .LBB2_40-.Ltmp30, $4  }
0x2cb: {  	s0 =	sadd.s32 s8, s0  }
0x2cc: {  	s0 =	sshrl.u32 s0, $0x3  }
0x2cd: {  	s0 =	sadd.s32 s2, s0  }
0x2ce: {  	[hbm4b:s0+s4] =	stream.linear.scatter [tilespmem:s23], [sflag:$0x4], $0x6000, $0x38;
	[tilespmem:$0x13A00] =	vst v63  }
.LBB2_41:
0x2cf: {  	_ =	swait.ge [sflag:s13], $0x6000  }
0x2d0: {  	[sflag:s13] =	ssyncset.done $0x0  }
0x2d1: {  	s0 =	simm.s32 @!p2 $0x5;
	[sflag:s13] =	ssyncadd.s32 $0xFFFFA000  }
0x2d2: {  	_ =	swait.ge @!p2 [sflag:s0], $0x6000  }
0x2d3: {  	p3 =	slt.s32 s26, $0x3;
	[sflag:s0] =	ssyncset.done @!p2 $0x0  }
0x2d4: {  	[sflag:s0] =	ssyncadd.s32 @!p2 $0xFFFFA000;
	p2 =	sgt.s32 @!p3 s26, $0x1F  }
0x2d5: {  	p2 =	por p3, !p2  }
.Ltmp31:
0x2d6: {  	_ = 	snop;
	(pc) =	sbr.rel @!p2 .LBB2_45-.Ltmp31, $4  }
0x2d7: {  	s0 =	simm.s32 @!p3 $0x6  }
0x2d8: {  	_ =	swait.ge @!p3 [sflag:s0], $0x6000  }
0x2d9: {  	[sflag:s0] =	ssyncset.done @!p3 $0x0  }
0x2da: {  	[sflag:s0] =	ssyncadd.s32 @!p3 $0xFFFFA000  }
.LBB2_42:
0x2db: {  	s25 =	simm.s32 @!p1 $0x0  }
0x2dc: {  	s0 =	sadd.s32 $0xFFFFFFFF, s25  }
0x2dd: {  	s0 =	sadd.s32 $0x1, s0  }
0x2de: {  	p1 =	slt.u32 s0, $0x1F  }
.Ltmp32:
0x2df: {  	_ = 	snop;
	(pc) =	sbr.rel @!p1 .LBB2_44-.Ltmp32, $3  }
0x2e0: {  	_ =	sdelay $0x1  }
0x2e1: {  	_ =	swait.ge [sflag:s22], $0xC00  }
0x2e2: {  	[sflag:s22] =	ssyncset.done $0x0  }
.LBB2_43:
0x2e3: {  	s0 =	sadd.s32 $0x1, s0  }
0x2e4: {  	[sflag:s22] =	ssyncadd.s32 $0xFFFFF400;
	p1 =	slt.u32 s0, $0x1F  }
.Ltmp33:
0x2e5: {  	(pc) =	sbr.rel @p1 .LBB2_43-.Ltmp33, $3  }
0x2e6: {  	_ =	sdelay $0x1  }
0x2e7: {  	_ =	swait.ge [sflag:s22], $0xC00  }
0x2e8: {  	[sflag:s22] =	ssyncset.done $0x0  }
.Ltmp34:
0x2e9: {  	_ = 	snop;
	(pc) =	sbr.rel .LBB2_44-.Ltmp34, $1  }
0x2ea: {  	_ =	sdelay $0x3  }
.LBB2_46:
0x2eb: {  	_ =	sfence.sel $0x180000  }
0x2ec: {  	[bflag:$0x0] =	sbarrier.arrive $0xFFFF  }
0x2ed: {  	_ =	strace $0x90000047  }
0x2ee: {  	[bflag:$0x2] =	sbarrier.arrive $0xFFFF  }
0x2ef: {  	s0 =	rddreg [dreg:$0x5]  }
0x2f0: {  	s0 =	sadd.s32 @!p0 $0x100000, s0  }
0x2f1: {  	[sflag:s0] =	ssyncadd.tile.s32 @!p0 $0x1;
	_ =	shalt  }
.Lfunc_end2:
_tile_overlayer_lowered:
.L_overlay_start_2:
0x2f2: {  	(tag) =	ssettag $0x2  }
0x2f3: {  	s0 =	rddreg [dreg:$0x0];
	s2 =	stileid.u32  }
0x2f4: {  	s1 =	rddreg [dreg:$0x1];
	p0 =	sne.s32 s2, $0x0  }
0x2f5: {  	s3 =	rddreg [dreg:$0x2];
	[bflag:$0x3] =	sbarrier.arrive $0xFFFF;
	s2 =	simm.s32 @!p0 $0x1C08  }
0x2f6: {  	[timem:s3], [sflag:s2] =	dma.local @!p0 [hbm:s0], s1  }
0x2f7: {  	s0 =	simm.s32 @!p0 $0x8  }
0x2f8: {  	_ =	swait.ge @!p0 [sflag:s0], s1  }
0x2f9: {  	s1 =	ssub.s32 @!p0 $0x0, s1;
	[sflag:s0] =	ssyncset.done @!p0 $0x0  }
0x2fa: {  	[sflag:s0] =	ssyncadd.s32 @!p0 s1  }
0x2fb: {  	[bflag:$0x3] =	sbarrier.arrive $0xFFFF  }
0x2fc: {  	_ =	shalt  }

</sc_bundles>
